<compile_context>
chip_gen: v7x
topology: tpu7x:2x2x1
jax: 0.10.2.dev20260603
libtpu: 0.0.44.dev20260713+nightly
codegen_flags: <defaults>
</compile_context>

<pallas_src>
import functools

import jax
import jax.numpy as jnp
from jax import lax
from jax.experimental import pallas as pl
from jax.experimental.pallas import tpu as pltpu
from jax.experimental.pallas import tpu_sc as plsc

N = 10000
E = 320000
D_NODE = 128
H = 64
L = 16
NC = 2
NS = 16
NW = NC * NS
IB = 128
BPW = 79
EPW = BPW * IB
EP = NW * EPW
NP = 10240
RPS = NP // NS
RZ = 128
NCHUNK = RPS // RZ

_f32 = jnp.float32


def _mesh():
    return plsc.VectorSubcoreMesh(core_axis_name="c", subcore_axis_name="s")


_SC_PARAMS = pltpu.CompilerParams(use_tc_tiling_on_sc=False)


def _fill_rows(ref, nrows, ncols, val):
    @pl.loop(0, nrows)
    def _(r):
        @pl.loop(0, ncols // L)
        def _(c):
            ref[pl.ds(r, 1), pl.ds(c * L, L)] = jnp.full((1, L), val, ref.dtype)


def _sc_degree(dst3):

    @functools.partial(
        pl.kernel,
        out_type=jax.ShapeDtypeStruct((NC, NP, L), _f32),
        mesh=_mesh(),
        compiler_params=_SC_PARAMS,
        scratch_types=[
            pltpu.VMEM((BPW, IB), jnp.int32),
            pltpu.VMEM((IB, L), _f32),
            pltpu.VMEM((RPS, L), _f32),
            pltpu.VMEM_SHARED((NP, L), _f32),
        ],
    )
    def k(dst_hbm, out_hbm, idx_v, ones_v, z_v, acc_sh):
        cid = lax.axis_index("c")
        sid = lax.axis_index("s")
        wid = sid * NC + cid
        _fill_rows(ones_v, IB, L, 1.0)
        _fill_rows(z_v, RPS, L, 0.0)
        pltpu.sync_copy(z_v, acc_sh.at[pl.ds(sid * RPS, RPS)])
        plsc.subcore_barrier()
        pltpu.sync_copy(dst_hbm.at[wid], idx_v)

        @pl.loop(0, BPW)
        def _(j):
            pltpu.sync_copy(ones_v, acc_sh.at[idx_v.at[j]], add=True)

        plsc.subcore_barrier()
        pltpu.sync_copy(
            acc_sh.at[pl.ds(sid * RPS, RPS)],
            out_hbm.at[cid, pl.ds(sid * RPS, RPS)],
        )

    return k(dst3)


def _sc_segsum(table, src3, dst3):

    @functools.partial(
        pl.kernel,
        out_type=jax.ShapeDtypeStruct((NC, NP, H), _f32),
        mesh=_mesh(),
        compiler_params=_SC_PARAMS,
        scratch_types=[
            pltpu.VMEM((BPW, IB), jnp.int32),
            pltpu.VMEM((BPW, IB), jnp.int32),
            pltpu.VMEM((IB, H), _f32),
            pltpu.VMEM((IB, H), _f32),
            pltpu.VMEM((RZ, H), _f32),
            pltpu.VMEM_SHARED((NP, H), _f32),
            pltpu.SemaphoreType.DMA,
            pltpu.SemaphoreType.DMA,
        ],
    )
    def k(table_hbm, src_hbm, dst_hbm, out_hbm, sidx_v, didx_v, r0_v, r1_v,
          z_v, acc_sh, sem0, sem1):
        cid = lax.axis_index("c")
        sid = lax.axis_index("s")
        wid = sid * NC + cid
        _fill_rows(z_v, RZ, H, 0.0)

        @pl.loop(0, NCHUNK)
        def _(kk):
            pltpu.sync_copy(z_v, acc_sh.at[pl.ds(sid * RPS + kk * RZ, RZ)])

        plsc.subcore_barrier()
        pltpu.sync_copy(src_hbm.at[wid], sidx_v)
        pltpu.sync_copy(dst_hbm.at[wid], didx_v)

        def g_start(j, buf, sem):
            pltpu.make_async_copy(table_hbm.at[sidx_v.at[j]], buf, sem).start()

        def g_wait(j, buf, sem):
            pltpu.make_async_copy(table_hbm.at[sidx_v.at[j]], buf, sem).wait()

        g_start(0, r0_v, sem0)

        @pl.loop(0, (BPW - 1) // 2)
        def _(jj):
            j = 2 * jj
            g_start(j + 1, r1_v, sem1)
            g_wait(j, r0_v, sem0)
            pltpu.sync_copy(r0_v, acc_sh.at[didx_v.at[j]], add=True)
            g_start(j + 2, r0_v, sem0)
            g_wait(j + 1, r1_v, sem1)
            pltpu.sync_copy(r1_v, acc_sh.at[didx_v.at[j + 1]], add=True)

        g_wait(BPW - 1, r0_v, sem0)
        pltpu.sync_copy(r0_v, acc_sh.at[didx_v.at[BPW - 1]], add=True)
        plsc.subcore_barrier()

        @pl.loop(0, NCHUNK)
        def _(kk):
            r0 = sid * RPS + kk * RZ
            pltpu.sync_copy(acc_sh.at[pl.ds(r0, RZ)],
                            out_hbm.at[cid, pl.ds(r0, RZ)])

    return k(table, src3, dst3)


def _sc_edge_gather(a_tab, b_tab, src3, dst3):

    @functools.partial(
        pl.kernel,
        out_type=jax.ShapeDtypeStruct((EP, H), _f32),
        mesh=_mesh(),
        compiler_params=_SC_PARAMS,
        scratch_types=[
            pltpu.VMEM((BPW, IB), jnp.int32),
            pltpu.VMEM((BPW, IB), jnp.int32),
            pltpu.VMEM((IB, H), _f32),
            pltpu.VMEM((IB, H), _f32),
            pltpu.VMEM((IB, H), _f32),
            pltpu.VMEM((IB, H), _f32),
            pltpu.VMEM((IB,), jnp.int32),
            pltpu.VMEM_SHARED((NS * IB, H), _f32),
            pltpu.VMEM_SHARED((NS * IB, H), _f32),
            pltpu.SemaphoreType.DMA,
            pltpu.SemaphoreType.DMA,
            pltpu.SemaphoreType.DMA,
            pltpu.SemaphoreType.DMA,
            pltpu.SemaphoreType.DMA,
            pltpu.SemaphoreType.DMA,
        ],
    )
    def k(a_hbm, b_hbm, src_hbm, dst_hbm, out_hbm, sidx_v, didx_v,
          a0_v, a1_v, b0_v, b1_v, myidx_v, st0_sh, st1_sh,
          sa0, sa1, sb0, sb1, so0, so1):
        cid = lax.axis_index("c")
        sid = lax.axis_index("s")
        wid = sid * NC + cid

        @pl.loop(0, IB // L)
        def _(kk):
            myidx_v[pl.ds(kk * L, L)] = (lax.iota(jnp.int32, L) + kk * L
                                         + sid * IB)

        pltpu.sync_copy(src_hbm.at[wid], sidx_v)
        pltpu.sync_copy(dst_hbm.at[wid], didx_v)
        base = wid * EPW
        slab = pl.ds(sid * IB, IB)

        def ga_start(j, buf, sem):
            pltpu.make_async_copy(a_hbm.at[sidx_v.at[j]], buf, sem).start()

        def ga_wait(j, buf, sem):
            pltpu.make_async_copy(a_hbm.at[sidx_v.at[j]], buf, sem).wait()

        def gb_start(j, buf, sem):
            pltpu.make_async_copy(b_hbm.at[didx_v.at[j]], buf, sem).start()

        def gb_wait(j, buf, sem):
            pltpu.make_async_copy(b_hbm.at[didx_v.at[j]], buf, sem).wait()

        def o_start(j, st, sem):
            pltpu.make_async_copy(st.at[slab],
                                  out_hbm.at[pl.ds(base + j * IB, IB)],
                                  sem).start()

        def o_wait(j, st, sem):
            pltpu.make_async_copy(st.at[slab],
                                  out_hbm.at[pl.ds(base + j * IB, IB)],
                                  sem).wait()

        ga_start(0, a0_v, sa0)
        gb_start(0, b0_v, sb0)

        @pl.loop(0, (BPW - 1) // 2)
        def _(jj):
            j = 2 * jj
            ga_start(j + 1, a1_v, sa1)
            gb_start(j + 1, b1_v, sb1)
            ga_wait(j, a0_v, sa0)
            gb_wait(j, b0_v, sb0)

            @pl.when(jj > 0)
            def _():
                o_wait(j - 2, st0_sh, so0)

            pltpu.sync_copy(a0_v, st0_sh.at[slab])
            pltpu.sync_copy(b0_v, st0_sh.at[myidx_v], add=True)
            o_start(j, st0_sh, so0)

            ga_start(j + 2, a0_v, sa0)
            gb_start(j + 2, b0_v, sb0)
            ga_wait(j + 1, a1_v, sa1)
            gb_wait(j + 1, b1_v, sb1)

            @pl.when(jj > 0)
            def _():
                o_wait(j - 1, st1_sh, so1)

            pltpu.sync_copy(a1_v, st1_sh.at[slab])
            pltpu.sync_copy(b1_v, st1_sh.at[myidx_v], add=True)
            o_start(j + 1, st1_sh, so1)

        ga_wait(BPW - 1, a0_v, sa0)
        gb_wait(BPW - 1, b0_v, sb0)
        o_wait(BPW - 3, st0_sh, so0)
        pltpu.sync_copy(a0_v, st0_sh.at[slab])
        pltpu.sync_copy(b0_v, st0_sh.at[myidx_v], add=True)
        o_start(BPW - 1, st0_sh, so0)
        o_wait(BPW - 2, st1_sh, so1)
        o_wait(BPW - 1, st0_sh, so0)

    return k(a_tab, b_tab, src3, dst3)


def _tc_matmul(x, W1):
    def body(x_ref, w_ref, g_ref):
        g_ref[...] = jnp.dot(x_ref[...], w_ref[...],
                             preferred_element_type=_f32)

    return pl.pallas_call(
        body,
        out_shape=jax.ShapeDtypeStruct((N, H), _f32),
    )(x, W1)


def _tc_prescale(degp, g1):
    def body(degp_ref, g_ref, h1p_ref, dinv_ref):
        deg = 1.0 + degp_ref[0, 0:N, 0:1] + degp_ref[1, 0:N, 0:1]
        dinv = lax.rsqrt(deg)
        h1p_ref[0:N, :] = dinv * g_ref[...]
        h1p_ref[N:NP, :] = jnp.zeros((NP - N, H), _f32)
        dinv_ref[...] = dinv

    return pl.pallas_call(
        body,
        out_shape=[jax.ShapeDtypeStruct((NP, H), _f32),
                   jax.ShapeDtypeStruct((N, 1), _f32)],
    )(degp, g1)


def _tc_mid(p, h1p, dinv, W2, b1):
    def body(p_ref, h1p_ref, dinv_ref, w_ref, b_ref, h2p_ref):
        dv = dinv_ref[...]
        h1 = jnp.maximum(
            dv * (p_ref[0, 0:N, :] + p_ref[1, 0:N, :] + h1p_ref[0:N, :])
            + b_ref[...], 0.0)
        g2 = jnp.dot(h1, w_ref[...], preferred_element_type=_f32)
        h2p_ref[0:N, :] = dv * g2
        h2p_ref[N:NP, :] = jnp.zeros((NP - N, H), _f32)

    return pl.pallas_call(
        body,
        out_shape=jax.ShapeDtypeStruct((NP, H), _f32),
    )(p, h1p, dinv, W2, b1.reshape(1, H))


def _tc_post(q, h2p, dinv, b2, Wcs, Wcd):
    def body(q_ref, h2p_ref, dinv_ref, b_ref, ws_ref, wd_ref, as_ref, ad_ref):
        h2 = (dinv_ref[...]
              * (q_ref[0, 0:N, :] + q_ref[1, 0:N, :] + h2p_ref[0:N, :])
              + b_ref[...])
        as_ref[0:N, :] = jnp.dot(h2, ws_ref[...], preferred_element_type=_f32)
        as_ref[N:NP, :] = jnp.zeros((NP - N, H), _f32)
        ad_ref[0:N, :] = jnp.dot(h2, wd_ref[...], preferred_element_type=_f32)
        ad_ref[N:NP, :] = jnp.zeros((NP - N, H), _f32)

    return pl.pallas_call(
        body,
        out_shape=[jax.ShapeDtypeStruct((NP, H), _f32),
                   jax.ShapeDtypeStruct((NP, H), _f32)],
    )(q, h2p, dinv, b2.reshape(1, H), Wcs, Wcd)


_BE = 3200


def _tc_classifier(S, edge_attr, Wce, bc1, Wc2, bc2):
    def body(s_ref, ea_ref, wce_ref, b1_ref, w2_ref, b2_ref, out_ref):
        z = s_ref[...] + jnp.dot(ea_ref[...], wce_ref[...],
                                 preferred_element_type=_f32) + b1_ref[...]
        z = jnp.maximum(z, 0.0)
        out_ref[...] = jnp.dot(z, w2_ref[...],
                               preferred_element_type=_f32) + b2_ref[...]

    return pl.pallas_call(
        body,
        grid=(E // _BE,),
        in_specs=[
            pl.BlockSpec((_BE, H), lambda i: (i, 0)),
            pl.BlockSpec((_BE, 16), lambda i: (i, 0)),
            pl.BlockSpec((16, H), lambda i: (0, 0)),
            pl.BlockSpec((1, H), lambda i: (0, 0)),
            pl.BlockSpec((H, 8), lambda i: (0, 0)),
            pl.BlockSpec((1, 8), lambda i: (0, 0)),
        ],
        out_specs=pl.BlockSpec((_BE, 8), lambda i: (i, 0)),
        out_shape=jax.ShapeDtypeStruct((E, 8), _f32),
    )(S, edge_attr, Wce, bc1, Wc2, bc2)


def kernel(x, edge_index, edge_attr, W1, b1, W2, b2, Wc1, bc1, Wc2, bc2):
    pad = (N + jnp.arange(EP - E, dtype=jnp.int32) % (NP - N))
    src3 = jnp.concatenate([edge_index[0], pad]).reshape(NW, BPW, IB)
    dst3 = jnp.concatenate([edge_index[1], pad]).reshape(NW, BPW, IB)
    degp = _sc_degree(dst3)
    g1 = _tc_matmul(x, W1)
    h1p, dinv = _tc_prescale(degp, g1)
    p1 = _sc_segsum(h1p, src3, dst3)
    h2p = _tc_mid(p1, h1p, dinv, W2, b1)
    p2 = _sc_segsum(h2p, src3, dst3)
    As, Ad = _tc_post(p2, h2p, dinv, b2, Wc1[:H], Wc1[H:2 * H])
    S = _sc_edge_gather(As, Ad, src3, dst3)
    return _tc_classifier(S, edge_attr, Wc1[2 * H:], bc1.reshape(1, H), Wc2,
                          bc2.reshape(1, 8))

# --- scband reference (transcript-rebuilt; emitter-appended) ---
"""Pipeline reference for scband-edge-classifier-25220047962748 (READ-ONLY COPY).

The authoritative reference and input builder live on the scoring server;
editing this copy changes nothing except your own understanding.
"""

import jax, jax.numpy as jnp
import numpy as np

N = 10000
E = 320000
D_NODE = 128
D_EDGE = 16
HID = 64
NUM_CLASSES = 8


def setup_inputs(seed: int = 0) -> dict:
    key = jax.random.key(seed)
    ks = jax.random.split(key, 12)
    x = jax.random.normal(ks[0], (N, D_NODE), dtype=jnp.float32)
    edge_index = jax.random.randint(ks[1], (2, E), 0, N, dtype=jnp.int32)
    edge_attr = jax.random.normal(ks[2], (E, D_EDGE), dtype=jnp.float32)
    # GCNConv 1: in=D_NODE, out=HID
    W1 = jax.random.normal(ks[3], (D_NODE, HID), dtype=jnp.float32) * (1.0 / np.sqrt(D_NODE))
    b1 = jnp.zeros((HID,), dtype=jnp.float32)
    # GCNConv 2: in=HID, out=HID
    W2 = jax.random.normal(ks[4], (HID, HID), dtype=jnp.float32) * (1.0 / np.sqrt(HID))
    b2 = jnp.zeros((HID,), dtype=jnp.float32)
    # classifier: Linear(HID*2 + D_EDGE, 64) -> ReLU -> Linear(64, NUM_CLASSES)
    Wc1 = jax.random.normal(ks[5], (HID * 2 + D_EDGE, 64), dtype=jnp.float32) * (1.0 / np.sqrt(HID * 2 + D_EDGE))
    bc1 = jnp.zeros((64,), dtype=jnp.float32)
    Wc2 = jax.random.normal(ks[6], (64, NUM_CLASSES), dtype=jnp.float32) * (1.0 / np.sqrt(64))
    bc2 = jnp.zeros((NUM_CLASSES,), dtype=jnp.float32)
    return {"x": x, "edge_index": edge_index, "edge_attr": edge_attr,
            "W1": W1, "b1": b1, "W2": W2, "b2": b2,
            "Wc1": Wc1, "bc1": bc1, "Wc2": Wc2, "bc2": bc2}


def gcn_conv(x, edge_index, W, b):
    # PyG GCNConv: add self-loops, symmetric normalization D^{-1/2} A D^{-1/2}
    n = x.shape[0]
    src = edge_index[0]
    dst = edge_index[1]
    loop = jnp.arange(n, dtype=src.dtype)
    src_full = jnp.concatenate([src, loop])
    dst_full = jnp.concatenate([dst, loop])
    deg = jnp.zeros((n,), dtype=x.dtype).at[dst_full].add(1.0)
    dinv = jnp.where(deg > 0, 1.0 / jnp.sqrt(deg), 0.0)
    norm = dinv[src_full] * dinv[dst_full]
    h = x @ W
    msg = h[src_full] * norm[:, None]
    out = jnp.zeros((n, h.shape[1]), dtype=h.dtype).at[dst_full].add(msg)
    return out + b


def reference(x, edge_index, edge_attr, W1, b1, W2, b2, Wc1, bc1, Wc2, bc2):
    h = gcn_conv(x, edge_index, W1, b1)
    h = jax.nn.relu(h)
    h = gcn_conv(h, edge_index, W2, b2)
    src = edge_index[0]
    dst = edge_index[1]
    edge_features = jnp.concatenate([h[src], h[dst], edge_attr], axis=1)
    z = jax.nn.relu(edge_features @ Wc1 + bc1)
    out = z @ Wc2 + bc2
    return out

if __name__ == "__main__":
    import jax
    _d = setup_inputs()
    print(jax.jit(kernel)(*tuple(_d.values())))

</pallas_src>

<mosaic_0001>
#map = affine_map<(d0, d1) -> (0, 0, 0)>
module attributes {stable_mosaic.version = 14 : i64} {
  func.func @k(%arg0: i32, %arg1: i32, %arg2: memref<32x79x128xi32, #tpu.memory_space<hbm>>, %arg3: memref<2x10240x16xf32, #tpu.memory_space<hbm>>, %arg4: memref<79x128xi32, #tpu.memory_space<vmem>>, %arg5: memref<128x16xf32, #tpu.memory_space<vmem>>, %arg6: memref<640x16xf32, #tpu.memory_space<vmem>>, %arg7: memref<10240x16xf32, #tpu.memory_space<vmem_shared>>) attributes {dimension_semantics = [#tpu.dimension_semantics<core_parallel>, #tpu.dimension_semantics<subcore_parallel>], iteration_bounds = array<i64: 2, 16>, scalar_prefetch = 0 : i64, scratch_operands = 4 : i64, tpu.core_type = #tpu.core_type<sc_vector_subcore>, window_params = [{transform_indices = #map}, {transform_indices = #map}]} {
    %mul3A = arith.constant 2 : i32
    %mul3A_0 = arith.muli %arg1, %mul3A : i32
    %add3A = arith.addi %mul3A_0, %arg0 : i32
    %scan3A = arith.constant 0 : i32
    %scan3A_1 = arith.constant 128 : i32
    %scan3A_2 = arith.addi %scan3A, %scan3A_1 : i32
    %scan3A_3 = arith.constant 1 : i32
    scf.for %scan3A_22 = %scan3A to %scan3A_2 step %scan3A_3  : i32 {
      %mul3A_23 = arith.constant 1 : i32
      %mul3A_24 = arith.muli %scan3A_22, %mul3A_23 : i32
      %add3A_25 = arith.constant 0 : i32
      %add3A_26 = arith.addi %add3A_25, %mul3A_24 : i32
      %scan3A_27 = arith.constant 0 : i32
      %mul3A_28 = arith.constant 1 : i32
      %mul3A_29 = arith.muli %scan3A_27, %mul3A_28 : i32
      %add3A_30 = arith.constant 0 : i32
      %add3A_31 = arith.addi %add3A_30, %mul3A_29 : i32
      %broadcast_in_dim3A = arith.constant 1.000000e+00 : f32
      %broadcast_in_dim3A_32 = vector.broadcast %broadcast_in_dim3A : f32 to vector<1x16xf32>
      %mul3A_33 = arith.constant 16 : i32
      %mul3A_34 = arith.muli %add3A_31, %mul3A_33 : i32
      %swap3A = arith.index_cast %add3A_26 : i32 to index
      %swap3A_35 = arith.index_cast %mul3A_34 : i32 to index
      %swap3A_36 = tpu.vector_load %arg5[%swap3A, %swap3A_35] {strides = array<i32>} : memref<128x16xf32, #tpu.memory_space<vmem>>, vector<1x16xf32>,
      %swap3A_37 = vector.shape_cast %swap3A_36 : vector<1x16xf32> to vector<1x16xf32>
      %swap3A_38 = vector.shape_cast %broadcast_in_dim3A_32 : vector<1x16xf32> to vector<1x16xf32>
      tpu.vector_store %arg5[%swap3A, %swap3A_35], %swap3A_38 {strides = array<i32>} : memref<128x16xf32, #tpu.memory_space<vmem>>, vector<1x16xf32>,
      %scan3A_39 = arith.constant 1 : i32
    }
    %scan3A_4 = arith.constant 128 : i32
    %scan3A_5 = arith.constant 0 : i32
    %scan3A_6 = arith.constant 640 : i32
    %scan3A_7 = arith.addi %scan3A_5, %scan3A_6 : i32
    %scan3A_8 = arith.constant 1 : i32
    scf.for %scan3A_22 = %scan3A_5 to %scan3A_7 step %scan3A_8  : i32 {
      %mul3A_23 = arith.constant 1 : i32
      %mul3A_24 = arith.muli %scan3A_22, %mul3A_23 : i32
      %add3A_25 = arith.constant 0 : i32
      %add3A_26 = arith.addi %add3A_25, %mul3A_24 : i32
      %scan3A_27 = arith.constant 0 : i32
      %mul3A_28 = arith.constant 1 : i32
      %mul3A_29 = arith.muli %scan3A_27, %mul3A_28 : i32
      %add3A_30 = arith.constant 0 : i32
      %add3A_31 = arith.addi %add3A_30, %mul3A_29 : i32
      %broadcast_in_dim3A = arith.constant 0.000000e+00 : f32
      %broadcast_in_dim3A_32 = vector.broadcast %broadcast_in_dim3A : f32 to vector<1x16xf32>
      %mul3A_33 = arith.constant 16 : i32
      %mul3A_34 = arith.muli %add3A_31, %mul3A_33 : i32
      %swap3A = arith.index_cast %add3A_26 : i32 to index
      %swap3A_35 = arith.index_cast %mul3A_34 : i32 to index
      %swap3A_36 = tpu.vector_load %arg6[%swap3A, %swap3A_35] {strides = array<i32>} : memref<640x16xf32, #tpu.memory_space<vmem>>, vector<1x16xf32>,
      %swap3A_37 = vector.shape_cast %swap3A_36 : vector<1x16xf32> to vector<1x16xf32>
      %swap3A_38 = vector.shape_cast %broadcast_in_dim3A_32 : vector<1x16xf32> to vector<1x16xf32>
      tpu.vector_store %arg6[%swap3A, %swap3A_35], %swap3A_38 {strides = array<i32>} : memref<640x16xf32, #tpu.memory_space<vmem>>, vector<1x16xf32>,
      %scan3A_39 = arith.constant 1 : i32
    }
    %scan3A_9 = arith.constant 640 : i32
    %mul3A_10 = arith.constant 640 : i32
    %mul3A_11 = arith.muli %arg1, %mul3A_10 : i32
    "tpu.region"() ({
      %run_scoped3A = tpu.sem_alloc : memref<!tpu.dma_semaphore, #tpu.memory_space<semaphore_mem>>
      %dma_start3A = arith.constant 0 : i32
      %dma_start3A_22 = tpu.memref_slice %arg7[%mul3A_11, %dma_start3A] : memref<10240x16xf32, #tpu.memory_space<vmem_shared>> -> memref<640x16xf32, #tpu.memory_space<vmem_shared>>
      %dma_start3A_23 = arith.constant 0 : i32
      %dma_start3A_24 = tpu.memref_slice %arg7[%mul3A_11, %dma_start3A_23] : memref<10240x16xf32, #tpu.memory_space<vmem_shared>> -> memref<640x16xf32, #tpu.memory_space<vmem_shared>>
      tpu.enqueue_dma source(%arg6 : memref<640x16xf32, #tpu.memory_space<vmem>>) target(%dma_start3A_24 : memref<640x16xf32, #tpu.memory_space<vmem_shared>>) target_semaphore(%run_scoped3A : memref<!tpu.dma_semaphore, #tpu.memory_space<semaphore_mem>>)
      %dma_wait3A = arith.constant 0 : i32
      %dma_wait3A_25 = tpu.memref_slice %arg7[%mul3A_11, %dma_wait3A] : memref<10240x16xf32, #tpu.memory_space<vmem_shared>> -> memref<640x16xf32, #tpu.memory_space<vmem_shared>>
      %dma_wait3A_26 = arith.constant 0 : i32
      %dma_wait3A_27 = tpu.memref_slice %arg7[%mul3A_11, %dma_wait3A_26] : memref<10240x16xf32, #tpu.memory_space<vmem_shared>> -> memref<640x16xf32, #tpu.memory_space<vmem_shared>>
      tpu.wait_dma2 semaphore(%run_scoped3A : memref<!tpu.dma_semaphore, #tpu.memory_space<semaphore_mem>>) src(%arg6 : memref<640x16xf32, #tpu.memory_space<vmem>>) dst(%dma_wait3A_27 : memref<640x16xf32, #tpu.memory_space<vmem_shared>>)
      tpu.yield
    }) : () -> ()
    %barrier3A = arith.constant 0 : index
    tpu.barrier barrier_id(%barrier3A)
    "tpu.region"() ({
      %run_scoped3A = tpu.sem_alloc : memref<!tpu.dma_semaphore, #tpu.memory_space<semaphore_mem>>
      %dma_start3A = arith.constant 0 : i32
      %dma_start3A_22 = arith.constant 0 : i32
      %dma_start3A_23 = tpu.memref_slice %arg2[%add3A, %dma_start3A, %dma_start3A_22] : memref<32x79x128xi32, #tpu.memory_space<hbm>> -> memref<1x79x128xi32, #tpu.memory_space<hbm>>
      %dma_start3A_24 = tpu.memref_squeeze %dma_start3A_23 : memref<1x79x128xi32, #tpu.memory_space<hbm>> -> memref<79x128xi32, #tpu.memory_space<hbm>>
      %dma_start3A_25 = arith.constant 0 : i32
      %dma_start3A_26 = arith.constant 0 : i32
      %dma_start3A_27 = tpu.memref_slice %arg2[%add3A, %dma_start3A_25, %dma_start3A_26] : memref<32x79x128xi32, #tpu.memory_space<hbm>> -> memref<1x79x128xi32, #tpu.memory_space<hbm>>
      %dma_start3A_28 = tpu.memref_squeeze %dma_start3A_27 : memref<1x79x128xi32, #tpu.memory_space<hbm>> -> memref<79x128xi32, #tpu.memory_space<hbm>>
      tpu.enqueue_dma source(%dma_start3A_28 : memref<79x128xi32, #tpu.memory_space<hbm>>) target(%arg4 : memref<79x128xi32, #tpu.memory_space<vmem>>) target_semaphore(%run_scoped3A : memref<!tpu.dma_semaphore, #tpu.memory_space<semaphore_mem>>)
      %dma_wait3A = arith.constant 0 : i32
      %dma_wait3A_29 = arith.constant 0 : i32
      %dma_wait3A_30 = tpu.memref_slice %arg2[%add3A, %dma_wait3A, %dma_wait3A_29] : memref<32x79x128xi32, #tpu.memory_space<hbm>> -> memref<1x79x128xi32, #tpu.memory_space<hbm>>
      %dma_wait3A_31 = tpu.memref_squeeze %dma_wait3A_30 : memref<1x79x128xi32, #tpu.memory_space<hbm>> -> memref<79x128xi32, #tpu.memory_space<hbm>>
      %dma_wait3A_32 = arith.constant 0 : i32
      %dma_wait3A_33 = arith.constant 0 : i32
      %dma_wait3A_34 = tpu.memref_slice %arg2[%add3A, %dma_wait3A_32, %dma_wait3A_33] : memref<32x79x128xi32, #tpu.memory_space<hbm>> -> memref<1x79x128xi32, #tpu.memory_space<hbm>>
      %dma_wait3A_35 = tpu.memref_squeeze %dma_wait3A_34 : memref<1x79x128xi32, #tpu.memory_space<hbm>> -> memref<79x128xi32, #tpu.memory_space<hbm>>
      tpu.wait_dma2 semaphore(%run_scoped3A : memref<!tpu.dma_semaphore, #tpu.memory_space<semaphore_mem>>) src(%dma_wait3A_35 : memref<79x128xi32, #tpu.memory_space<hbm>>) dst(%arg4 : memref<79x128xi32, #tpu.memory_space<vmem>>)
      tpu.yield
    }) : () -> ()
    %scan3A_12 = arith.constant 0 : i32
    %scan3A_13 = arith.constant 79 : i32
    %scan3A_14 = arith.addi %scan3A_12, %scan3A_13 : i32
    %scan3A_15 = arith.constant 1 : i32
    scf.for %scan3A_22 = %scan3A_12 to %scan3A_14 step %scan3A_15  : i32 {
      %mul3A_23 = arith.constant 1 : i32
      %mul3A_24 = arith.muli %scan3A_22, %mul3A_23 : i32
      %add3A_25 = arith.constant 0 : i32
      %add3A_26 = arith.addi %add3A_25, %mul3A_24 : i32
      "tpu.region"() ({
        %run_scoped3A = tpu.sem_alloc : memref<!tpu.dma_semaphore, #tpu.memory_space<semaphore_mem>>
        %dma_start3A = arith.constant 0 : i32
        %dma_start3A_27 = tpu.memref_slice %arg4[%add3A_26, %dma_start3A] : memref<79x128xi32, #tpu.memory_space<vmem>> -> memref<1x128xi32, #tpu.memory_space<vmem>>
        %dma_start3A_28 = tpu.memref_squeeze %dma_start3A_27 : memref<1x128xi32, #tpu.memory_space<vmem>> -> memref<128xi32, #tpu.memory_space<vmem>>
        %dma_start3A_29 = arith.constant 0 : i32
        %dma_start3A_30 = arith.constant 0 : i32
        %dma_start3A_31 = tpu.memref_slice %arg7[%dma_start3A_29, %dma_start3A_30] : memref<10240x16xf32, #tpu.memory_space<vmem_shared>> -> memref<10240x16xf32, #tpu.memory_space<vmem_shared>>
        tpu.enqueue_indirect_dma source(%arg5 : memref<128x16xf32, #tpu.memory_space<vmem>>) target(%dma_start3A_31 : memref<10240x16xf32, #tpu.memory_space<vmem_shared>>) offsets(%dma_start3A_28 : memref<128xi32, #tpu.memory_space<vmem>>) semaphore(%run_scoped3A : memref<!tpu.dma_semaphore, #tpu.memory_space<semaphore_mem>>) {add = true}
        %dma_wait3A = arith.constant 0 : i32
        %dma_wait3A_32 = tpu.memref_slice %arg4[%add3A_26, %dma_wait3A] : memref<79x128xi32, #tpu.memory_space<vmem>> -> memref<1x128xi32, #tpu.memory_space<vmem>>
        %dma_wait3A_33 = tpu.memref_squeeze %dma_wait3A_32 : memref<1x128xi32, #tpu.memory_space<vmem>> -> memref<128xi32, #tpu.memory_space<vmem>>
        %dma_wait3A_34 = arith.constant 0 : i32
        %dma_wait3A_35 = arith.constant 0 : i32
        %dma_wait3A_36 = tpu.memref_slice %arg7[%dma_wait3A_34, %dma_wait3A_35] : memref<10240x16xf32, #tpu.memory_space<vmem_shared>> -> memref<10240x16xf32, #tpu.memory_space<vmem_shared>>
        tpu.wait_indirect_dma semaphore(%run_scoped3A : memref<!tpu.dma_semaphore, #tpu.memory_space<semaphore_mem>>) src(%arg5 : memref<128x16xf32, #tpu.memory_space<vmem>>) dst(%dma_wait3A_36 : memref<10240x16xf32, #tpu.memory_space<vmem_shared>>)
        tpu.yield
      }) : () -> ()
    }
    %scan3A_16 = arith.constant 79 : i32
    %barrier3A_17 = arith.constant 0 : index
    tpu.barrier barrier_id(%barrier3A_17)
    %mul3A_18 = arith.constant 640 : i32
    %mul3A_19 = arith.muli %arg1, %mul3A_18 : i32
    %mul3A_20 = arith.constant 640 : i32
    %mul3A_21 = arith.muli %arg1, %mul3A_20 : i32
    "tpu.region"() ({
      %run_scoped3A = tpu.sem_alloc : memref<!tpu.dma_semaphore, #tpu.memory_space<semaphore_mem>>
      %dma_start3A = arith.constant 0 : i32
      %dma_start3A_22 = tpu.memref_slice %arg3[%arg0, %mul3A_21, %dma_start3A] : memref<2x10240x16xf32, #tpu.memory_space<hbm>> -> memref<1x640x16xf32, #tpu.memory_space<hbm>>
      %dma_start3A_23 = tpu.memref_squeeze %dma_start3A_22 : memref<1x640x16xf32, #tpu.memory_space<hbm>> -> memref<640x16xf32, #tpu.memory_space<hbm>>
      %dma_start3A_24 = arith.constant 0 : i32
      %dma_start3A_25 = tpu.memref_slice %arg7[%mul3A_19, %dma_start3A_24] : memref<10240x16xf32, #tpu.memory_space<vmem_shared>> -> memref<640x16xf32, #tpu.memory_space<vmem_shared>>
      tpu.enqueue_dma source(%dma_start3A_25 : memref<640x16xf32, #tpu.memory_space<vmem_shared>>) target(%dma_start3A_23 : memref<640x16xf32, #tpu.memory_space<hbm>>) target_semaphore(%run_scoped3A : memref<!tpu.dma_semaphore, #tpu.memory_space<semaphore_mem>>)
      %dma_wait3A = arith.constant 0 : i32
      %dma_wait3A_26 = tpu.memref_slice %arg3[%arg0, %mul3A_21, %dma_wait3A] : memref<2x10240x16xf32, #tpu.memory_space<hbm>> -> memref<1x640x16xf32, #tpu.memory_space<hbm>>
      %dma_wait3A_27 = tpu.memref_squeeze %dma_wait3A_26 : memref<1x640x16xf32, #tpu.memory_space<hbm>> -> memref<640x16xf32, #tpu.memory_space<hbm>>
      %dma_wait3A_28 = arith.constant 0 : i32
      %dma_wait3A_29 = tpu.memref_slice %arg7[%mul3A_19, %dma_wait3A_28] : memref<10240x16xf32, #tpu.memory_space<vmem_shared>> -> memref<640x16xf32, #tpu.memory_space<vmem_shared>>
      tpu.wait_dma2 semaphore(%run_scoped3A : memref<!tpu.dma_semaphore, #tpu.memory_space<semaphore_mem>>) src(%dma_wait3A_29 : memref<640x16xf32, #tpu.memory_space<vmem_shared>>) dst(%dma_wait3A_27 : memref<640x16xf32, #tpu.memory_space<hbm>>)
      tpu.yield
    }) : () -> ()
    return
  }
}

#map = affine_map<(d0, d1) -> (0, 0)>
#map1 = affine_map<(d0, d1) -> (0, 0, 0)>
module attributes {stable_mosaic.version = 14 : i64} {
  func.func @k(%arg0: i32, %arg1: i32, %arg2: memref<10240x64xf32, #tpu.memory_space<hbm>>, %arg3: memref<32x79x128xi32, #tpu.memory_space<hbm>>, %arg4: memref<32x79x128xi32, #tpu.memory_space<hbm>>, %arg5: memref<2x10240x64xf32, #tpu.memory_space<hbm>>, %arg6: memref<79x128xi32, #tpu.memory_space<vmem>>, %arg7: memref<79x128xi32, #tpu.memory_space<vmem>>, %arg8: memref<128x64xf32, #tpu.memory_space<vmem>>, %arg9: memref<128x64xf32, #tpu.memory_space<vmem>>, %arg10: memref<128x64xf32, #tpu.memory_space<vmem>>, %arg11: memref<10240x64xf32, #tpu.memory_space<vmem_shared>>, %arg12: memref<!tpu.dma_semaphore, #tpu.memory_space<semaphore_mem>>, %arg13: memref<!tpu.dma_semaphore, #tpu.memory_space<semaphore_mem>>) attributes {dimension_semantics = [#tpu.dimension_semantics<core_parallel>, #tpu.dimension_semantics<subcore_parallel>], iteration_bounds = array<i64: 2, 16>, scalar_prefetch = 0 : i64, scratch_operands = 8 : i64, tpu.core_type = #tpu.core_type<sc_vector_subcore>, window_params = [{transform_indices = #map}, {transform_indices = #map1}, {transform_indices = #map1}, {transform_indices = #map1}]} {
    %mul3A = arith.constant 2 : i32
    %mul3A_0 = arith.muli %arg1, %mul3A : i32
    %add3A = arith.addi %mul3A_0, %arg0 : i32
    %scan3A = arith.constant 0 : i32
    %scan3A_1 = arith.constant 128 : i32
    %scan3A_2 = arith.addi %scan3A, %scan3A_1 : i32
    %scan3A_3 = arith.constant 1 : i32
    scf.for %scan3A_33 = %scan3A to %scan3A_2 step %scan3A_3  : i32 {
      %mul3A_34 = arith.constant 1 : i32
      %mul3A_35 = arith.muli %scan3A_33, %mul3A_34 : i32
      %add3A_36 = arith.constant 0 : i32
      %add3A_37 = arith.addi %add3A_36, %mul3A_35 : i32
      %scan3A_38 = arith.constant 0 : i32
      %scan3A_39 = arith.constant 4 : i32
      %scan3A_40 = arith.addi %scan3A_38, %scan3A_39 : i32
      %scan3A_41 = arith.constant 1 : i32
      scf.for %scan3A_43 = %scan3A_38 to %scan3A_40 step %scan3A_41  : i32 {
        %mul3A_44 = arith.constant 1 : i32
        %mul3A_45 = arith.muli %scan3A_43, %mul3A_44 : i32
        %add3A_46 = arith.constant 0 : i32
        %add3A_47 = arith.addi %add3A_46, %mul3A_45 : i32
        %broadcast_in_dim3A = arith.constant 0.000000e+00 : f32
        %broadcast_in_dim3A_48 = vector.broadcast %broadcast_in_dim3A : f32 to vector<1x16xf32>
        %mul3A_49 = arith.constant 16 : i32
        %mul3A_50 = arith.muli %add3A_47, %mul3A_49 : i32
        %swap3A = arith.index_cast %add3A_37 : i32 to index
        %swap3A_51 = arith.index_cast %mul3A_50 : i32 to index
        %swap3A_52 = tpu.vector_load %arg10[%swap3A, %swap3A_51] {strides = array<i32>} : memref<128x64xf32, #tpu.memory_space<vmem>>, vector<1x16xf32>,
        %swap3A_53 = vector.shape_cast %swap3A_52 : vector<1x16xf32> to vector<1x16xf32>
        %swap3A_54 = vector.shape_cast %broadcast_in_dim3A_48 : vector<1x16xf32> to vector<1x16xf32>
        tpu.vector_store %arg10[%swap3A, %swap3A_51], %swap3A_54 {strides = array<i32>} : memref<128x64xf32, #tpu.memory_space<vmem>>, vector<1x16xf32>,
      }
      %scan3A_42 = arith.constant 4 : i32
    }
    %scan3A_4 = arith.constant 128 : i32
    %scan3A_5 = arith.constant 0 : i32
    %scan3A_6 = arith.constant 5 : i32
    %scan3A_7 = arith.addi %scan3A_5, %scan3A_6 : i32
    %scan3A_8 = arith.constant 1 : i32
    scf.for %scan3A_33 = %scan3A_5 to %scan3A_7 step %scan3A_8  : i32 {
      %mul3A_34 = arith.constant 1 : i32
      %mul3A_35 = arith.muli %scan3A_33, %mul3A_34 : i32
      %add3A_36 = arith.constant 0 : i32
      %add3A_37 = arith.addi %add3A_36, %mul3A_35 : i32
      %mul3A_38 = arith.constant 640 : i32
      %mul3A_39 = arith.muli %arg1, %mul3A_38 : i32
      %mul3A_40 = arith.constant 128 : i32
      %mul3A_41 = arith.muli %add3A_37, %mul3A_40 : i32
      %add3A_42 = arith.addi %mul3A_39, %mul3A_41 : i32
      "tpu.region"() ({
        %run_scoped3A_43 = tpu.sem_alloc : memref<!tpu.dma_semaphore, #tpu.memory_space<semaphore_mem>>
        %dma_start3A_44 = arith.constant 0 : i32
        %dma_start3A_45 = tpu.memref_slice %arg11[%add3A_42, %dma_start3A_44] : memref<10240x64xf32, #tpu.memory_space<vmem_shared>> -> memref<128x64xf32, #tpu.memory_space<vmem_shared>>
        %dma_start3A_46 = arith.constant 0 : i32
        %dma_start3A_47 = tpu.memref_slice %arg11[%add3A_42, %dma_start3A_46] : memref<10240x64xf32, #tpu.memory_space<vmem_shared>> -> memref<128x64xf32, #tpu.memory_space<vmem_shared>>
        tpu.enqueue_dma source(%arg10 : memref<128x64xf32, #tpu.memory_space<vmem>>) target(%dma_start3A_47 : memref<128x64xf32, #tpu.memory_space<vmem_shared>>) target_semaphore(%run_scoped3A_43 : memref<!tpu.dma_semaphore, #tpu.memory_space<semaphore_mem>>)
        %dma_wait3A_48 = arith.constant 0 : i32
        %dma_wait3A_49 = tpu.memref_slice %arg11[%add3A_42, %dma_wait3A_48] : memref<10240x64xf32, #tpu.memory_space<vmem_shared>> -> memref<128x64xf32, #tpu.memory_space<vmem_shared>>
        %dma_wait3A_50 = arith.constant 0 : i32
        %dma_wait3A_51 = tpu.memref_slice %arg11[%add3A_42, %dma_wait3A_50] : memref<10240x64xf32, #tpu.memory_space<vmem_shared>> -> memref<128x64xf32, #tpu.memory_space<vmem_shared>>
        tpu.wait_dma2 semaphore(%run_scoped3A_43 : memref<!tpu.dma_semaphore, #tpu.memory_space<semaphore_mem>>) src(%arg10 : memref<128x64xf32, #tpu.memory_space<vmem>>) dst(%dma_wait3A_51 : memref<128x64xf32, #tpu.memory_space<vmem_shared>>)
        tpu.yield
      }) : () -> ()
    }
    %scan3A_9 = arith.constant 5 : i32
    %barrier3A = arith.constant 0 : index
    tpu.barrier barrier_id(%barrier3A)
    "tpu.region"() ({
      %run_scoped3A_33 = tpu.sem_alloc : memref<!tpu.dma_semaphore, #tpu.memory_space<semaphore_mem>>
      %dma_start3A_34 = arith.constant 0 : i32
      %dma_start3A_35 = arith.constant 0 : i32
      %dma_start3A_36 = tpu.memref_slice %arg3[%add3A, %dma_start3A_34, %dma_start3A_35] : memref<32x79x128xi32, #tpu.memory_space<hbm>> -> memref<1x79x128xi32, #tpu.memory_space<hbm>>
      %dma_start3A_37 = tpu.memref_squeeze %dma_start3A_36 : memref<1x79x128xi32, #tpu.memory_space<hbm>> -> memref<79x128xi32, #tpu.memory_space<hbm>>
      %dma_start3A_38 = arith.constant 0 : i32
      %dma_start3A_39 = arith.constant 0 : i32
      %dma_start3A_40 = tpu.memref_slice %arg3[%add3A, %dma_start3A_38, %dma_start3A_39] : memref<32x79x128xi32, #tpu.memory_space<hbm>> -> memref<1x79x128xi32, #tpu.memory_space<hbm>>
      %dma_start3A_41 = tpu.memref_squeeze %dma_start3A_40 : memref<1x79x128xi32, #tpu.memory_space<hbm>> -> memref<79x128xi32, #tpu.memory_space<hbm>>
      tpu.enqueue_dma source(%dma_start3A_41 : memref<79x128xi32, #tpu.memory_space<hbm>>) target(%arg6 : memref<79x128xi32, #tpu.memory_space<vmem>>) target_semaphore(%run_scoped3A_33 : memref<!tpu.dma_semaphore, #tpu.memory_space<semaphore_mem>>)
      %dma_wait3A_42 = arith.constant 0 : i32
      %dma_wait3A_43 = arith.constant 0 : i32
      %dma_wait3A_44 = tpu.memref_slice %arg3[%add3A, %dma_wait3A_42, %dma_wait3A_43] : memref<32x79x128xi32, #tpu.memory_space<hbm>> -> memref<1x79x128xi32, #tpu.memory_space<hbm>>
      %dma_wait3A_45 = tpu.memref_squeeze %dma_wait3A_44 : memref<1x79x128xi32, #tpu.memory_space<hbm>> -> memref<79x128xi32, #tpu.memory_space<hbm>>
      %dma_wait3A_46 = arith.constant 0 : i32
      %dma_wait3A_47 = arith.constant 0 : i32
      %dma_wait3A_48 = tpu.memref_slice %arg3[%add3A, %dma_wait3A_46, %dma_wait3A_47] : memref<32x79x128xi32, #tpu.memory_space<hbm>> -> memref<1x79x128xi32, #tpu.memory_space<hbm>>
      %dma_wait3A_49 = tpu.memref_squeeze %dma_wait3A_48 : memref<1x79x128xi32, #tpu.memory_space<hbm>> -> memref<79x128xi32, #tpu.memory_space<hbm>>
      tpu.wait_dma2 semaphore(%run_scoped3A_33 : memref<!tpu.dma_semaphore, #tpu.memory_space<semaphore_mem>>) src(%dma_wait3A_49 : memref<79x128xi32, #tpu.memory_space<hbm>>) dst(%arg6 : memref<79x128xi32, #tpu.memory_space<vmem>>)
      tpu.yield
    }) : () -> ()
    "tpu.region"() ({
      %run_scoped3A_33 = tpu.sem_alloc : memref<!tpu.dma_semaphore, #tpu.memory_space<semaphore_mem>>
      %dma_start3A_34 = arith.constant 0 : i32
      %dma_start3A_35 = arith.constant 0 : i32
      %dma_start3A_36 = tpu.memref_slice %arg4[%add3A, %dma_start3A_34, %dma_start3A_35] : memref<32x79x128xi32, #tpu.memory_space<hbm>> -> memref<1x79x128xi32, #tpu.memory_space<hbm>>
      %dma_start3A_37 = tpu.memref_squeeze %dma_start3A_36 : memref<1x79x128xi32, #tpu.memory_space<hbm>> -> memref<79x128xi32, #tpu.memory_space<hbm>>
      %dma_start3A_38 = arith.constant 0 : i32
      %dma_start3A_39 = arith.constant 0 : i32
      %dma_start3A_40 = tpu.memref_slice %arg4[%add3A, %dma_start3A_38, %dma_start3A_39] : memref<32x79x128xi32, #tpu.memory_space<hbm>> -> memref<1x79x128xi32, #tpu.memory_space<hbm>>
      %dma_start3A_41 = tpu.memref_squeeze %dma_start3A_40 : memref<1x79x128xi32, #tpu.memory_space<hbm>> -> memref<79x128xi32, #tpu.memory_space<hbm>>
      tpu.enqueue_dma source(%dma_start3A_41 : memref<79x128xi32, #tpu.memory_space<hbm>>) target(%arg7 : memref<79x128xi32, #tpu.memory_space<vmem>>) target_semaphore(%run_scoped3A_33 : memref<!tpu.dma_semaphore, #tpu.memory_space<semaphore_mem>>)
      %dma_wait3A_42 = arith.constant 0 : i32
      %dma_wait3A_43 = arith.constant 0 : i32
      %dma_wait3A_44 = tpu.memref_slice %arg4[%add3A, %dma_wait3A_42, %dma_wait3A_43] : memref<32x79x128xi32, #tpu.memory_space<hbm>> -> memref<1x79x128xi32, #tpu.memory_space<hbm>>
      %dma_wait3A_45 = tpu.memref_squeeze %dma_wait3A_44 : memref<1x79x128xi32, #tpu.memory_space<hbm>> -> memref<79x128xi32, #tpu.memory_space<hbm>>
      %dma_wait3A_46 = arith.constant 0 : i32
      %dma_wait3A_47 = arith.constant 0 : i32
      %dma_wait3A_48 = tpu.memref_slice %arg4[%add3A, %dma_wait3A_46, %dma_wait3A_47] : memref<32x79x128xi32, #tpu.memory_space<hbm>> -> memref<1x79x128xi32, #tpu.memory_space<hbm>>
      %dma_wait3A_49 = tpu.memref_squeeze %dma_wait3A_48 : memref<1x79x128xi32, #tpu.memory_space<hbm>> -> memref<79x128xi32, #tpu.memory_space<hbm>>
      tpu.wait_dma2 semaphore(%run_scoped3A_33 : memref<!tpu.dma_semaphore, #tpu.memory_space<semaphore_mem>>) src(%dma_wait3A_49 : memref<79x128xi32, #tpu.memory_space<hbm>>) dst(%arg7 : memref<79x128xi32, #tpu.memory_space<vmem>>)
      tpu.yield
    }) : () -> ()
    %dma_start3A = arith.constant 0 : i32
    %dma_start3A_10 = arith.constant 0 : i32
    %dma_start3A_11 = tpu.memref_slice %arg6[%dma_start3A, %dma_start3A_10] : memref<79x128xi32, #tpu.memory_space<vmem>> -> memref<1x128xi32, #tpu.memory_space<vmem>>
    %dma_start3A_12 = tpu.memref_squeeze %dma_start3A_11 : memref<1x128xi32, #tpu.memory_space<vmem>> -> memref<128xi32, #tpu.memory_space<vmem>>
    %dma_start3A_13 = arith.constant 0 : i32
    %dma_start3A_14 = arith.constant 0 : i32
    %dma_start3A_15 = tpu.memref_slice %arg2[%dma_start3A_13, %dma_start3A_14] : memref<10240x64xf32, #tpu.memory_space<hbm>> -> memref<10240x64xf32, #tpu.memory_space<hbm>>
    tpu.enqueue_indirect_dma source(%dma_start3A_15 : memref<10240x64xf32, #tpu.memory_space<hbm>>) target(%arg8 : memref<128x64xf32, #tpu.memory_space<vmem>>) offsets(%dma_start3A_12 : memref<128xi32, #tpu.memory_space<vmem>>) semaphore(%arg12 : memref<!tpu.dma_semaphore, #tpu.memory_space<semaphore_mem>>)
    %scan3A_16 = arith.constant 0 : i32
    %scan3A_17 = arith.constant 39 : i32
    %scan3A_18 = arith.addi %scan3A_16, %scan3A_17 : i32
    %scan3A_19 = arith.constant 1 : i32
    scf.for %scan3A_33 = %scan3A_16 to %scan3A_18 step %scan3A_19  : i32 {
      %mul3A_34 = arith.constant 1 : i32
      %mul3A_35 = arith.muli %scan3A_33, %mul3A_34 : i32
      %add3A_36 = arith.constant 0 : i32
      %add3A_37 = arith.addi %add3A_36, %mul3A_35 : i32
      %mul3A_38 = arith.constant 2 : i32
      %mul3A_39 = arith.muli %mul3A_38, %add3A_37 : i32
      %add3A_40 = arith.constant 1 : i32
      %add3A_41 = arith.addi %mul3A_39, %add3A_40 : i32
      %dma_start3A_42 = arith.constant 0 : i32
      %dma_start3A_43 = tpu.memref_slice %arg6[%add3A_41, %dma_start3A_42] : memref<79x128xi32, #tpu.memory_space<vmem>> -> memref<1x128xi32, #tpu.memory_space<vmem>>
      %dma_start3A_44 = tpu.memref_squeeze %dma_start3A_43 : memref<1x128xi32, #tpu.memory_space<vmem>> -> memref<128xi32, #tpu.memory_space<vmem>>
      %dma_start3A_45 = arith.constant 0 : i32
      %dma_start3A_46 = arith.constant 0 : i32
      %dma_start3A_47 = tpu.memref_slice %arg2[%dma_start3A_45, %dma_start3A_46] : memref<10240x64xf32, #tpu.memory_space<hbm>> -> memref<10240x64xf32, #tpu.memory_space<hbm>>
      tpu.enqueue_indirect_dma source(%dma_start3A_47 : memref<10240x64xf32, #tpu.memory_space<hbm>>) target(%arg9 : memref<128x64xf32, #tpu.memory_space<vmem>>) offsets(%dma_start3A_44 : memref<128xi32, #tpu.memory_space<vmem>>) semaphore(%arg13 : memref<!tpu.dma_semaphore, #tpu.memory_space<semaphore_mem>>)
      %dma_wait3A_48 = arith.constant 0 : i32
      %dma_wait3A_49 = tpu.memref_slice %arg6[%mul3A_39, %dma_wait3A_48] : memref<79x128xi32, #tpu.memory_space<vmem>> -> memref<1x128xi32, #tpu.memory_space<vmem>>
      %dma_wait3A_50 = tpu.memref_squeeze %dma_wait3A_49 : memref<1x128xi32, #tpu.memory_space<vmem>> -> memref<128xi32, #tpu.memory_space<vmem>>
      %dma_wait3A_51 = arith.constant 0 : i32
      %dma_wait3A_52 = arith.constant 0 : i32
      %dma_wait3A_53 = tpu.memref_slice %arg2[%dma_wait3A_51, %dma_wait3A_52] : memref<10240x64xf32, #tpu.memory_space<hbm>> -> memref<10240x64xf32, #tpu.memory_space<hbm>>
      tpu.wait_indirect_dma semaphore(%arg12 : memref<!tpu.dma_semaphore, #tpu.memory_space<semaphore_mem>>) src(%dma_wait3A_53 : memref<10240x64xf32, #tpu.memory_space<hbm>>) dst(%arg8 : memref<128x64xf32, #tpu.memory_space<vmem>>)
      "tpu.region"() ({
        %run_scoped3A_72 = tpu.sem_alloc : memref<!tpu.dma_semaphore, #tpu.memory_space<semaphore_mem>>
        %dma_start3A_73 = arith.constant 0 : i32
        %dma_start3A_74 = tpu.memref_slice %arg7[%mul3A_39, %dma_start3A_73] : memref<79x128xi32, #tpu.memory_space<vmem>> -> memref<1x128xi32, #tpu.memory_space<vmem>>
        %dma_start3A_75 = tpu.memref_squeeze %dma_start3A_74 : memref<1x128xi32, #tpu.memory_space<vmem>> -> memref<128xi32, #tpu.memory_space<vmem>>
        %dma_start3A_76 = arith.constant 0 : i32
        %dma_start3A_77 = arith.constant 0 : i32
        %dma_start3A_78 = tpu.memref_slice %arg11[%dma_start3A_76, %dma_start3A_77] : memref<10240x64xf32, #tpu.memory_space<vmem_shared>> -> memref<10240x64xf32, #tpu.memory_space<vmem_shared>>
        tpu.enqueue_indirect_dma source(%arg8 : memref<128x64xf32, #tpu.memory_space<vmem>>) target(%dma_start3A_78 : memref<10240x64xf32, #tpu.memory_space<vmem_shared>>) offsets(%dma_start3A_75 : memref<128xi32, #tpu.memory_space<vmem>>) semaphore(%run_scoped3A_72 : memref<!tpu.dma_semaphore, #tpu.memory_space<semaphore_mem>>) {add = true}
        %dma_wait3A_79 = arith.constant 0 : i32
        %dma_wait3A_80 = tpu.memref_slice %arg7[%mul3A_39, %dma_wait3A_79] : memref<79x128xi32, #tpu.memory_space<vmem>> -> memref<1x128xi32, #tpu.memory_space<vmem>>
        %dma_wait3A_81 = tpu.memref_squeeze %dma_wait3A_80 : memref<1x128xi32, #tpu.memory_space<vmem>> -> memref<128xi32, #tpu.memory_space<vmem>>
        %dma_wait3A_82 = arith.constant 0 : i32
        %dma_wait3A_83 = arith.constant 0 : i32
        %dma_wait3A_84 = tpu.memref_slice %arg11[%dma_wait3A_82, %dma_wait3A_83] : memref<10240x64xf32, #tpu.memory_space<vmem_shared>> -> memref<10240x64xf32, #tpu.memory_space<vmem_shared>>
        tpu.wait_indirect_dma semaphore(%run_scoped3A_72 : memref<!tpu.dma_semaphore, #tpu.memory_space<semaphore_mem>>) src(%arg8 : memref<128x64xf32, #tpu.memory_space<vmem>>) dst(%dma_wait3A_84 : memref<10240x64xf32, #tpu.memory_space<vmem_shared>>)
        tpu.yield
      }) : () -> ()
      %add3A_54 = arith.constant 2 : i32
      %add3A_55 = arith.addi %mul3A_39, %add3A_54 : i32
      %dma_start3A_56 = arith.constant 0 : i32
      %dma_start3A_57 = tpu.memref_slice %arg6[%add3A_55, %dma_start3A_56] : memref<79x128xi32, #tpu.memory_space<vmem>> -> memref<1x128xi32, #tpu.memory_space<vmem>>
      %dma_start3A_58 = tpu.memref_squeeze %dma_start3A_57 : memref<1x128xi32, #tpu.memory_space<vmem>> -> memref<128xi32, #tpu.memory_space<vmem>>
      %dma_start3A_59 = arith.constant 0 : i32
      %dma_start3A_60 = arith.constant 0 : i32
      %dma_start3A_61 = tpu.memref_slice %arg2[%dma_start3A_59, %dma_start3A_60] : memref<10240x64xf32, #tpu.memory_space<hbm>> -> memref<10240x64xf32, #tpu.memory_space<hbm>>
      tpu.enqueue_indirect_dma source(%dma_start3A_61 : memref<10240x64xf32, #tpu.memory_space<hbm>>) target(%arg8 : memref<128x64xf32, #tpu.memory_space<vmem>>) offsets(%dma_start3A_58 : memref<128xi32, #tpu.memory_space<vmem>>) semaphore(%arg12 : memref<!tpu.dma_semaphore, #tpu.memory_space<semaphore_mem>>)
      %add3A_62 = arith.constant 1 : i32
      %add3A_63 = arith.addi %mul3A_39, %add3A_62 : i32
      %dma_wait3A_64 = arith.constant 0 : i32
      %dma_wait3A_65 = tpu.memref_slice %arg6[%add3A_63, %dma_wait3A_64] : memref<79x128xi32, #tpu.memory_space<vmem>> -> memref<1x128xi32, #tpu.memory_space<vmem>>
      %dma_wait3A_66 = tpu.memref_squeeze %dma_wait3A_65 : memref<1x128xi32, #tpu.memory_space<vmem>> -> memref<128xi32, #tpu.memory_space<vmem>>
      %dma_wait3A_67 = arith.constant 0 : i32
      %dma_wait3A_68 = arith.constant 0 : i32
      %dma_wait3A_69 = tpu.memref_slice %arg2[%dma_wait3A_67, %dma_wait3A_68] : memref<10240x64xf32, #tpu.memory_space<hbm>> -> memref<10240x64xf32, #tpu.memory_space<hbm>>
      tpu.wait_indirect_dma semaphore(%arg13 : memref<!tpu.dma_semaphore, #tpu.memory_space<semaphore_mem>>) src(%dma_wait3A_69 : memref<10240x64xf32, #tpu.memory_space<hbm>>) dst(%arg9 : memref<128x64xf32, #tpu.memory_space<vmem>>)
      %add3A_70 = arith.constant 1 : i32
      %add3A_71 = arith.addi %mul3A_39, %add3A_70 : i32
      "tpu.region"() ({
        %run_scoped3A_72 = tpu.sem_alloc : memref<!tpu.dma_semaphore, #tpu.memory_space<semaphore_mem>>
        %dma_start3A_73 = arith.constant 0 : i32
        %dma_start3A_74 = tpu.memref_slice %arg7[%add3A_71, %dma_start3A_73] : memref<79x128xi32, #tpu.memory_space<vmem>> -> memref<1x128xi32, #tpu.memory_space<vmem>>
        %dma_start3A_75 = tpu.memref_squeeze %dma_start3A_74 : memref<1x128xi32, #tpu.memory_space<vmem>> -> memref<128xi32, #tpu.memory_space<vmem>>
        %dma_start3A_76 = arith.constant 0 : i32
        %dma_start3A_77 = arith.constant 0 : i32
        %dma_start3A_78 = tpu.memref_slice %arg11[%dma_start3A_76, %dma_start3A_77] : memref<10240x64xf32, #tpu.memory_space<vmem_shared>> -> memref<10240x64xf32, #tpu.memory_space<vmem_shared>>
        tpu.enqueue_indirect_dma source(%arg9 : memref<128x64xf32, #tpu.memory_space<vmem>>) target(%dma_start3A_78 : memref<10240x64xf32, #tpu.memory_space<vmem_shared>>) offsets(%dma_start3A_75 : memref<128xi32, #tpu.memory_space<vmem>>) semaphore(%run_scoped3A_72 : memref<!tpu.dma_semaphore, #tpu.memory_space<semaphore_mem>>) {add = true}
        %dma_wait3A_79 = arith.constant 0 : i32
        %dma_wait3A_80 = tpu.memref_slice %arg7[%add3A_71, %dma_wait3A_79] : memref<79x128xi32, #tpu.memory_space<vmem>> -> memref<1x128xi32, #tpu.memory_space<vmem>>
        %dma_wait3A_81 = tpu.memref_squeeze %dma_wait3A_80 : memref<1x128xi32, #tpu.memory_space<vmem>> -> memref<128xi32, #tpu.memory_space<vmem>>
        %dma_wait3A_82 = arith.constant 0 : i32
        %dma_wait3A_83 = arith.constant 0 : i32
        %dma_wait3A_84 = tpu.memref_slice %arg11[%dma_wait3A_82, %dma_wait3A_83] : memref<10240x64xf32, #tpu.memory_space<vmem_shared>> -> memref<10240x64xf32, #tpu.memory_space<vmem_shared>>
        tpu.wait_indirect_dma semaphore(%run_scoped3A_72 : memref<!tpu.dma_semaphore, #tpu.memory_space<semaphore_mem>>) src(%arg9 : memref<128x64xf32, #tpu.memory_space<vmem>>) dst(%dma_wait3A_84 : memref<10240x64xf32, #tpu.memory_space<vmem_shared>>)
        tpu.yield
      }) : () -> ()
    }
    %scan3A_20 = arith.constant 39 : i32
    %dma_wait3A = arith.constant 78 : i32
    %dma_wait3A_21 = arith.constant 0 : i32
    %dma_wait3A_22 = tpu.memref_slice %arg6[%dma_wait3A, %dma_wait3A_21] : memref<79x128xi32, #tpu.memory_space<vmem>> -> memref<1x128xi32, #tpu.memory_space<vmem>>
    %dma_wait3A_23 = tpu.memref_squeeze %dma_wait3A_22 : memref<1x128xi32, #tpu.memory_space<vmem>> -> memref<128xi32, #tpu.memory_space<vmem>>
    %dma_wait3A_24 = arith.constant 0 : i32
    %dma_wait3A_25 = arith.constant 0 : i32
    %dma_wait3A_26 = tpu.memref_slice %arg2[%dma_wait3A_24, %dma_wait3A_25] : memref<10240x64xf32, #tpu.memory_space<hbm>> -> memref<10240x64xf32, #tpu.memory_space<hbm>>
    tpu.wait_indirect_dma semaphore(%arg12 : memref<!tpu.dma_semaphore, #tpu.memory_space<semaphore_mem>>) src(%dma_wait3A_26 : memref<10240x64xf32, #tpu.memory_space<hbm>>) dst(%arg8 : memref<128x64xf32, #tpu.memory_space<vmem>>)
    %run_scoped3A = arith.constant 78 : i32
    "tpu.region"() ({
      %run_scoped3A_33 = tpu.sem_alloc : memref<!tpu.dma_semaphore, #tpu.memory_space<semaphore_mem>>
      %dma_start3A_34 = arith.constant 0 : i32
      %dma_start3A_35 = tpu.memref_slice %arg7[%run_scoped3A, %dma_start3A_34] : memref<79x128xi32, #tpu.memory_space<vmem>> -> memref<1x128xi32, #tpu.memory_space<vmem>>
      %dma_start3A_36 = tpu.memref_squeeze %dma_start3A_35 : memref<1x128xi32, #tpu.memory_space<vmem>> -> memref<128xi32, #tpu.memory_space<vmem>>
      %dma_start3A_37 = arith.constant 0 : i32
      %dma_start3A_38 = arith.constant 0 : i32
      %dma_start3A_39 = tpu.memref_slice %arg11[%dma_start3A_37, %dma_start3A_38] : memref<10240x64xf32, #tpu.memory_space<vmem_shared>> -> memref<10240x64xf32, #tpu.memory_space<vmem_shared>>
      tpu.enqueue_indirect_dma source(%arg8 : memref<128x64xf32, #tpu.memory_space<vmem>>) target(%dma_start3A_39 : memref<10240x64xf32, #tpu.memory_space<vmem_shared>>) offsets(%dma_start3A_36 : memref<128xi32, #tpu.memory_space<vmem>>) semaphore(%run_scoped3A_33 : memref<!tpu.dma_semaphore, #tpu.memory_space<semaphore_mem>>) {add = true}
      %dma_wait3A_40 = arith.constant 0 : i32
      %dma_wait3A_41 = tpu.memref_slice %arg7[%run_scoped3A, %dma_wait3A_40] : memref<79x128xi32, #tpu.memory_space<vmem>> -> memref<1x128xi32, #tpu.memory_space<vmem>>
      %dma_wait3A_42 = tpu.memref_squeeze %dma_wait3A_41 : memref<1x128xi32, #tpu.memory_space<vmem>> -> memref<128xi32, #tpu.memory_space<vmem>>
      %dma_wait3A_43 = arith.constant 0 : i32
      %dma_wait3A_44 = arith.constant 0 : i32
      %dma_wait3A_45 = tpu.memref_slice %arg11[%dma_wait3A_43, %dma_wait3A_44] : memref<10240x64xf32, #tpu.memory_space<vmem_shared>> -> memref<10240x64xf32, #tpu.memory_space<vmem_shared>>
      tpu.wait_indirect_dma semaphore(%run_scoped3A_33 : memref<!tpu.dma_semaphore, #tpu.memory_space<semaphore_mem>>) src(%arg8 : memref<128x64xf32, #tpu.memory_space<vmem>>) dst(%dma_wait3A_45 : memref<10240x64xf32, #tpu.memory_space<vmem_shared>>)
      tpu.yield
    }) : () -> ()
    %barrier3A_27 = arith.constant 0 : index
    tpu.barrier barrier_id(%barrier3A_27)
    %scan3A_28 = arith.constant 0 : i32
    %scan3A_29 = arith.constant 5 : i32
    %scan3A_30 = arith.addi %scan3A_28, %scan3A_29 : i32
    %scan3A_31 = arith.constant 1 : i32
    scf.for %scan3A_33 = %scan3A_28 to %scan3A_30 step %scan3A_31  : i32 {
      %mul3A_34 = arith.constant 1 : i32
      %mul3A_35 = arith.muli %scan3A_33, %mul3A_34 : i32
      %add3A_36 = arith.constant 0 : i32
      %add3A_37 = arith.addi %add3A_36, %mul3A_35 : i32
      %mul3A_38 = arith.constant 640 : i32
      %mul3A_39 = arith.muli %arg1, %mul3A_38 : i32
      %mul3A_40 = arith.constant 128 : i32
      %mul3A_41 = arith.muli %add3A_37, %mul3A_40 : i32
      %add3A_42 = arith.addi %mul3A_39, %mul3A_41 : i32
      "tpu.region"() ({
        %run_scoped3A_43 = tpu.sem_alloc : memref<!tpu.dma_semaphore, #tpu.memory_space<semaphore_mem>>
        %dma_start3A_44 = arith.constant 0 : i32
        %dma_start3A_45 = tpu.memref_slice %arg5[%arg0, %add3A_42, %dma_start3A_44] : memref<2x10240x64xf32, #tpu.memory_space<hbm>> -> memref<1x128x64xf32, #tpu.memory_space<hbm>>
        %dma_start3A_46 = tpu.memref_squeeze %dma_start3A_45 : memref<1x128x64xf32, #tpu.memory_space<hbm>> -> memref<128x64xf32, #tpu.memory_space<hbm>>
        %dma_start3A_47 = arith.constant 0 : i32
        %dma_start3A_48 = tpu.memref_slice %arg11[%add3A_42, %dma_start3A_47] : memref<10240x64xf32, #tpu.memory_space<vmem_shared>> -> memref<128x64xf32, #tpu.memory_space<vmem_shared>>
        tpu.enqueue_dma source(%dma_start3A_48 : memref<128x64xf32, #tpu.memory_space<vmem_shared>>) target(%dma_start3A_46 : memref<128x64xf32, #tpu.memory_space<hbm>>) target_semaphore(%run_scoped3A_43 : memref<!tpu.dma_semaphore, #tpu.memory_space<semaphore_mem>>)
        %dma_wait3A_49 = arith.constant 0 : i32
        %dma_wait3A_50 = tpu.memref_slice %arg5[%arg0, %add3A_42, %dma_wait3A_49] : memref<2x10240x64xf32, #tpu.memory_space<hbm>> -> memref<1x128x64xf32, #tpu.memory_space<hbm>>
        %dma_wait3A_51 = tpu.memref_squeeze %dma_wait3A_50 : memref<1x128x64xf32, #tpu.memory_space<hbm>> -> memref<128x64xf32, #tpu.memory_space<hbm>>
        %dma_wait3A_52 = arith.constant 0 : i32
        %dma_wait3A_53 = tpu.memref_slice %arg11[%add3A_42, %dma_wait3A_52] : memref<10240x64xf32, #tpu.memory_space<vmem_shared>> -> memref<128x64xf32, #tpu.memory_space<vmem_shared>>
        tpu.wait_dma2 semaphore(%run_scoped3A_43 : memref<!tpu.dma_semaphore, #tpu.memory_space<semaphore_mem>>) src(%dma_wait3A_53 : memref<128x64xf32, #tpu.memory_space<vmem_shared>>) dst(%dma_wait3A_51 : memref<128x64xf32, #tpu.memory_space<hbm>>)
        tpu.yield
      }) : () -> ()
    }
    %scan3A_32 = arith.constant 5 : i32
    return
  }
}

#map = affine_map<(d0, d1) -> (0, 0)>
#map1 = affine_map<(d0, d1) -> (0, 0, 0)>
module attributes {stable_mosaic.version = 14 : i64} {
  func.func @k(%arg0: i32, %arg1: i32, %arg2: memref<10240x64xf32, #tpu.memory_space<hbm>>, %arg3: memref<10240x64xf32, #tpu.memory_space<hbm>>, %arg4: memref<32x79x128xi32, #tpu.memory_space<hbm>>, %arg5: memref<32x79x128xi32, #tpu.memory_space<hbm>>, %arg6: memref<323584x64xf32, #tpu.memory_space<hbm>>, %arg7: memref<79x128xi32, #tpu.memory_space<vmem>>, %arg8: memref<79x128xi32, #tpu.memory_space<vmem>>, %arg9: memref<128x64xf32, #tpu.memory_space<vmem>>, %arg10: memref<128x64xf32, #tpu.memory_space<vmem>>, %arg11: memref<128x64xf32, #tpu.memory_space<vmem>>, %arg12: memref<128x64xf32, #tpu.memory_space<vmem>>, %arg13: memref<128xi32, #tpu.memory_space<vmem>>, %arg14: memref<2048x64xf32, #tpu.memory_space<vmem_shared>>, %arg15: memref<2048x64xf32, #tpu.memory_space<vmem_shared>>, %arg16: memref<!tpu.dma_semaphore, #tpu.memory_space<semaphore_mem>>, %arg17: memref<!tpu.dma_semaphore, #tpu.memory_space<semaphore_mem>>, %arg18: memref<!tpu.dma_semaphore, #tpu.memory_space<semaphore_mem>>, %arg19: memref<!tpu.dma_semaphore, #tpu.memory_space<semaphore_mem>>, %arg20: memref<!tpu.dma_semaphore, #tpu.memory_space<semaphore_mem>>, %arg21: memref<!tpu.dma_semaphore, #tpu.memory_space<semaphore_mem>>) attributes {dimension_semantics = [#tpu.dimension_semantics<core_parallel>, #tpu.dimension_semantics<subcore_parallel>], iteration_bounds = array<i64: 2, 16>, scalar_prefetch = 0 : i64, scratch_operands = 15 : i64, tpu.core_type = #tpu.core_type<sc_vector_subcore>, window_params = [{transform_indices = #map}, {transform_indices = #map}, {transform_indices = #map1}, {transform_indices = #map1}, {transform_indices = #map}]} {
    %mul3A = arith.constant 2 : i32
    %mul3A_0 = arith.muli %arg1, %mul3A : i32
    %add3A = arith.addi %mul3A_0, %arg0 : i32
    %scan3A = arith.constant 0 : i32
    %scan3A_1 = arith.constant 8 : i32
    %scan3A_2 = arith.addi %scan3A, %scan3A_1 : i32
    %scan3A_3 = arith.constant 1 : i32
    scf.for %scan3A_64 = %scan3A to %scan3A_2 step %scan3A_3  : i32 {
      %mul3A_65 = arith.constant 1 : i32
      %mul3A_66 = arith.muli %scan3A_64, %mul3A_65 : i32
      %add3A_67 = arith.constant 0 : i32
      %add3A_68 = arith.addi %add3A_67, %mul3A_66 : i32
      %iota3A = tpu.iota {dimensions = array<i32: 0>} : vector<16xi32>
      %mul3A_69 = arith.constant 16 : i32
      %mul3A_70 = arith.muli %add3A_68, %mul3A_69 : i32
      %add3A_71 = vector.broadcast %mul3A_70 : i32 to vector<16xi32>
      %add3A_72 = arith.addi %iota3A, %add3A_71 : vector<16xi32>
      %mul3A_73 = arith.constant 128 : i32
      %mul3A_74 = arith.muli %arg1, %mul3A_73 : i32
      %add3A_75 = vector.broadcast %mul3A_74 : i32 to vector<16xi32>
      %add3A_76 = arith.addi %add3A_72, %add3A_75 : vector<16xi32>
      %mul3A_77 = arith.constant 16 : i32
      %mul3A_78 = arith.muli %add3A_68, %mul3A_77 : i32
      %swap3A = arith.index_cast %mul3A_78 : i32 to index
      %swap3A_79 = tpu.vector_load %arg13[%swap3A] {strides = array<i32>} : memref<128xi32, #tpu.memory_space<vmem>>, vector<16xi32>,
      %swap3A_80 = vector.shape_cast %swap3A_79 : vector<16xi32> to vector<16xi32>
      %swap3A_81 = vector.shape_cast %add3A_76 : vector<16xi32> to vector<16xi32>
      tpu.vector_store %arg13[%swap3A], %swap3A_81 {strides = array<i32>} : memref<128xi32, #tpu.memory_space<vmem>>, vector<16xi32>,
    }
    %scan3A_4 = arith.constant 8 : i32
    "tpu.region"() ({
      %run_scoped3A = tpu.sem_alloc : memref<!tpu.dma_semaphore, #tpu.memory_space<semaphore_mem>>
      %dma_start3A_64 = arith.constant 0 : i32
      %dma_start3A_65 = arith.constant 0 : i32
      %dma_start3A_66 = tpu.memref_slice %arg4[%add3A, %dma_start3A_64, %dma_start3A_65] : memref<32x79x128xi32, #tpu.memory_space<hbm>> -> memref<1x79x128xi32, #tpu.memory_space<hbm>>
      %dma_start3A_67 = tpu.memref_squeeze %dma_start3A_66 : memref<1x79x128xi32, #tpu.memory_space<hbm>> -> memref<79x128xi32, #tpu.memory_space<hbm>>
      %dma_start3A_68 = arith.constant 0 : i32
      %dma_start3A_69 = arith.constant 0 : i32
      %dma_start3A_70 = tpu.memref_slice %arg4[%add3A, %dma_start3A_68, %dma_start3A_69] : memref<32x79x128xi32, #tpu.memory_space<hbm>> -> memref<1x79x128xi32, #tpu.memory_space<hbm>>
      %dma_start3A_71 = tpu.memref_squeeze %dma_start3A_70 : memref<1x79x128xi32, #tpu.memory_space<hbm>> -> memref<79x128xi32, #tpu.memory_space<hbm>>
      tpu.enqueue_dma source(%dma_start3A_71 : memref<79x128xi32, #tpu.memory_space<hbm>>) target(%arg7 : memref<79x128xi32, #tpu.memory_space<vmem>>) target_semaphore(%run_scoped3A : memref<!tpu.dma_semaphore, #tpu.memory_space<semaphore_mem>>)
      %dma_wait3A_72 = arith.constant 0 : i32
      %dma_wait3A_73 = arith.constant 0 : i32
      %dma_wait3A_74 = tpu.memref_slice %arg4[%add3A, %dma_wait3A_72, %dma_wait3A_73] : memref<32x79x128xi32, #tpu.memory_space<hbm>> -> memref<1x79x128xi32, #tpu.memory_space<hbm>>
      %dma_wait3A_75 = tpu.memref_squeeze %dma_wait3A_74 : memref<1x79x128xi32, #tpu.memory_space<hbm>> -> memref<79x128xi32, #tpu.memory_space<hbm>>
      %dma_wait3A_76 = arith.constant 0 : i32
      %dma_wait3A_77 = arith.constant 0 : i32
      %dma_wait3A_78 = tpu.memref_slice %arg4[%add3A, %dma_wait3A_76, %dma_wait3A_77] : memref<32x79x128xi32, #tpu.memory_space<hbm>> -> memref<1x79x128xi32, #tpu.memory_space<hbm>>
      %dma_wait3A_79 = tpu.memref_squeeze %dma_wait3A_78 : memref<1x79x128xi32, #tpu.memory_space<hbm>> -> memref<79x128xi32, #tpu.memory_space<hbm>>
      tpu.wait_dma2 semaphore(%run_scoped3A : memref<!tpu.dma_semaphore, #tpu.memory_space<semaphore_mem>>) src(%dma_wait3A_79 : memref<79x128xi32, #tpu.memory_space<hbm>>) dst(%arg7 : memref<79x128xi32, #tpu.memory_space<vmem>>)
      tpu.yield
    }) : () -> ()
    "tpu.region"() ({
      %run_scoped3A = tpu.sem_alloc : memref<!tpu.dma_semaphore, #tpu.memory_space<semaphore_mem>>
      %dma_start3A_64 = arith.constant 0 : i32
      %dma_start3A_65 = arith.constant 0 : i32
      %dma_start3A_66 = tpu.memref_slice %arg5[%add3A, %dma_start3A_64, %dma_start3A_65] : memref<32x79x128xi32, #tpu.memory_space<hbm>> -> memref<1x79x128xi32, #tpu.memory_space<hbm>>
      %dma_start3A_67 = tpu.memref_squeeze %dma_start3A_66 : memref<1x79x128xi32, #tpu.memory_space<hbm>> -> memref<79x128xi32, #tpu.memory_space<hbm>>
      %dma_start3A_68 = arith.constant 0 : i32
      %dma_start3A_69 = arith.constant 0 : i32
      %dma_start3A_70 = tpu.memref_slice %arg5[%add3A, %dma_start3A_68, %dma_start3A_69] : memref<32x79x128xi32, #tpu.memory_space<hbm>> -> memref<1x79x128xi32, #tpu.memory_space<hbm>>
      %dma_start3A_71 = tpu.memref_squeeze %dma_start3A_70 : memref<1x79x128xi32, #tpu.memory_space<hbm>> -> memref<79x128xi32, #tpu.memory_space<hbm>>
      tpu.enqueue_dma source(%dma_start3A_71 : memref<79x128xi32, #tpu.memory_space<hbm>>) target(%arg8 : memref<79x128xi32, #tpu.memory_space<vmem>>) target_semaphore(%run_scoped3A : memref<!tpu.dma_semaphore, #tpu.memory_space<semaphore_mem>>)
      %dma_wait3A_72 = arith.constant 0 : i32
      %dma_wait3A_73 = arith.constant 0 : i32
      %dma_wait3A_74 = tpu.memref_slice %arg5[%add3A, %dma_wait3A_72, %dma_wait3A_73] : memref<32x79x128xi32, #tpu.memory_space<hbm>> -> memref<1x79x128xi32, #tpu.memory_space<hbm>>
      %dma_wait3A_75 = tpu.memref_squeeze %dma_wait3A_74 : memref<1x79x128xi32, #tpu.memory_space<hbm>> -> memref<79x128xi32, #tpu.memory_space<hbm>>
      %dma_wait3A_76 = arith.constant 0 : i32
      %dma_wait3A_77 = arith.constant 0 : i32
      %dma_wait3A_78 = tpu.memref_slice %arg5[%add3A, %dma_wait3A_76, %dma_wait3A_77] : memref<32x79x128xi32, #tpu.memory_space<hbm>> -> memref<1x79x128xi32, #tpu.memory_space<hbm>>
      %dma_wait3A_79 = tpu.memref_squeeze %dma_wait3A_78 : memref<1x79x128xi32, #tpu.memory_space<hbm>> -> memref<79x128xi32, #tpu.memory_space<hbm>>
      tpu.wait_dma2 semaphore(%run_scoped3A : memref<!tpu.dma_semaphore, #tpu.memory_space<semaphore_mem>>) src(%dma_wait3A_79 : memref<79x128xi32, #tpu.memory_space<hbm>>) dst(%arg8 : memref<79x128xi32, #tpu.memory_space<vmem>>)
      tpu.yield
    }) : () -> ()
    %mul3A_5 = arith.constant 10112 : i32
    %mul3A_6 = arith.muli %add3A, %mul3A_5 : i32
    %mul3A_7 = arith.constant 128 : i32
    %mul3A_8 = arith.muli %arg1, %mul3A_7 : i32
    %dma_start3A = arith.constant 0 : i32
    %dma_start3A_9 = arith.constant 0 : i32
    %dma_start3A_10 = tpu.memref_slice %arg7[%dma_start3A, %dma_start3A_9] : memref<79x128xi32, #tpu.memory_space<vmem>> -> memref<1x128xi32, #tpu.memory_space<vmem>>
    %dma_start3A_11 = tpu.memref_squeeze %dma_start3A_10 : memref<1x128xi32, #tpu.memory_space<vmem>> -> memref<128xi32, #tpu.memory_space<vmem>>
    %dma_start3A_12 = arith.constant 0 : i32
    %dma_start3A_13 = arith.constant 0 : i32
    %dma_start3A_14 = tpu.memref_slice %arg2[%dma_start3A_12, %dma_start3A_13] : memref<10240x64xf32, #tpu.memory_space<hbm>> -> memref<10240x64xf32, #tpu.memory_space<hbm>>
    tpu.enqueue_indirect_dma source(%dma_start3A_14 : memref<10240x64xf32, #tpu.memory_space<hbm>>) target(%arg9 : memref<128x64xf32, #tpu.memory_space<vmem>>) offsets(%dma_start3A_11 : memref<128xi32, #tpu.memory_space<vmem>>) semaphore(%arg16 : memref<!tpu.dma_semaphore, #tpu.memory_space<semaphore_mem>>)
    %dma_start3A_15 = arith.constant 0 : i32
    %dma_start3A_16 = arith.constant 0 : i32
    %dma_start3A_17 = tpu.memref_slice %arg8[%dma_start3A_15, %dma_start3A_16] : memref<79x128xi32, #tpu.memory_space<vmem>> -> memref<1x128xi32, #tpu.memory_space<vmem>>
    %dma_start3A_18 = tpu.memref_squeeze %dma_start3A_17 : memref<1x128xi32, #tpu.memory_space<vmem>> -> memref<128xi32, #tpu.memory_space<vmem>>
    %dma_start3A_19 = arith.constant 0 : i32
    %dma_start3A_20 = arith.constant 0 : i32
    %dma_start3A_21 = tpu.memref_slice %arg3[%dma_start3A_19, %dma_start3A_20] : memref<10240x64xf32, #tpu.memory_space<hbm>> -> memref<10240x64xf32, #tpu.memory_space<hbm>>
    tpu.enqueue_indirect_dma source(%dma_start3A_21 : memref<10240x64xf32, #tpu.memory_space<hbm>>) target(%arg11 : memref<128x64xf32, #tpu.memory_space<vmem>>) offsets(%dma_start3A_18 : memref<128xi32, #tpu.memory_space<vmem>>) semaphore(%arg18 : memref<!tpu.dma_semaphore, #tpu.memory_space<semaphore_mem>>)
    %scan3A_22 = arith.constant 0 : i32
    %scan3A_23 = arith.constant 39 : i32
    %scan3A_24 = arith.addi %scan3A_22, %scan3A_23 : i32
    %scan3A_25 = arith.constant 1 : i32
    scf.for %scan3A_64 = %scan3A_22 to %scan3A_24 step %scan3A_25  : i32 {
      %mul3A_65 = arith.constant 1 : i32
      %mul3A_66 = arith.muli %scan3A_64, %mul3A_65 : i32
      %add3A_67 = arith.constant 0 : i32
      %add3A_68 = arith.addi %add3A_67, %mul3A_66 : i32
      %mul3A_69 = arith.constant 2 : i32
      %mul3A_70 = arith.muli %mul3A_69, %add3A_68 : i32
      %add3A_71 = arith.constant 1 : i32
      %add3A_72 = arith.addi %mul3A_70, %add3A_71 : i32
      %dma_start3A_73 = arith.constant 0 : i32
      %dma_start3A_74 = tpu.memref_slice %arg7[%add3A_72, %dma_start3A_73] : memref<79x128xi32, #tpu.memory_space<vmem>> -> memref<1x128xi32, #tpu.memory_space<vmem>>
      %dma_start3A_75 = tpu.memref_squeeze %dma_start3A_74 : memref<1x128xi32, #tpu.memory_space<vmem>> -> memref<128xi32, #tpu.memory_space<vmem>>
      %dma_start3A_76 = arith.constant 0 : i32
      %dma_start3A_77 = arith.constant 0 : i32
      %dma_start3A_78 = tpu.memref_slice %arg2[%dma_start3A_76, %dma_start3A_77] : memref<10240x64xf32, #tpu.memory_space<hbm>> -> memref<10240x64xf32, #tpu.memory_space<hbm>>
      tpu.enqueue_indirect_dma source(%dma_start3A_78 : memref<10240x64xf32, #tpu.memory_space<hbm>>) target(%arg10 : memref<128x64xf32, #tpu.memory_space<vmem>>) offsets(%dma_start3A_75 : memref<128xi32, #tpu.memory_space<vmem>>) semaphore(%arg17 : memref<!tpu.dma_semaphore, #tpu.memory_space<semaphore_mem>>)
      %add3A_79 = arith.constant 1 : i32
      %add3A_80 = arith.addi %mul3A_70, %add3A_79 : i32
      %dma_start3A_81 = arith.constant 0 : i32
      %dma_start3A_82 = tpu.memref_slice %arg8[%add3A_80, %dma_start3A_81] : memref<79x128xi32, #tpu.memory_space<vmem>> -> memref<1x128xi32, #tpu.memory_space<vmem>>
      %dma_start3A_83 = tpu.memref_squeeze %dma_start3A_82 : memref<1x128xi32, #tpu.memory_space<vmem>> -> memref<128xi32, #tpu.memory_space<vmem>>
      %dma_start3A_84 = arith.constant 0 : i32
      %dma_start3A_85 = arith.constant 0 : i32
      %dma_start3A_86 = tpu.memref_slice %arg3[%dma_start3A_84, %dma_start3A_85] : memref<10240x64xf32, #tpu.memory_space<hbm>> -> memref<10240x64xf32, #tpu.memory_space<hbm>>
      tpu.enqueue_indirect_dma source(%dma_start3A_86 : memref<10240x64xf32, #tpu.memory_space<hbm>>) target(%arg12 : memref<128x64xf32, #tpu.memory_space<vmem>>) offsets(%dma_start3A_83 : memref<128xi32, #tpu.memory_space<vmem>>) semaphore(%arg19 : memref<!tpu.dma_semaphore, #tpu.memory_space<semaphore_mem>>)
      %dma_wait3A_87 = arith.constant 0 : i32
      %dma_wait3A_88 = tpu.memref_slice %arg7[%mul3A_70, %dma_wait3A_87] : memref<79x128xi32, #tpu.memory_space<vmem>> -> memref<1x128xi32, #tpu.memory_space<vmem>>
      %dma_wait3A_89 = tpu.memref_squeeze %dma_wait3A_88 : memref<1x128xi32, #tpu.memory_space<vmem>> -> memref<128xi32, #tpu.memory_space<vmem>>
      %dma_wait3A_90 = arith.constant 0 : i32
      %dma_wait3A_91 = arith.constant 0 : i32
      %dma_wait3A_92 = tpu.memref_slice %arg2[%dma_wait3A_90, %dma_wait3A_91] : memref<10240x64xf32, #tpu.memory_space<hbm>> -> memref<10240x64xf32, #tpu.memory_space<hbm>>
      tpu.wait_indirect_dma semaphore(%arg16 : memref<!tpu.dma_semaphore, #tpu.memory_space<semaphore_mem>>) src(%dma_wait3A_92 : memref<10240x64xf32, #tpu.memory_space<hbm>>) dst(%arg9 : memref<128x64xf32, #tpu.memory_space<vmem>>)
      %dma_wait3A_93 = arith.constant 0 : i32
      %dma_wait3A_94 = tpu.memref_slice %arg8[%mul3A_70, %dma_wait3A_93] : memref<79x128xi32, #tpu.memory_space<vmem>> -> memref<1x128xi32, #tpu.memory_space<vmem>>
      %dma_wait3A_95 = tpu.memref_squeeze %dma_wait3A_94 : memref<1x128xi32, #tpu.memory_space<vmem>> -> memref<128xi32, #tpu.memory_space<vmem>>
      %dma_wait3A_96 = arith.constant 0 : i32
      %dma_wait3A_97 = arith.constant 0 : i32
      %dma_wait3A_98 = tpu.memref_slice %arg3[%dma_wait3A_96, %dma_wait3A_97] : memref<10240x64xf32, #tpu.memory_space<hbm>> -> memref<10240x64xf32, #tpu.memory_space<hbm>>
      tpu.wait_indirect_dma semaphore(%arg18 : memref<!tpu.dma_semaphore, #tpu.memory_space<semaphore_mem>>) src(%dma_wait3A_98 : memref<10240x64xf32, #tpu.memory_space<hbm>>) dst(%arg11 : memref<128x64xf32, #tpu.memory_space<vmem>>)
      %gt3A = arith.constant 0 : i32
      %gt3A_99 = arith.cmpi sgt, %add3A_68, %gt3A : i32
      %convert_element_type3A = arith.extui %gt3A_99 : i1 to i32
      %cond3A = arith.constant 0 : i32
      %cond3A_100 = arith.cmpi ne, %convert_element_type3A, %cond3A : i32
      scf.if %cond3A_100 {
        %sub3A = arith.constant 2 : i32
        %sub3A_154 = arith.subi %mul3A_70, %sub3A : i32
        %mul3A_155 = arith.constant 128 : i32
        %mul3A_156 = arith.muli %sub3A_154, %mul3A_155 : i32
        %add3A_157 = arith.addi %mul3A_6, %mul3A_156 : i32
        %dma_wait3A_158 = arith.constant 0 : i32
        %dma_wait3A_159 = tpu.memref_slice %arg6[%add3A_157, %dma_wait3A_158] : memref<323584x64xf32, #tpu.memory_space<hbm>> -> memref<128x64xf32, #tpu.memory_space<hbm>>
        %dma_wait3A_160 = arith.constant 0 : i32
        %dma_wait3A_161 = tpu.memref_slice %arg14[%mul3A_8, %dma_wait3A_160] : memref<2048x64xf32, #tpu.memory_space<vmem_shared>> -> memref<128x64xf32, #tpu.memory_space<vmem_shared>>
        tpu.wait_dma2 semaphore(%arg20 : memref<!tpu.dma_semaphore, #tpu.memory_space<semaphore_mem>>) src(%dma_wait3A_161 : memref<128x64xf32, #tpu.memory_space<vmem_shared>>) dst(%dma_wait3A_159 : memref<128x64xf32, #tpu.memory_space<hbm>>)
      } else {
      }
      "tpu.region"() ({
        %run_scoped3A = tpu.sem_alloc : memref<!tpu.dma_semaphore, #tpu.memory_space<semaphore_mem>>
        %dma_start3A_154 = arith.constant 0 : i32
        %dma_start3A_155 = tpu.memref_slice %arg14[%mul3A_8, %dma_start3A_154] : memref<2048x64xf32, #tpu.memory_space<vmem_shared>> -> memref<128x64xf32, #tpu.memory_space<vmem_shared>>
        %dma_start3A_156 = arith.constant 0 : i32
        %dma_start3A_157 = tpu.memref_slice %arg14[%mul3A_8, %dma_start3A_156] : memref<2048x64xf32, #tpu.memory_space<vmem_shared>> -> memref<128x64xf32, #tpu.memory_space<vmem_shared>>
        tpu.enqueue_dma source(%arg9 : memref<128x64xf32, #tpu.memory_space<vmem>>) target(%dma_start3A_157 : memref<128x64xf32, #tpu.memory_space<vmem_shared>>) target_semaphore(%run_scoped3A : memref<!tpu.dma_semaphore, #tpu.memory_space<semaphore_mem>>)
        %dma_wait3A_158 = arith.constant 0 : i32
        %dma_wait3A_159 = tpu.memref_slice %arg14[%mul3A_8, %dma_wait3A_158] : memref<2048x64xf32, #tpu.memory_space<vmem_shared>> -> memref<128x64xf32, #tpu.memory_space<vmem_shared>>
        %dma_wait3A_160 = arith.constant 0 : i32
        %dma_wait3A_161 = tpu.memref_slice %arg14[%mul3A_8, %dma_wait3A_160] : memref<2048x64xf32, #tpu.memory_space<vmem_shared>> -> memref<128x64xf32, #tpu.memory_space<vmem_shared>>
        tpu.wait_dma2 semaphore(%run_scoped3A : memref<!tpu.dma_semaphore, #tpu.memory_space<semaphore_mem>>) src(%arg9 : memref<128x64xf32, #tpu.memory_space<vmem>>) dst(%dma_wait3A_161 : memref<128x64xf32, #tpu.memory_space<vmem_shared>>)
        tpu.yield
      }) : () -> ()
      "tpu.region"() ({
        %run_scoped3A = tpu.sem_alloc : memref<!tpu.dma_semaphore, #tpu.memory_space<semaphore_mem>>
        %dma_start3A_154 = arith.constant 0 : i32
        %dma_start3A_155 = arith.constant 0 : i32
        %dma_start3A_156 = tpu.memref_slice %arg14[%dma_start3A_154, %dma_start3A_155] : memref<2048x64xf32, #tpu.memory_space<vmem_shared>> -> memref<2048x64xf32, #tpu.memory_space<vmem_shared>>
        tpu.enqueue_indirect_dma source(%arg11 : memref<128x64xf32, #tpu.memory_space<vmem>>) target(%dma_start3A_156 : memref<2048x64xf32, #tpu.memory_space<vmem_shared>>) offsets(%arg13 : memref<128xi32, #tpu.memory_space<vmem>>) semaphore(%run_scoped3A : memref<!tpu.dma_semaphore, #tpu.memory_space<semaphore_mem>>) {add = true}
        %dma_wait3A_157 = arith.constant 0 : i32
        %dma_wait3A_158 = arith.constant 0 : i32
        %dma_wait3A_159 = tpu.memref_slice %arg14[%dma_wait3A_157, %dma_wait3A_158] : memref<2048x64xf32, #tpu.memory_space<vmem_shared>> -> memref<2048x64xf32, #tpu.memory_space<vmem_shared>>
        tpu.wait_indirect_dma semaphore(%run_scoped3A : memref<!tpu.dma_semaphore, #tpu.memory_space<semaphore_mem>>) src(%arg11 : memref<128x64xf32, #tpu.memory_space<vmem>>) dst(%dma_wait3A_159 : memref<2048x64xf32, #tpu.memory_space<vmem_shared>>)
        tpu.yield
      }) : () -> ()
      %mul3A_101 = arith.constant 128 : i32
      %mul3A_102 = arith.muli %mul3A_70, %mul3A_101 : i32
      %add3A_103 = arith.addi %mul3A_6, %mul3A_102 : i32
      %dma_start3A_104 = arith.constant 0 : i32
      %dma_start3A_105 = tpu.memref_slice %arg6[%add3A_103, %dma_start3A_104] : memref<323584x64xf32, #tpu.memory_space<hbm>> -> memref<128x64xf32, #tpu.memory_space<hbm>>
      %dma_start3A_106 = arith.constant 0 : i32
      %dma_start3A_107 = tpu.memref_slice %arg14[%mul3A_8, %dma_start3A_106] : memref<2048x64xf32, #tpu.memory_space<vmem_shared>> -> memref<128x64xf32, #tpu.memory_space<vmem_shared>>
      tpu.enqueue_dma source(%dma_start3A_107 : memref<128x64xf32, #tpu.memory_space<vmem_shared>>) target(%dma_start3A_105 : memref<128x64xf32, #tpu.memory_space<hbm>>) target_semaphore(%arg20 : memref<!tpu.dma_semaphore, #tpu.memory_space<semaphore_mem>>)
      %add3A_108 = arith.constant 2 : i32
      %add3A_109 = arith.addi %mul3A_70, %add3A_108 : i32
      %dma_start3A_110 = arith.constant 0 : i32
      %dma_start3A_111 = tpu.memref_slice %arg7[%add3A_109, %dma_start3A_110] : memref<79x128xi32, #tpu.memory_space<vmem>> -> memref<1x128xi32, #tpu.memory_space<vmem>>
      %dma_start3A_112 = tpu.memref_squeeze %dma_start3A_111 : memref<1x128xi32, #tpu.memory_space<vmem>> -> memref<128xi32, #tpu.memory_space<vmem>>
      %dma_start3A_113 = arith.constant 0 : i32
      %dma_start3A_114 = arith.constant 0 : i32
      %dma_start3A_115 = tpu.memref_slice %arg2[%dma_start3A_113, %dma_start3A_114] : memref<10240x64xf32, #tpu.memory_space<hbm>> -> memref<10240x64xf32, #tpu.memory_space<hbm>>
      tpu.enqueue_indirect_dma source(%dma_start3A_115 : memref<10240x64xf32, #tpu.memory_space<hbm>>) target(%arg9 : memref<128x64xf32, #tpu.memory_space<vmem>>) offsets(%dma_start3A_112 : memref<128xi32, #tpu.memory_space<vmem>>) semaphore(%arg16 : memref<!tpu.dma_semaphore, #tpu.memory_space<semaphore_mem>>)
      %add3A_116 = arith.constant 2 : i32
      %add3A_117 = arith.addi %mul3A_70, %add3A_116 : i32
      %dma_start3A_118 = arith.constant 0 : i32
      %dma_start3A_119 = tpu.memref_slice %arg8[%add3A_117, %dma_start3A_118] : memref<79x128xi32, #tpu.memory_space<vmem>> -> memref<1x128xi32, #tpu.memory_space<vmem>>
      %dma_start3A_120 = tpu.memref_squeeze %dma_start3A_119 : memref<1x128xi32, #tpu.memory_space<vmem>> -> memref<128xi32, #tpu.memory_space<vmem>>
      %dma_start3A_121 = arith.constant 0 : i32
      %dma_start3A_122 = arith.constant 0 : i32
      %dma_start3A_123 = tpu.memref_slice %arg3[%dma_start3A_121, %dma_start3A_122] : memref<10240x64xf32, #tpu.memory_space<hbm>> -> memref<10240x64xf32, #tpu.memory_space<hbm>>
      tpu.enqueue_indirect_dma source(%dma_start3A_123 : memref<10240x64xf32, #tpu.memory_space<hbm>>) target(%arg11 : memref<128x64xf32, #tpu.memory_space<vmem>>) offsets(%dma_start3A_120 : memref<128xi32, #tpu.memory_space<vmem>>) semaphore(%arg18 : memref<!tpu.dma_semaphore, #tpu.memory_space<semaphore_mem>>)
      %add3A_124 = arith.constant 1 : i32
      %add3A_125 = arith.addi %mul3A_70, %add3A_124 : i32
      %dma_wait3A_126 = arith.constant 0 : i32
      %dma_wait3A_127 = tpu.memref_slice %arg7[%add3A_125, %dma_wait3A_126] : memref<79x128xi32, #tpu.memory_space<vmem>> -> memref<1x128xi32, #tpu.memory_space<vmem>>
      %dma_wait3A_128 = tpu.memref_squeeze %dma_wait3A_127 : memref<1x128xi32, #tpu.memory_space<vmem>> -> memref<128xi32, #tpu.memory_space<vmem>>
      %dma_wait3A_129 = arith.constant 0 : i32
      %dma_wait3A_130 = arith.constant 0 : i32
      %dma_wait3A_131 = tpu.memref_slice %arg2[%dma_wait3A_129, %dma_wait3A_130] : memref<10240x64xf32, #tpu.memory_space<hbm>> -> memref<10240x64xf32, #tpu.memory_space<hbm>>
      tpu.wait_indirect_dma semaphore(%arg17 : memref<!tpu.dma_semaphore, #tpu.memory_space<semaphore_mem>>) src(%dma_wait3A_131 : memref<10240x64xf32, #tpu.memory_space<hbm>>) dst(%arg10 : memref<128x64xf32, #tpu.memory_space<vmem>>)
      %add3A_132 = arith.constant 1 : i32
      %add3A_133 = arith.addi %mul3A_70, %add3A_132 : i32
      %dma_wait3A_134 = arith.constant 0 : i32
      %dma_wait3A_135 = tpu.memref_slice %arg8[%add3A_133, %dma_wait3A_134] : memref<79x128xi32, #tpu.memory_space<vmem>> -> memref<1x128xi32, #tpu.memory_space<vmem>>
      %dma_wait3A_136 = tpu.memref_squeeze %dma_wait3A_135 : memref<1x128xi32, #tpu.memory_space<vmem>> -> memref<128xi32, #tpu.memory_space<vmem>>
      %dma_wait3A_137 = arith.constant 0 : i32
      %dma_wait3A_138 = arith.constant 0 : i32
      %dma_wait3A_139 = tpu.memref_slice %arg3[%dma_wait3A_137, %dma_wait3A_138] : memref<10240x64xf32, #tpu.memory_space<hbm>> -> memref<10240x64xf32, #tpu.memory_space<hbm>>
      tpu.wait_indirect_dma semaphore(%arg19 : memref<!tpu.dma_semaphore, #tpu.memory_space<semaphore_mem>>) src(%dma_wait3A_139 : memref<10240x64xf32, #tpu.memory_space<hbm>>) dst(%arg12 : memref<128x64xf32, #tpu.memory_space<vmem>>)
      %gt3A_140 = arith.constant 0 : i32
      %gt3A_141 = arith.cmpi sgt, %add3A_68, %gt3A_140 : i32
      %convert_element_type3A_142 = arith.extui %gt3A_141 : i1 to i32
      %cond3A_143 = arith.constant 0 : i32
      %cond3A_144 = arith.cmpi ne, %convert_element_type3A_142, %cond3A_143 : i32
      scf.if %cond3A_144 {
        %sub3A = arith.constant 1 : i32
        %sub3A_154 = arith.subi %mul3A_70, %sub3A : i32
        %mul3A_155 = arith.constant 128 : i32
        %mul3A_156 = arith.muli %sub3A_154, %mul3A_155 : i32
        %add3A_157 = arith.addi %mul3A_6, %mul3A_156 : i32
        %dma_wait3A_158 = arith.constant 0 : i32
        %dma_wait3A_159 = tpu.memref_slice %arg6[%add3A_157, %dma_wait3A_158] : memref<323584x64xf32, #tpu.memory_space<hbm>> -> memref<128x64xf32, #tpu.memory_space<hbm>>
        %dma_wait3A_160 = arith.constant 0 : i32
        %dma_wait3A_161 = tpu.memref_slice %arg15[%mul3A_8, %dma_wait3A_160] : memref<2048x64xf32, #tpu.memory_space<vmem_shared>> -> memref<128x64xf32, #tpu.memory_space<vmem_shared>>
        tpu.wait_dma2 semaphore(%arg21 : memref<!tpu.dma_semaphore, #tpu.memory_space<semaphore_mem>>) src(%dma_wait3A_161 : memref<128x64xf32, #tpu.memory_space<vmem_shared>>) dst(%dma_wait3A_159 : memref<128x64xf32, #tpu.memory_space<hbm>>)
      } else {
      }
      "tpu.region"() ({
        %run_scoped3A = tpu.sem_alloc : memref<!tpu.dma_semaphore, #tpu.memory_space<semaphore_mem>>
        %dma_start3A_154 = arith.constant 0 : i32
        %dma_start3A_155 = tpu.memref_slice %arg15[%mul3A_8, %dma_start3A_154] : memref<2048x64xf32, #tpu.memory_space<vmem_shared>> -> memref<128x64xf32, #tpu.memory_space<vmem_shared>>
        %dma_start3A_156 = arith.constant 0 : i32
        %dma_start3A_157 = tpu.memref_slice %arg15[%mul3A_8, %dma_start3A_156] : memref<2048x64xf32, #tpu.memory_space<vmem_shared>> -> memref<128x64xf32, #tpu.memory_space<vmem_shared>>
        tpu.enqueue_dma source(%arg10 : memref<128x64xf32, #tpu.memory_space<vmem>>) target(%dma_start3A_157 : memref<128x64xf32, #tpu.memory_space<vmem_shared>>) target_semaphore(%run_scoped3A : memref<!tpu.dma_semaphore, #tpu.memory_space<semaphore_mem>>)
        %dma_wait3A_158 = arith.constant 0 : i32
        %dma_wait3A_159 = tpu.memref_slice %arg15[%mul3A_8, %dma_wait3A_158] : memref<2048x64xf32, #tpu.memory_space<vmem_shared>> -> memref<128x64xf32, #tpu.memory_space<vmem_shared>>
        %dma_wait3A_160 = arith.constant 0 : i32
        %dma_wait3A_161 = tpu.memref_slice %arg15[%mul3A_8, %dma_wait3A_160] : memref<2048x64xf32, #tpu.memory_space<vmem_shared>> -> memref<128x64xf32, #tpu.memory_space<vmem_shared>>
        tpu.wait_dma2 semaphore(%run_scoped3A : memref<!tpu.dma_semaphore, #tpu.memory_space<semaphore_mem>>) src(%arg10 : memref<128x64xf32, #tpu.memory_space<vmem>>) dst(%dma_wait3A_161 : memref<128x64xf32, #tpu.memory_space<vmem_shared>>)
        tpu.yield
      }) : () -> ()
      "tpu.region"() ({
        %run_scoped3A = tpu.sem_alloc : memref<!tpu.dma_semaphore, #tpu.memory_space<semaphore_mem>>
        %dma_start3A_154 = arith.constant 0 : i32
        %dma_start3A_155 = arith.constant 0 : i32
        %dma_start3A_156 = tpu.memref_slice %arg15[%dma_start3A_154, %dma_start3A_155] : memref<2048x64xf32, #tpu.memory_space<vmem_shared>> -> memref<2048x64xf32, #tpu.memory_space<vmem_shared>>
        tpu.enqueue_indirect_dma source(%arg12 : memref<128x64xf32, #tpu.memory_space<vmem>>) target(%dma_start3A_156 : memref<2048x64xf32, #tpu.memory_space<vmem_shared>>) offsets(%arg13 : memref<128xi32, #tpu.memory_space<vmem>>) semaphore(%run_scoped3A : memref<!tpu.dma_semaphore, #tpu.memory_space<semaphore_mem>>) {add = true}
        %dma_wait3A_157 = arith.constant 0 : i32
        %dma_wait3A_158 = arith.constant 0 : i32
        %dma_wait3A_159 = tpu.memref_slice %arg15[%dma_wait3A_157, %dma_wait3A_158] : memref<2048x64xf32, #tpu.memory_space<vmem_shared>> -> memref<2048x64xf32, #tpu.memory_space<vmem_shared>>
        tpu.wait_indirect_dma semaphore(%run_scoped3A : memref<!tpu.dma_semaphore, #tpu.memory_space<semaphore_mem>>) src(%arg12 : memref<128x64xf32, #tpu.memory_space<vmem>>) dst(%dma_wait3A_159 : memref<2048x64xf32, #tpu.memory_space<vmem_shared>>)
        tpu.yield
      }) : () -> ()
      %add3A_145 = arith.constant 1 : i32
      %add3A_146 = arith.addi %mul3A_70, %add3A_145 : i32
      %mul3A_147 = arith.constant 128 : i32
      %mul3A_148 = arith.muli %add3A_146, %mul3A_147 : i32
      %add3A_149 = arith.addi %mul3A_6, %mul3A_148 : i32
      %dma_start3A_150 = arith.constant 0 : i32
      %dma_start3A_151 = tpu.memref_slice %arg6[%add3A_149, %dma_start3A_150] : memref<323584x64xf32, #tpu.memory_space<hbm>> -> memref<128x64xf32, #tpu.memory_space<hbm>>
      %dma_start3A_152 = arith.constant 0 : i32
      %dma_start3A_153 = tpu.memref_slice %arg15[%mul3A_8, %dma_start3A_152] : memref<2048x64xf32, #tpu.memory_space<vmem_shared>> -> memref<128x64xf32, #tpu.memory_space<vmem_shared>>
      tpu.enqueue_dma source(%dma_start3A_153 : memref<128x64xf32, #tpu.memory_space<vmem_shared>>) target(%dma_start3A_151 : memref<128x64xf32, #tpu.memory_space<hbm>>) target_semaphore(%arg21 : memref<!tpu.dma_semaphore, #tpu.memory_space<semaphore_mem>>)
    }
    %scan3A_26 = arith.constant 39 : i32
    %dma_wait3A = arith.constant 78 : i32
    %dma_wait3A_27 = arith.constant 0 : i32
    %dma_wait3A_28 = tpu.memref_slice %arg7[%dma_wait3A, %dma_wait3A_27] : memref<79x128xi32, #tpu.memory_space<vmem>> -> memref<1x128xi32, #tpu.memory_space<vmem>>
    %dma_wait3A_29 = tpu.memref_squeeze %dma_wait3A_28 : memref<1x128xi32, #tpu.memory_space<vmem>> -> memref<128xi32, #tpu.memory_space<vmem>>
    %dma_wait3A_30 = arith.constant 0 : i32
    %dma_wait3A_31 = arith.constant 0 : i32
    %dma_wait3A_32 = tpu.memref_slice %arg2[%dma_wait3A_30, %dma_wait3A_31] : memref<10240x64xf32, #tpu.memory_space<hbm>> -> memref<10240x64xf32, #tpu.memory_space<hbm>>
    tpu.wait_indirect_dma semaphore(%arg16 : memref<!tpu.dma_semaphore, #tpu.memory_space<semaphore_mem>>) src(%dma_wait3A_32 : memref<10240x64xf32, #tpu.memory_space<hbm>>) dst(%arg9 : memref<128x64xf32, #tpu.memory_space<vmem>>)
    %dma_wait3A_33 = arith.constant 78 : i32
    %dma_wait3A_34 = arith.constant 0 : i32
    %dma_wait3A_35 = tpu.memref_slice %arg8[%dma_wait3A_33, %dma_wait3A_34] : memref<79x128xi32, #tpu.memory_space<vmem>> -> memref<1x128xi32, #tpu.memory_space<vmem>>
    %dma_wait3A_36 = tpu.memref_squeeze %dma_wait3A_35 : memref<1x128xi32, #tpu.memory_space<vmem>> -> memref<128xi32, #tpu.memory_space<vmem>>
    %dma_wait3A_37 = arith.constant 0 : i32
    %dma_wait3A_38 = arith.constant 0 : i32
    %dma_wait3A_39 = tpu.memref_slice %arg3[%dma_wait3A_37, %dma_wait3A_38] : memref<10240x64xf32, #tpu.memory_space<hbm>> -> memref<10240x64xf32, #tpu.memory_space<hbm>>
    tpu.wait_indirect_dma semaphore(%arg18 : memref<!tpu.dma_semaphore, #tpu.memory_space<semaphore_mem>>) src(%dma_wait3A_39 : memref<10240x64xf32, #tpu.memory_space<hbm>>) dst(%arg11 : memref<128x64xf32, #tpu.memory_space<vmem>>)
    %add3A_40 = arith.constant 9728 : i32
    %add3A_41 = arith.addi %mul3A_6, %add3A_40 : i32
    %dma_wait3A_42 = arith.constant 0 : i32
    %dma_wait3A_43 = tpu.memref_slice %arg6[%add3A_41, %dma_wait3A_42] : memref<323584x64xf32, #tpu.memory_space<hbm>> -> memref<128x64xf32, #tpu.memory_space<hbm>>
    %dma_wait3A_44 = arith.constant 0 : i32
    %dma_wait3A_45 = tpu.memref_slice %arg14[%mul3A_8, %dma_wait3A_44] : memref<2048x64xf32, #tpu.memory_space<vmem_shared>> -> memref<128x64xf32, #tpu.memory_space<vmem_shared>>
    tpu.wait_dma2 semaphore(%arg20 : memref<!tpu.dma_semaphore, #tpu.memory_space<semaphore_mem>>) src(%dma_wait3A_45 : memref<128x64xf32, #tpu.memory_space<vmem_shared>>) dst(%dma_wait3A_43 : memref<128x64xf32, #tpu.memory_space<hbm>>)
    "tpu.region"() ({
      %run_scoped3A = tpu.sem_alloc : memref<!tpu.dma_semaphore, #tpu.memory_space<semaphore_mem>>
      %dma_start3A_64 = arith.constant 0 : i32
      %dma_start3A_65 = tpu.memref_slice %arg14[%mul3A_8, %dma_start3A_64] : memref<2048x64xf32, #tpu.memory_space<vmem_shared>> -> memref<128x64xf32, #tpu.memory_space<vmem_shared>>
      %dma_start3A_66 = arith.constant 0 : i32
      %dma_start3A_67 = tpu.memref_slice %arg14[%mul3A_8, %dma_start3A_66] : memref<2048x64xf32, #tpu.memory_space<vmem_shared>> -> memref<128x64xf32, #tpu.memory_space<vmem_shared>>
      tpu.enqueue_dma source(%arg9 : memref<128x64xf32, #tpu.memory_space<vmem>>) target(%dma_start3A_67 : memref<128x64xf32, #tpu.memory_space<vmem_shared>>) target_semaphore(%run_scoped3A : memref<!tpu.dma_semaphore, #tpu.memory_space<semaphore_mem>>)
      %dma_wait3A_68 = arith.constant 0 : i32
      %dma_wait3A_69 = tpu.memref_slice %arg14[%mul3A_8, %dma_wait3A_68] : memref<2048x64xf32, #tpu.memory_space<vmem_shared>> -> memref<128x64xf32, #tpu.memory_space<vmem_shared>>
      %dma_wait3A_70 = arith.constant 0 : i32
      %dma_wait3A_71 = tpu.memref_slice %arg14[%mul3A_8, %dma_wait3A_70] : memref<2048x64xf32, #tpu.memory_space<vmem_shared>> -> memref<128x64xf32, #tpu.memory_space<vmem_shared>>
      tpu.wait_dma2 semaphore(%run_scoped3A : memref<!tpu.dma_semaphore, #tpu.memory_space<semaphore_mem>>) src(%arg9 : memref<128x64xf32, #tpu.memory_space<vmem>>) dst(%dma_wait3A_71 : memref<128x64xf32, #tpu.memory_space<vmem_shared>>)
      tpu.yield
    }) : () -> ()
    "tpu.region"() ({
      %run_scoped3A = tpu.sem_alloc : memref<!tpu.dma_semaphore, #tpu.memory_space<semaphore_mem>>
      %dma_start3A_64 = arith.constant 0 : i32
      %dma_start3A_65 = arith.constant 0 : i32
      %dma_start3A_66 = tpu.memref_slice %arg14[%dma_start3A_64, %dma_start3A_65] : memref<2048x64xf32, #tpu.memory_space<vmem_shared>> -> memref<2048x64xf32, #tpu.memory_space<vmem_shared>>
      tpu.enqueue_indirect_dma source(%arg11 : memref<128x64xf32, #tpu.memory_space<vmem>>) target(%dma_start3A_66 : memref<2048x64xf32, #tpu.memory_space<vmem_shared>>) offsets(%arg13 : memref<128xi32, #tpu.memory_space<vmem>>) semaphore(%run_scoped3A : memref<!tpu.dma_semaphore, #tpu.memory_space<semaphore_mem>>) {add = true}
      %dma_wait3A_67 = arith.constant 0 : i32
      %dma_wait3A_68 = arith.constant 0 : i32
      %dma_wait3A_69 = tpu.memref_slice %arg14[%dma_wait3A_67, %dma_wait3A_68] : memref<2048x64xf32, #tpu.memory_space<vmem_shared>> -> memref<2048x64xf32, #tpu.memory_space<vmem_shared>>
      tpu.wait_indirect_dma semaphore(%run_scoped3A : memref<!tpu.dma_semaphore, #tpu.memory_space<semaphore_mem>>) src(%arg11 : memref<128x64xf32, #tpu.memory_space<vmem>>) dst(%dma_wait3A_69 : memref<2048x64xf32, #tpu.memory_space<vmem_shared>>)
      tpu.yield
    }) : () -> ()
    %add3A_46 = arith.constant 9984 : i32
    %add3A_47 = arith.addi %mul3A_6, %add3A_46 : i32
    %dma_start3A_48 = arith.constant 0 : i32
    %dma_start3A_49 = tpu.memref_slice %arg6[%add3A_47, %dma_start3A_48] : memref<323584x64xf32, #tpu.memory_space<hbm>> -> memref<128x64xf32, #tpu.memory_space<hbm>>
    %dma_start3A_50 = arith.constant 0 : i32
    %dma_start3A_51 = tpu.memref_slice %arg14[%mul3A_8, %dma_start3A_50] : memref<2048x64xf32, #tpu.memory_space<vmem_shared>> -> memref<128x64xf32, #tpu.memory_space<vmem_shared>>
    tpu.enqueue_dma source(%dma_start3A_51 : memref<128x64xf32, #tpu.memory_space<vmem_shared>>) target(%dma_start3A_49 : memref<128x64xf32, #tpu.memory_space<hbm>>) target_semaphore(%arg20 : memref<!tpu.dma_semaphore, #tpu.memory_space<semaphore_mem>>)
    %add3A_52 = arith.constant 9856 : i32
    %add3A_53 = arith.addi %mul3A_6, %add3A_52 : i32
    %dma_wait3A_54 = arith.constant 0 : i32
    %dma_wait3A_55 = tpu.memref_slice %arg6[%add3A_53, %dma_wait3A_54] : memref<323584x64xf32, #tpu.memory_space<hbm>> -> memref<128x64xf32, #tpu.memory_space<hbm>>
    %dma_wait3A_56 = arith.constant 0 : i32
    %dma_wait3A_57 = tpu.memref_slice %arg15[%mul3A_8, %dma_wait3A_56] : memref<2048x64xf32, #tpu.memory_space<vmem_shared>> -> memref<128x64xf32, #tpu.memory_space<vmem_shared>>
    tpu.wait_dma2 semaphore(%arg21 : memref<!tpu.dma_semaphore, #tpu.memory_space<semaphore_mem>>) src(%dma_wait3A_57 : memref<128x64xf32, #tpu.memory_space<vmem_shared>>) dst(%dma_wait3A_55 : memref<128x64xf32, #tpu.memory_space<hbm>>)
    %add3A_58 = arith.constant 9984 : i32
    %add3A_59 = arith.addi %mul3A_6, %add3A_58 : i32
    %dma_wait3A_60 = arith.constant 0 : i32
    %dma_wait3A_61 = tpu.memref_slice %arg6[%add3A_59, %dma_wait3A_60] : memref<323584x64xf32, #tpu.memory_space<hbm>> -> memref<128x64xf32, #tpu.memory_space<hbm>>
    %dma_wait3A_62 = arith.constant 0 : i32
    %dma_wait3A_63 = tpu.memref_slice %arg14[%mul3A_8, %dma_wait3A_62] : memref<2048x64xf32, #tpu.memory_space<vmem_shared>> -> memref<128x64xf32, #tpu.memory_space<vmem_shared>>
    tpu.wait_dma2 semaphore(%arg20 : memref<!tpu.dma_semaphore, #tpu.memory_space<semaphore_mem>>) src(%dma_wait3A_63 : memref<128x64xf32, #tpu.memory_space<vmem_shared>>) dst(%dma_wait3A_61 : memref<128x64xf32, #tpu.memory_space<hbm>>)
    return
  }
}

#map = affine_map<(d0, d1) -> (0, 0)>
#map1 = affine_map<(d0, d1) -> (0, 0, 0)>
module attributes {stable_mosaic.version = 14 : i64} {
  func.func @k(%arg0: i32, %arg1: i32, %arg2: memref<10240x64xf32, #tpu.memory_space<hbm>>, %arg3: memref<32x79x128xi32, #tpu.memory_space<hbm>>, %arg4: memref<32x79x128xi32, #tpu.memory_space<hbm>>, %arg5: memref<2x10240x64xf32, #tpu.memory_space<hbm>>, %arg6: memref<79x128xi32, #tpu.memory_space<vmem>>, %arg7: memref<79x128xi32, #tpu.memory_space<vmem>>, %arg8: memref<128x64xf32, #tpu.memory_space<vmem>>, %arg9: memref<128x64xf32, #tpu.memory_space<vmem>>, %arg10: memref<128x64xf32, #tpu.memory_space<vmem>>, %arg11: memref<10240x64xf32, #tpu.memory_space<vmem_shared>>, %arg12: memref<!tpu.dma_semaphore, #tpu.memory_space<semaphore_mem>>, %arg13: memref<!tpu.dma_semaphore, #tpu.memory_space<semaphore_mem>>) attributes {dimension_semantics = [#tpu.dimension_semantics<core_parallel>, #tpu.dimension_semantics<subcore_parallel>], iteration_bounds = array<i64: 2, 16>, scalar_prefetch = 0 : i64, scratch_operands = 8 : i64, tpu.core_type = #tpu.core_type<sc_vector_subcore>, window_params = [{transform_indices = #map}, {transform_indices = #map1}, {transform_indices = #map1}, {transform_indices = #map1}]} {
    %mul3A = arith.constant 2 : i32
    %mul3A_0 = arith.muli %arg1, %mul3A : i32
    %add3A = arith.addi %mul3A_0, %arg0 : i32
    %scan3A = arith.constant 0 : i32
    %scan3A_1 = arith.constant 128 : i32
    %scan3A_2 = arith.addi %scan3A, %scan3A_1 : i32
    %scan3A_3 = arith.constant 1 : i32
    scf.for %scan3A_33 = %scan3A to %scan3A_2 step %scan3A_3  : i32 {
      %mul3A_34 = arith.constant 1 : i32
      %mul3A_35 = arith.muli %scan3A_33, %mul3A_34 : i32
      %add3A_36 = arith.constant 0 : i32
      %add3A_37 = arith.addi %add3A_36, %mul3A_35 : i32
      %scan3A_38 = arith.constant 0 : i32
      %scan3A_39 = arith.constant 4 : i32
      %scan3A_40 = arith.addi %scan3A_38, %scan3A_39 : i32
      %scan3A_41 = arith.constant 1 : i32
      scf.for %scan3A_43 = %scan3A_38 to %scan3A_40 step %scan3A_41  : i32 {
        %mul3A_44 = arith.constant 1 : i32
        %mul3A_45 = arith.muli %scan3A_43, %mul3A_44 : i32
        %add3A_46 = arith.constant 0 : i32
        %add3A_47 = arith.addi %add3A_46, %mul3A_45 : i32
        %broadcast_in_dim3A = arith.constant 0.000000e+00 : f32
        %broadcast_in_dim3A_48 = vector.broadcast %broadcast_in_dim3A : f32 to vector<1x16xf32>
        %mul3A_49 = arith.constant 16 : i32
        %mul3A_50 = arith.muli %add3A_47, %mul3A_49 : i32
        %swap3A = arith.index_cast %add3A_37 : i32 to index
        %swap3A_51 = arith.index_cast %mul3A_50 : i32 to index
        %swap3A_52 = tpu.vector_load %arg10[%swap3A, %swap3A_51] {strides = array<i32>} : memref<128x64xf32, #tpu.memory_space<vmem>>, vector<1x16xf32>,
        %swap3A_53 = vector.shape_cast %swap3A_52 : vector<1x16xf32> to vector<1x16xf32>
        %swap3A_54 = vector.shape_cast %broadcast_in_dim3A_48 : vector<1x16xf32> to vector<1x16xf32>
        tpu.vector_store %arg10[%swap3A, %swap3A_51], %swap3A_54 {strides = array<i32>} : memref<128x64xf32, #tpu.memory_space<vmem>>, vector<1x16xf32>,
      }
      %scan3A_42 = arith.constant 4 : i32
    }
    %scan3A_4 = arith.constant 128 : i32
    %scan3A_5 = arith.constant 0 : i32
    %scan3A_6 = arith.constant 5 : i32
    %scan3A_7 = arith.addi %scan3A_5, %scan3A_6 : i32
    %scan3A_8 = arith.constant 1 : i32
    scf.for %scan3A_33 = %scan3A_5 to %scan3A_7 step %scan3A_8  : i32 {
      %mul3A_34 = arith.constant 1 : i32
      %mul3A_35 = arith.muli %scan3A_33, %mul3A_34 : i32
      %add3A_36 = arith.constant 0 : i32
      %add3A_37 = arith.addi %add3A_36, %mul3A_35 : i32
      %mul3A_38 = arith.constant 640 : i32
      %mul3A_39 = arith.muli %arg1, %mul3A_38 : i32
      %mul3A_40 = arith.constant 128 : i32
      %mul3A_41 = arith.muli %add3A_37, %mul3A_40 : i32
      %add3A_42 = arith.addi %mul3A_39, %mul3A_41 : i32
      "tpu.region"() ({
        %run_scoped3A_43 = tpu.sem_alloc : memref<!tpu.dma_semaphore, #tpu.memory_space<semaphore_mem>>
        %dma_start3A_44 = arith.constant 0 : i32
        %dma_start3A_45 = tpu.memref_slice %arg11[%add3A_42, %dma_start3A_44] : memref<10240x64xf32, #tpu.memory_space<vmem_shared>> -> memref<128x64xf32, #tpu.memory_space<vmem_shared>>
        %dma_start3A_46 = arith.constant 0 : i32
        %dma_start3A_47 = tpu.memref_slice %arg11[%add3A_42, %dma_start3A_46] : memref<10240x64xf32, #tpu.memory_space<vmem_shared>> -> memref<128x64xf32, #tpu.memory_space<vmem_shared>>
        tpu.enqueue_dma source(%arg10 : memref<128x64xf32, #tpu.memory_space<vmem>>) target(%dma_start3A_47 : memref<128x64xf32, #tpu.memory_space<vmem_shared>>) target_semaphore(%run_scoped3A_43 : memref<!tpu.dma_semaphore, #tpu.memory_space<semaphore_mem>>)
        %dma_wait3A_48 = arith.constant 0 : i32
        %dma_wait3A_49 = tpu.memref_slice %arg11[%add3A_42, %dma_wait3A_48] : memref<10240x64xf32, #tpu.memory_space<vmem_shared>> -> memref<128x64xf32, #tpu.memory_space<vmem_shared>>
        %dma_wait3A_50 = arith.constant 0 : i32
        %dma_wait3A_51 = tpu.memref_slice %arg11[%add3A_42, %dma_wait3A_50] : memref<10240x64xf32, #tpu.memory_space<vmem_shared>> -> memref<128x64xf32, #tpu.memory_space<vmem_shared>>
        tpu.wait_dma2 semaphore(%run_scoped3A_43 : memref<!tpu.dma_semaphore, #tpu.memory_space<semaphore_mem>>) src(%arg10 : memref<128x64xf32, #tpu.memory_space<vmem>>) dst(%dma_wait3A_51 : memref<128x64xf32, #tpu.memory_space<vmem_shared>>)
        tpu.yield
      }) : () -> ()
    }
    %scan3A_9 = arith.constant 5 : i32
    %barrier3A = arith.constant 0 : index
    tpu.barrier barrier_id(%barrier3A)
    "tpu.region"() ({
      %run_scoped3A_33 = tpu.sem_alloc : memref<!tpu.dma_semaphore, #tpu.memory_space<semaphore_mem>>
      %dma_start3A_34 = arith.constant 0 : i32
      %dma_start3A_35 = arith.constant 0 : i32
      %dma_start3A_36 = tpu.memref_slice %arg3[%add3A, %dma_start3A_34, %dma_start3A_35] : memref<32x79x128xi32, #tpu.memory_space<hbm>> -> memref<1x79x128xi32, #tpu.memory_space<hbm>>
      %dma_start3A_37 = tpu.memref_squeeze %dma_start3A_36 : memref<1x79x128xi32, #tpu.memory_space<hbm>> -> memref<79x128xi32, #tpu.memory_space<hbm>>
      %dma_start3A_38 = arith.constant 0 : i32
      %dma_start3A_39 = arith.constant 0 : i32
      %dma_start3A_40 = tpu.memref_slice %arg3[%add3A, %dma_start3A_38, %dma_start3A_39] : memref<32x79x128xi32, #tpu.memory_space<hbm>> -> memref<1x79x128xi32, #tpu.memory_space<hbm>>
      %dma_start3A_41 = tpu.memref_squeeze %dma_start3A_40 : memref<1x79x128xi32, #tpu.memory_space<hbm>> -> memref<79x128xi32, #tpu.memory_space<hbm>>
      tpu.enqueue_dma source(%dma_start3A_41 : memref<79x128xi32, #tpu.memory_space<hbm>>) target(%arg6 : memref<79x128xi32, #tpu.memory_space<vmem>>) target_semaphore(%run_scoped3A_33 : memref<!tpu.dma_semaphore, #tpu.memory_space<semaphore_mem>>)
      %dma_wait3A_42 = arith.constant 0 : i32
      %dma_wait3A_43 = arith.constant 0 : i32
      %dma_wait3A_44 = tpu.memref_slice %arg3[%add3A, %dma_wait3A_42, %dma_wait3A_43] : memref<32x79x128xi32, #tpu.memory_space<hbm>> -> memref<1x79x128xi32, #tpu.memory_space<hbm>>
      %dma_wait3A_45 = tpu.memref_squeeze %dma_wait3A_44 : memref<1x79x128xi32, #tpu.memory_space<hbm>> -> memref<79x128xi32, #tpu.memory_space<hbm>>
      %dma_wait3A_46 = arith.constant 0 : i32
      %dma_wait3A_47 = arith.constant 0 : i32
      %dma_wait3A_48 = tpu.memref_slice %arg3[%add3A, %dma_wait3A_46, %dma_wait3A_47] : memref<32x79x128xi32, #tpu.memory_space<hbm>> -> memref<1x79x128xi32, #tpu.memory_space<hbm>>
      %dma_wait3A_49 = tpu.memref_squeeze %dma_wait3A_48 : memref<1x79x128xi32, #tpu.memory_space<hbm>> -> memref<79x128xi32, #tpu.memory_space<hbm>>
      tpu.wait_dma2 semaphore(%run_scoped3A_33 : memref<!tpu.dma_semaphore, #tpu.memory_space<semaphore_mem>>) src(%dma_wait3A_49 : memref<79x128xi32, #tpu.memory_space<hbm>>) dst(%arg6 : memref<79x128xi32, #tpu.memory_space<vmem>>)
      tpu.yield
    }) : () -> ()
    "tpu.region"() ({
      %run_scoped3A_33 = tpu.sem_alloc : memref<!tpu.dma_semaphore, #tpu.memory_space<semaphore_mem>>
      %dma_start3A_34 = arith.constant 0 : i32
      %dma_start3A_35 = arith.constant 0 : i32
      %dma_start3A_36 = tpu.memref_slice %arg4[%add3A, %dma_start3A_34, %dma_start3A_35] : memref<32x79x128xi32, #tpu.memory_space<hbm>> -> memref<1x79x128xi32, #tpu.memory_space<hbm>>
      %dma_start3A_37 = tpu.memref_squeeze %dma_start3A_36 : memref<1x79x128xi32, #tpu.memory_space<hbm>> -> memref<79x128xi32, #tpu.memory_space<hbm>>
      %dma_start3A_38 = arith.constant 0 : i32
      %dma_start3A_39 = arith.constant 0 : i32
      %dma_start3A_40 = tpu.memref_slice %arg4[%add3A, %dma_start3A_38, %dma_start3A_39] : memref<32x79x128xi32, #tpu.memory_space<hbm>> -> memref<1x79x128xi32, #tpu.memory_space<hbm>>
      %dma_start3A_41 = tpu.memref_squeeze %dma_start3A_40 : memref<1x79x128xi32, #tpu.memory_space<hbm>> -> memref<79x128xi32, #tpu.memory_space<hbm>>
      tpu.enqueue_dma source(%dma_start3A_41 : memref<79x128xi32, #tpu.memory_space<hbm>>) target(%arg7 : memref<79x128xi32, #tpu.memory_space<vmem>>) target_semaphore(%run_scoped3A_33 : memref<!tpu.dma_semaphore, #tpu.memory_space<semaphore_mem>>)
      %dma_wait3A_42 = arith.constant 0 : i32
      %dma_wait3A_43 = arith.constant 0 : i32
      %dma_wait3A_44 = tpu.memref_slice %arg4[%add3A, %dma_wait3A_42, %dma_wait3A_43] : memref<32x79x128xi32, #tpu.memory_space<hbm>> -> memref<1x79x128xi32, #tpu.memory_space<hbm>>
      %dma_wait3A_45 = tpu.memref_squeeze %dma_wait3A_44 : memref<1x79x128xi32, #tpu.memory_space<hbm>> -> memref<79x128xi32, #tpu.memory_space<hbm>>
      %dma_wait3A_46 = arith.constant 0 : i32
      %dma_wait3A_47 = arith.constant 0 : i32
      %dma_wait3A_48 = tpu.memref_slice %arg4[%add3A, %dma_wait3A_46, %dma_wait3A_47] : memref<32x79x128xi32, #tpu.memory_space<hbm>> -> memref<1x79x128xi32, #tpu.memory_space<hbm>>
      %dma_wait3A_49 = tpu.memref_squeeze %dma_wait3A_48 : memref<1x79x128xi32, #tpu.memory_space<hbm>> -> memref<79x128xi32, #tpu.memory_space<hbm>>
      tpu.wait_dma2 semaphore(%run_scoped3A_33 : memref<!tpu.dma_semaphore, #tpu.memory_space<semaphore_mem>>) src(%dma_wait3A_49 : memref<79x128xi32, #tpu.memory_space<hbm>>) dst(%arg7 : memref<79x128xi32, #tpu.memory_space<vmem>>)
      tpu.yield
    }) : () -> ()
    %dma_start3A = arith.constant 0 : i32
    %dma_start3A_10 = arith.constant 0 : i32
    %dma_start3A_11 = tpu.memref_slice %arg6[%dma_start3A, %dma_start3A_10] : memref<79x128xi32, #tpu.memory_space<vmem>> -> memref<1x128xi32, #tpu.memory_space<vmem>>
    %dma_start3A_12 = tpu.memref_squeeze %dma_start3A_11 : memref<1x128xi32, #tpu.memory_space<vmem>> -> memref<128xi32, #tpu.memory_space<vmem>>
    %dma_start3A_13 = arith.constant 0 : i32
    %dma_start3A_14 = arith.constant 0 : i32
    %dma_start3A_15 = tpu.memref_slice %arg2[%dma_start3A_13, %dma_start3A_14] : memref<10240x64xf32, #tpu.memory_space<hbm>> -> memref<10240x64xf32, #tpu.memory_space<hbm>>
    tpu.enqueue_indirect_dma source(%dma_start3A_15 : memref<10240x64xf32, #tpu.memory_space<hbm>>) target(%arg8 : memref<128x64xf32, #tpu.memory_space<vmem>>) offsets(%dma_start3A_12 : memref<128xi32, #tpu.memory_space<vmem>>) semaphore(%arg12 : memref<!tpu.dma_semaphore, #tpu.memory_space<semaphore_mem>>)
    %scan3A_16 = arith.constant 0 : i32
    %scan3A_17 = arith.constant 39 : i32
    %scan3A_18 = arith.addi %scan3A_16, %scan3A_17 : i32
    %scan3A_19 = arith.constant 1 : i32
    scf.for %scan3A_33 = %scan3A_16 to %scan3A_18 step %scan3A_19  : i32 {
      %mul3A_34 = arith.constant 1 : i32
      %mul3A_35 = arith.muli %scan3A_33, %mul3A_34 : i32
      %add3A_36 = arith.constant 0 : i32
      %add3A_37 = arith.addi %add3A_36, %mul3A_35 : i32
      %mul3A_38 = arith.constant 2 : i32
      %mul3A_39 = arith.muli %mul3A_38, %add3A_37 : i32
      %add3A_40 = arith.constant 1 : i32
      %add3A_41 = arith.addi %mul3A_39, %add3A_40 : i32
      %dma_start3A_42 = arith.constant 0 : i32
      %dma_start3A_43 = tpu.memref_slice %arg6[%add3A_41, %dma_start3A_42] : memref<79x128xi32, #tpu.memory_space<vmem>> -> memref<1x128xi32, #tpu.memory_space<vmem>>
      %dma_start3A_44 = tpu.memref_squeeze %dma_start3A_43 : memref<1x128xi32, #tpu.memory_space<vmem>> -> memref<128xi32, #tpu.memory_space<vmem>>
      %dma_start3A_45 = arith.constant 0 : i32
      %dma_start3A_46 = arith.constant 0 : i32
      %dma_start3A_47 = tpu.memref_slice %arg2[%dma_start3A_45, %dma_start3A_46] : memref<10240x64xf32, #tpu.memory_space<hbm>> -> memref<10240x64xf32, #tpu.memory_space<hbm>>
      tpu.enqueue_indirect_dma source(%dma_start3A_47 : memref<10240x64xf32, #tpu.memory_space<hbm>>) target(%arg9 : memref<128x64xf32, #tpu.memory_space<vmem>>) offsets(%dma_start3A_44 : memref<128xi32, #tpu.memory_space<vmem>>) semaphore(%arg13 : memref<!tpu.dma_semaphore, #tpu.memory_space<semaphore_mem>>)
      %dma_wait3A_48 = arith.constant 0 : i32
      %dma_wait3A_49 = tpu.memref_slice %arg6[%mul3A_39, %dma_wait3A_48] : memref<79x128xi32, #tpu.memory_space<vmem>> -> memref<1x128xi32, #tpu.memory_space<vmem>>
      %dma_wait3A_50 = tpu.memref_squeeze %dma_wait3A_49 : memref<1x128xi32, #tpu.memory_space<vmem>> -> memref<128xi32, #tpu.memory_space<vmem>>
      %dma_wait3A_51 = arith.constant 0 : i32
      %dma_wait3A_52 = arith.constant 0 : i32
      %dma_wait3A_53 = tpu.memref_slice %arg2[%dma_wait3A_51, %dma_wait3A_52] : memref<10240x64xf32, #tpu.memory_space<hbm>> -> memref<10240x64xf32, #tpu.memory_space<hbm>>
      tpu.wait_indirect_dma semaphore(%arg12 : memref<!tpu.dma_semaphore, #tpu.memory_space<semaphore_mem>>) src(%dma_wait3A_53 : memref<10240x64xf32, #tpu.memory_space<hbm>>) dst(%arg8 : memref<128x64xf32, #tpu.memory_space<vmem>>)
      "tpu.region"() ({
        %run_scoped3A_72 = tpu.sem_alloc : memref<!tpu.dma_semaphore, #tpu.memory_space<semaphore_mem>>
        %dma_start3A_73 = arith.constant 0 : i32
        %dma_start3A_74 = tpu.memref_slice %arg7[%mul3A_39, %dma_start3A_73] : memref<79x128xi32, #tpu.memory_space<vmem>> -> memref<1x128xi32, #tpu.memory_space<vmem>>
        %dma_start3A_75 = tpu.memref_squeeze %dma_start3A_74 : memref<1x128xi32, #tpu.memory_space<vmem>> -> memref<128xi32, #tpu.memory_space<vmem>>
        %dma_start3A_76 = arith.constant 0 : i32
        %dma_start3A_77 = arith.constant 0 : i32
        %dma_start3A_78 = tpu.memref_slice %arg11[%dma_start3A_76, %dma_start3A_77] : memref<10240x64xf32, #tpu.memory_space<vmem_shared>> -> memref<10240x64xf32, #tpu.memory_space<vmem_shared>>
        tpu.enqueue_indirect_dma source(%arg8 : memref<128x64xf32, #tpu.memory_space<vmem>>) target(%dma_start3A_78 : memref<10240x64xf32, #tpu.memory_space<vmem_shared>>) offsets(%dma_start3A_75 : memref<128xi32, #tpu.memory_space<vmem>>) semaphore(%run_scoped3A_72 : memref<!tpu.dma_semaphore, #tpu.memory_space<semaphore_mem>>) {add = true}
        %dma_wait3A_79 = arith.constant 0 : i32
        %dma_wait3A_80 = tpu.memref_slice %arg7[%mul3A_39, %dma_wait3A_79] : memref<79x128xi32, #tpu.memory_space<vmem>> -> memref<1x128xi32, #tpu.memory_space<vmem>>
        %dma_wait3A_81 = tpu.memref_squeeze %dma_wait3A_80 : memref<1x128xi32, #tpu.memory_space<vmem>> -> memref<128xi32, #tpu.memory_space<vmem>>
        %dma_wait3A_82 = arith.constant 0 : i32
        %dma_wait3A_83 = arith.constant 0 : i32
        %dma_wait3A_84 = tpu.memref_slice %arg11[%dma_wait3A_82, %dma_wait3A_83] : memref<10240x64xf32, #tpu.memory_space<vmem_shared>> -> memref<10240x64xf32, #tpu.memory_space<vmem_shared>>
        tpu.wait_indirect_dma semaphore(%run_scoped3A_72 : memref<!tpu.dma_semaphore, #tpu.memory_space<semaphore_mem>>) src(%arg8 : memref<128x64xf32, #tpu.memory_space<vmem>>) dst(%dma_wait3A_84 : memref<10240x64xf32, #tpu.memory_space<vmem_shared>>)
        tpu.yield
      }) : () -> ()
      %add3A_54 = arith.constant 2 : i32
      %add3A_55 = arith.addi %mul3A_39, %add3A_54 : i32
      %dma_start3A_56 = arith.constant 0 : i32
      %dma_start3A_57 = tpu.memref_slice %arg6[%add3A_55, %dma_start3A_56] : memref<79x128xi32, #tpu.memory_space<vmem>> -> memref<1x128xi32, #tpu.memory_space<vmem>>
      %dma_start3A_58 = tpu.memref_squeeze %dma_start3A_57 : memref<1x128xi32, #tpu.memory_space<vmem>> -> memref<128xi32, #tpu.memory_space<vmem>>
      %dma_start3A_59 = arith.constant 0 : i32
      %dma_start3A_60 = arith.constant 0 : i32
      %dma_start3A_61 = tpu.memref_slice %arg2[%dma_start3A_59, %dma_start3A_60] : memref<10240x64xf32, #tpu.memory_space<hbm>> -> memref<10240x64xf32, #tpu.memory_space<hbm>>
      tpu.enqueue_indirect_dma source(%dma_start3A_61 : memref<10240x64xf32, #tpu.memory_space<hbm>>) target(%arg8 : memref<128x64xf32, #tpu.memory_space<vmem>>) offsets(%dma_start3A_58 : memref<128xi32, #tpu.memory_space<vmem>>) semaphore(%arg12 : memref<!tpu.dma_semaphore, #tpu.memory_space<semaphore_mem>>)
      %add3A_62 = arith.constant 1 : i32
      %add3A_63 = arith.addi %mul3A_39, %add3A_62 : i32
      %dma_wait3A_64 = arith.constant 0 : i32
      %dma_wait3A_65 = tpu.memref_slice %arg6[%add3A_63, %dma_wait3A_64] : memref<79x128xi32, #tpu.memory_space<vmem>> -> memref<1x128xi32, #tpu.memory_space<vmem>>
      %dma_wait3A_66 = tpu.memref_squeeze %dma_wait3A_65 : memref<1x128xi32, #tpu.memory_space<vmem>> -> memref<128xi32, #tpu.memory_space<vmem>>
      %dma_wait3A_67 = arith.constant 0 : i32
      %dma_wait3A_68 = arith.constant 0 : i32
      %dma_wait3A_69 = tpu.memref_slice %arg2[%dma_wait3A_67, %dma_wait3A_68] : memref<10240x64xf32, #tpu.memory_space<hbm>> -> memref<10240x64xf32, #tpu.memory_space<hbm>>
      tpu.wait_indirect_dma semaphore(%arg13 : memref<!tpu.dma_semaphore, #tpu.memory_space<semaphore_mem>>) src(%dma_wait3A_69 : memref<10240x64xf32, #tpu.memory_space<hbm>>) dst(%arg9 : memref<128x64xf32, #tpu.memory_space<vmem>>)
      %add3A_70 = arith.constant 1 : i32
      %add3A_71 = arith.addi %mul3A_39, %add3A_70 : i32
      "tpu.region"() ({
        %run_scoped3A_72 = tpu.sem_alloc : memref<!tpu.dma_semaphore, #tpu.memory_space<semaphore_mem>>
        %dma_start3A_73 = arith.constant 0 : i32
        %dma_start3A_74 = tpu.memref_slice %arg7[%add3A_71, %dma_start3A_73] : memref<79x128xi32, #tpu.memory_space<vmem>> -> memref<1x128xi32, #tpu.memory_space<vmem>>
        %dma_start3A_75 = tpu.memref_squeeze %dma_start3A_74 : memref<1x128xi32, #tpu.memory_space<vmem>> -> memref<128xi32, #tpu.memory_space<vmem>>
        %dma_start3A_76 = arith.constant 0 : i32
        %dma_start3A_77 = arith.constant 0 : i32
        %dma_start3A_78 = tpu.memref_slice %arg11[%dma_start3A_76, %dma_start3A_77] : memref<10240x64xf32, #tpu.memory_space<vmem_shared>> -> memref<10240x64xf32, #tpu.memory_space<vmem_shared>>
        tpu.enqueue_indirect_dma source(%arg9 : memref<128x64xf32, #tpu.memory_space<vmem>>) target(%dma_start3A_78 : memref<10240x64xf32, #tpu.memory_space<vmem_shared>>) offsets(%dma_start3A_75 : memref<128xi32, #tpu.memory_space<vmem>>) semaphore(%run_scoped3A_72 : memref<!tpu.dma_semaphore, #tpu.memory_space<semaphore_mem>>) {add = true}
        %dma_wait3A_79 = arith.constant 0 : i32
        %dma_wait3A_80 = tpu.memref_slice %arg7[%add3A_71, %dma_wait3A_79] : memref<79x128xi32, #tpu.memory_space<vmem>> -> memref<1x128xi32, #tpu.memory_space<vmem>>
        %dma_wait3A_81 = tpu.memref_squeeze %dma_wait3A_80 : memref<1x128xi32, #tpu.memory_space<vmem>> -> memref<128xi32, #tpu.memory_space<vmem>>
        %dma_wait3A_82 = arith.constant 0 : i32
        %dma_wait3A_83 = arith.constant 0 : i32
        %dma_wait3A_84 = tpu.memref_slice %arg11[%dma_wait3A_82, %dma_wait3A_83] : memref<10240x64xf32, #tpu.memory_space<vmem_shared>> -> memref<10240x64xf32, #tpu.memory_space<vmem_shared>>
        tpu.wait_indirect_dma semaphore(%run_scoped3A_72 : memref<!tpu.dma_semaphore, #tpu.memory_space<semaphore_mem>>) src(%arg9 : memref<128x64xf32, #tpu.memory_space<vmem>>) dst(%dma_wait3A_84 : memref<10240x64xf32, #tpu.memory_space<vmem_shared>>)
        tpu.yield
      }) : () -> ()
    }
    %scan3A_20 = arith.constant 39 : i32
    %dma_wait3A = arith.constant 78 : i32
    %dma_wait3A_21 = arith.constant 0 : i32
    %dma_wait3A_22 = tpu.memref_slice %arg6[%dma_wait3A, %dma_wait3A_21] : memref<79x128xi32, #tpu.memory_space<vmem>> -> memref<1x128xi32, #tpu.memory_space<vmem>>
    %dma_wait3A_23 = tpu.memref_squeeze %dma_wait3A_22 : memref<1x128xi32, #tpu.memory_space<vmem>> -> memref<128xi32, #tpu.memory_space<vmem>>
    %dma_wait3A_24 = arith.constant 0 : i32
    %dma_wait3A_25 = arith.constant 0 : i32
    %dma_wait3A_26 = tpu.memref_slice %arg2[%dma_wait3A_24, %dma_wait3A_25] : memref<10240x64xf32, #tpu.memory_space<hbm>> -> memref<10240x64xf32, #tpu.memory_space<hbm>>
    tpu.wait_indirect_dma semaphore(%arg12 : memref<!tpu.dma_semaphore, #tpu.memory_space<semaphore_mem>>) src(%dma_wait3A_26 : memref<10240x64xf32, #tpu.memory_space<hbm>>) dst(%arg8 : memref<128x64xf32, #tpu.memory_space<vmem>>)
    %run_scoped3A = arith.constant 78 : i32
    "tpu.region"() ({
      %run_scoped3A_33 = tpu.sem_alloc : memref<!tpu.dma_semaphore, #tpu.memory_space<semaphore_mem>>
      %dma_start3A_34 = arith.constant 0 : i32
      %dma_start3A_35 = tpu.memref_slice %arg7[%run_scoped3A, %dma_start3A_34] : memref<79x128xi32, #tpu.memory_space<vmem>> -> memref<1x128xi32, #tpu.memory_space<vmem>>
      %dma_start3A_36 = tpu.memref_squeeze %dma_start3A_35 : memref<1x128xi32, #tpu.memory_space<vmem>> -> memref<128xi32, #tpu.memory_space<vmem>>
      %dma_start3A_37 = arith.constant 0 : i32
      %dma_start3A_38 = arith.constant 0 : i32
      %dma_start3A_39 = tpu.memref_slice %arg11[%dma_start3A_37, %dma_start3A_38] : memref<10240x64xf32, #tpu.memory_space<vmem_shared>> -> memref<10240x64xf32, #tpu.memory_space<vmem_shared>>
      tpu.enqueue_indirect_dma source(%arg8 : memref<128x64xf32, #tpu.memory_space<vmem>>) target(%dma_start3A_39 : memref<10240x64xf32, #tpu.memory_space<vmem_shared>>) offsets(%dma_start3A_36 : memref<128xi32, #tpu.memory_space<vmem>>) semaphore(%run_scoped3A_33 : memref<!tpu.dma_semaphore, #tpu.memory_space<semaphore_mem>>) {add = true}
      %dma_wait3A_40 = arith.constant 0 : i32
      %dma_wait3A_41 = tpu.memref_slice %arg7[%run_scoped3A, %dma_wait3A_40] : memref<79x128xi32, #tpu.memory_space<vmem>> -> memref<1x128xi32, #tpu.memory_space<vmem>>
      %dma_wait3A_42 = tpu.memref_squeeze %dma_wait3A_41 : memref<1x128xi32, #tpu.memory_space<vmem>> -> memref<128xi32, #tpu.memory_space<vmem>>
      %dma_wait3A_43 = arith.constant 0 : i32
      %dma_wait3A_44 = arith.constant 0 : i32
      %dma_wait3A_45 = tpu.memref_slice %arg11[%dma_wait3A_43, %dma_wait3A_44] : memref<10240x64xf32, #tpu.memory_space<vmem_shared>> -> memref<10240x64xf32, #tpu.memory_space<vmem_shared>>
      tpu.wait_indirect_dma semaphore(%run_scoped3A_33 : memref<!tpu.dma_semaphore, #tpu.memory_space<semaphore_mem>>) src(%arg8 : memref<128x64xf32, #tpu.memory_space<vmem>>) dst(%dma_wait3A_45 : memref<10240x64xf32, #tpu.memory_space<vmem_shared>>)
      tpu.yield
    }) : () -> ()
    %barrier3A_27 = arith.constant 0 : index
    tpu.barrier barrier_id(%barrier3A_27)
    %scan3A_28 = arith.constant 0 : i32
    %scan3A_29 = arith.constant 5 : i32
    %scan3A_30 = arith.addi %scan3A_28, %scan3A_29 : i32
    %scan3A_31 = arith.constant 1 : i32
    scf.for %scan3A_33 = %scan3A_28 to %scan3A_30 step %scan3A_31  : i32 {
      %mul3A_34 = arith.constant 1 : i32
      %mul3A_35 = arith.muli %scan3A_33, %mul3A_34 : i32
      %add3A_36 = arith.constant 0 : i32
      %add3A_37 = arith.addi %add3A_36, %mul3A_35 : i32
      %mul3A_38 = arith.constant 640 : i32
      %mul3A_39 = arith.muli %arg1, %mul3A_38 : i32
      %mul3A_40 = arith.constant 128 : i32
      %mul3A_41 = arith.muli %add3A_37, %mul3A_40 : i32
      %add3A_42 = arith.addi %mul3A_39, %mul3A_41 : i32
      "tpu.region"() ({
        %run_scoped3A_43 = tpu.sem_alloc : memref<!tpu.dma_semaphore, #tpu.memory_space<semaphore_mem>>
        %dma_start3A_44 = arith.constant 0 : i32
        %dma_start3A_45 = tpu.memref_slice %arg5[%arg0, %add3A_42, %dma_start3A_44] : memref<2x10240x64xf32, #tpu.memory_space<hbm>> -> memref<1x128x64xf32, #tpu.memory_space<hbm>>
        %dma_start3A_46 = tpu.memref_squeeze %dma_start3A_45 : memref<1x128x64xf32, #tpu.memory_space<hbm>> -> memref<128x64xf32, #tpu.memory_space<hbm>>
        %dma_start3A_47 = arith.constant 0 : i32
        %dma_start3A_48 = tpu.memref_slice %arg11[%add3A_42, %dma_start3A_47] : memref<10240x64xf32, #tpu.memory_space<vmem_shared>> -> memref<128x64xf32, #tpu.memory_space<vmem_shared>>
        tpu.enqueue_dma source(%dma_start3A_48 : memref<128x64xf32, #tpu.memory_space<vmem_shared>>) target(%dma_start3A_46 : memref<128x64xf32, #tpu.memory_space<hbm>>) target_semaphore(%run_scoped3A_43 : memref<!tpu.dma_semaphore, #tpu.memory_space<semaphore_mem>>)
        %dma_wait3A_49 = arith.constant 0 : i32
        %dma_wait3A_50 = tpu.memref_slice %arg5[%arg0, %add3A_42, %dma_wait3A_49] : memref<2x10240x64xf32, #tpu.memory_space<hbm>> -> memref<1x128x64xf32, #tpu.memory_space<hbm>>
        %dma_wait3A_51 = tpu.memref_squeeze %dma_wait3A_50 : memref<1x128x64xf32, #tpu.memory_space<hbm>> -> memref<128x64xf32, #tpu.memory_space<hbm>>
        %dma_wait3A_52 = arith.constant 0 : i32
        %dma_wait3A_53 = tpu.memref_slice %arg11[%add3A_42, %dma_wait3A_52] : memref<10240x64xf32, #tpu.memory_space<vmem_shared>> -> memref<128x64xf32, #tpu.memory_space<vmem_shared>>
        tpu.wait_dma2 semaphore(%run_scoped3A_43 : memref<!tpu.dma_semaphore, #tpu.memory_space<semaphore_mem>>) src(%dma_wait3A_53 : memref<128x64xf32, #tpu.memory_space<vmem_shared>>) dst(%dma_wait3A_51 : memref<128x64xf32, #tpu.memory_space<hbm>>)
        tpu.yield
      }) : () -> ()
    }
    %scan3A_32 = arith.constant 5 : i32
    return
  }
}

module attributes {stable_mosaic.version = 14 : i64} {
  func.func @body(%arg0: memref<10000x128xf32, #tpu.memory_space<vmem>>, %arg1: memref<128x64xf32, #tpu.memory_space<vmem>>, %arg2: memref<10000x64xf32, #tpu.memory_space<vmem>>) attributes {dimension_semantics = [], scalar_prefetch = 0 : i64, scratch_operands = 0 : i64, tpu.core_type = #tpu.core_type<tc>} {
    %get3A = arith.constant 0 : index
    %get3A_0 = arith.constant 0 : index
    %get3A_1 = vector.load %arg0[%get3A, %get3A_0] : memref<10000x128xf32, #tpu.memory_space<vmem>>, vector<10000x128xf32>
    %get3A_2 = arith.constant 0 : index
    %get3A_3 = arith.constant 0 : index
    %get3A_4 = vector.load %arg1[%get3A_2, %get3A_3] : memref<128x64xf32, #tpu.memory_space<vmem>>, vector<128x64xf32>
    %dot_general3A = arith.constant dense<0.000000e+00> : vector<10000x64xf32>
    %dot_general3A_5 = tpu.matmul %get3A_1, %get3A_4, %dot_general3A {dimension_numbers = #tpu.dot_dimension_numbers<[1], [0], [0], [1], [0, 0, 1, 1], [], []>, transpose_lhs_hint = false} : vector<10000x128xf32>, vector<128x64xf32>, vector<10000x64xf32> -> vector<10000x64xf32>
    %swap3A = arith.constant 0 : index
    %swap3A_6 = arith.constant 0 : index
    %swap3A_7 = vector.load %arg2[%swap3A, %swap3A_6] : memref<10000x64xf32, #tpu.memory_space<vmem>>, vector<10000x64xf32>
    tpu.vector_store %arg2[%swap3A, %swap3A_6], %dot_general3A_5 {strides = array<i32>} : memref<10000x64xf32, #tpu.memory_space<vmem>>, vector<10000x64xf32>,
    return
  }
}

module attributes {stable_mosaic.version = 14 : i64} {
  func.func @body(%arg0: memref<2x10240x16xf32, #tpu.memory_space<vmem>>, %arg1: memref<10000x64xf32, #tpu.memory_space<vmem>>, %arg2: memref<10240x64xf32, #tpu.memory_space<vmem>>, %arg3: memref<10000x1xf32, #tpu.memory_space<vmem>>) attributes {dimension_semantics = [], scalar_prefetch = 0 : i64, scratch_operands = 0 : i64, tpu.core_type = #tpu.core_type<tc>} {
    %get3A = arith.constant 0 : index
    %get3A_0 = arith.constant 0 : index
    %get3A_1 = arith.constant 0 : index
    %get3A_2 = vector.load %arg0[%get3A, %get3A_0, %get3A_1] : memref<2x10240x16xf32, #tpu.memory_space<vmem>>, vector<1x10000x1xf32>
    %get3A_3 = vector.shape_cast %get3A_2 : vector<1x10000x1xf32> to vector<10000x1xf32>
    %add3A = arith.constant 1.000000e+00 : f32
    %add3A_4 = vector.broadcast %add3A : f32 to vector<10000x1xf32>
    %add3A_5 = arith.addf %add3A_4, %get3A_3 : vector<10000x1xf32>
    %get3A_6 = arith.constant 1 : index
    %get3A_7 = arith.constant 0 : index
    %get3A_8 = arith.constant 0 : index
    %get3A_9 = vector.load %arg0[%get3A_6, %get3A_7, %get3A_8] : memref<2x10240x16xf32, #tpu.memory_space<vmem>>, vector<1x10000x1xf32>
    %get3A_10 = vector.shape_cast %get3A_9 : vector<1x10000x1xf32> to vector<10000x1xf32>
    %add3A_11 = arith.addf %add3A_5, %get3A_10 : vector<10000x1xf32>
    %rsqrt3A = math.rsqrt %add3A_11 : vector<10000x1xf32>
    %get3A_12 = arith.constant 0 : index
    %get3A_13 = arith.constant 0 : index
    %get3A_14 = vector.load %arg1[%get3A_12, %get3A_13] : memref<10000x64xf32, #tpu.memory_space<vmem>>, vector<10000x64xf32>
    %mul3A = vector.broadcast %rsqrt3A : vector<10000x1xf32> to vector<10000x64xf32>
    %mul3A_15 = arith.mulf %mul3A, %get3A_14 : vector<10000x64xf32>
    %swap3A = arith.constant 0 : index
    %swap3A_16 = arith.constant 0 : index
    %swap3A_17 = vector.load %arg2[%swap3A, %swap3A_16] : memref<10240x64xf32, #tpu.memory_space<vmem>>, vector<10000x64xf32>
    tpu.vector_store %arg2[%swap3A, %swap3A_16], %mul3A_15 {strides = array<i32>} : memref<10240x64xf32, #tpu.memory_space<vmem>>, vector<10000x64xf32>,
    %broadcast_in_dim3A = arith.constant 0.000000e+00 : f32
    %broadcast_in_dim3A_18 = vector.broadcast %broadcast_in_dim3A : f32 to vector<240x64xf32>
    %swap3A_19 = arith.constant 10000 : index
    %swap3A_20 = arith.constant 0 : index
    %swap3A_21 = vector.load %arg2[%swap3A_19, %swap3A_20] : memref<10240x64xf32, #tpu.memory_space<vmem>>, vector<240x64xf32>
    tpu.vector_store %arg2[%swap3A_19, %swap3A_20], %broadcast_in_dim3A_18 {strides = array<i32>} : memref<10240x64xf32, #tpu.memory_space<vmem>>, vector<240x64xf32>,
    %swap3A_22 = arith.constant 0 : index
    %swap3A_23 = arith.constant 0 : index
    %swap3A_24 = vector.load %arg3[%swap3A_22, %swap3A_23] : memref<10000x1xf32, #tpu.memory_space<vmem>>, vector<10000x1xf32>
    tpu.vector_store %arg3[%swap3A_22, %swap3A_23], %rsqrt3A {strides = array<i32>} : memref<10000x1xf32, #tpu.memory_space<vmem>>, vector<10000x1xf32>,
    return
  }
}

module attributes {stable_mosaic.version = 14 : i64} {
  func.func @body(%arg0: memref<2x10240x64xf32, #tpu.memory_space<vmem>>, %arg1: memref<10240x64xf32, #tpu.memory_space<vmem>>, %arg2: memref<10000x1xf32, #tpu.memory_space<vmem>>, %arg3: memref<64x64xf32, #tpu.memory_space<vmem>>, %arg4: memref<1x64xf32, #tpu.memory_space<vmem>>, %arg5: memref<10240x64xf32, #tpu.memory_space<vmem>>) attributes {dimension_semantics = [], scalar_prefetch = 0 : i64, scratch_operands = 0 : i64, tpu.core_type = #tpu.core_type<tc>} {
    %get3A = arith.constant 0 : index
    %get3A_0 = arith.constant 0 : index
    %get3A_1 = vector.load %arg2[%get3A, %get3A_0] : memref<10000x1xf32, #tpu.memory_space<vmem>>, vector<10000x1xf32>
    %get3A_2 = arith.constant 0 : index
    %get3A_3 = arith.constant 0 : index
    %get3A_4 = arith.constant 0 : index
    %get3A_5 = vector.load %arg0[%get3A_2, %get3A_3, %get3A_4] : memref<2x10240x64xf32, #tpu.memory_space<vmem>>, vector<1x10000x64xf32>
    %get3A_6 = vector.shape_cast %get3A_5 : vector<1x10000x64xf32> to vector<10000x64xf32>
    %get3A_7 = arith.constant 1 : index
    %get3A_8 = arith.constant 0 : index
    %get3A_9 = arith.constant 0 : index
    %get3A_10 = vector.load %arg0[%get3A_7, %get3A_8, %get3A_9] : memref<2x10240x64xf32, #tpu.memory_space<vmem>>, vector<1x10000x64xf32>
    %get3A_11 = vector.shape_cast %get3A_10 : vector<1x10000x64xf32> to vector<10000x64xf32>
    %add3A = arith.addf %get3A_6, %get3A_11 : vector<10000x64xf32>
    %get3A_12 = arith.constant 0 : index
    %get3A_13 = arith.constant 0 : index
    %get3A_14 = vector.load %arg1[%get3A_12, %get3A_13] : memref<10240x64xf32, #tpu.memory_space<vmem>>, vector<10000x64xf32>
    %add3A_15 = arith.addf %add3A, %get3A_14 : vector<10000x64xf32>
    %mul3A = vector.broadcast %get3A_1 : vector<10000x1xf32> to vector<10000x64xf32>
    %mul3A_16 = arith.mulf %mul3A, %add3A_15 : vector<10000x64xf32>
    %get3A_17 = arith.constant 0 : index
    %get3A_18 = arith.constant 0 : index
    %get3A_19 = vector.load %arg4[%get3A_17, %get3A_18] : memref<1x64xf32, #tpu.memory_space<vmem>>, vector<1x64xf32>
    %add3A_20 = vector.broadcast %get3A_19 : vector<1x64xf32> to vector<10000x64xf32>
    %add3A_21 = arith.addf %mul3A_16, %add3A_20 : vector<10000x64xf32>
    %max3A = arith.constant 0.000000e+00 : f32
    %max3A_22 = vector.broadcast %max3A : f32 to vector<10000x64xf32>
    %max3A_23 = arith.maximumf %add3A_21, %max3A_22 : vector<10000x64xf32>
    %get3A_24 = arith.constant 0 : index
    %get3A_25 = arith.constant 0 : index
    %get3A_26 = vector.load %arg3[%get3A_24, %get3A_25] : memref<64x64xf32, #tpu.memory_space<vmem>>, vector<64x64xf32>
    %dot_general3A = arith.constant dense<0.000000e+00> : vector<10000x64xf32>
    %dot_general3A_27 = tpu.matmul %max3A_23, %get3A_26, %dot_general3A {dimension_numbers = #tpu.dot_dimension_numbers<[1], [0], [0], [1], [0, 0, 1, 1], [], []>, transpose_lhs_hint = false} : vector<10000x64xf32>, vector<64x64xf32>, vector<10000x64xf32> -> vector<10000x64xf32>
    %mul3A_28 = vector.broadcast %get3A_1 : vector<10000x1xf32> to vector<10000x64xf32>
    %mul3A_29 = arith.mulf %mul3A_28, %dot_general3A_27 : vector<10000x64xf32>
    %swap3A = arith.constant 0 : index
    %swap3A_30 = arith.constant 0 : index
    %swap3A_31 = vector.load %arg5[%swap3A, %swap3A_30] : memref<10240x64xf32, #tpu.memory_space<vmem>>, vector<10000x64xf32>
    tpu.vector_store %arg5[%swap3A, %swap3A_30], %mul3A_29 {strides = array<i32>} : memref<10240x64xf32, #tpu.memory_space<vmem>>, vector<10000x64xf32>,
    %broadcast_in_dim3A = arith.constant 0.000000e+00 : f32
    %broadcast_in_dim3A_32 = vector.broadcast %broadcast_in_dim3A : f32 to vector<240x64xf32>
    %swap3A_33 = arith.constant 10000 : index
    %swap3A_34 = arith.constant 0 : index
    %swap3A_35 = vector.load %arg5[%swap3A_33, %swap3A_34] : memref<10240x64xf32, #tpu.memory_space<vmem>>, vector<240x64xf32>
    tpu.vector_store %arg5[%swap3A_33, %swap3A_34], %broadcast_in_dim3A_32 {strides = array<i32>} : memref<10240x64xf32, #tpu.memory_space<vmem>>, vector<240x64xf32>,
    return
  }
}

module attributes {stable_mosaic.version = 14 : i64} {
  func.func @body(%arg0: memref<2x10240x64xf32, #tpu.memory_space<vmem>>, %arg1: memref<10240x64xf32, #tpu.memory_space<vmem>>, %arg2: memref<10000x1xf32, #tpu.memory_space<vmem>>, %arg3: memref<1x64xf32, #tpu.memory_space<vmem>>, %arg4: memref<64x64xf32, #tpu.memory_space<vmem>>, %arg5: memref<64x64xf32, #tpu.memory_space<vmem>>, %arg6: memref<10240x64xf32, #tpu.memory_space<vmem>>, %arg7: memref<10240x64xf32, #tpu.memory_space<vmem>>) attributes {dimension_semantics = [], scalar_prefetch = 0 : i64, scratch_operands = 0 : i64, tpu.core_type = #tpu.core_type<tc>} {
    %get3A = arith.constant 0 : index
    %get3A_0 = arith.constant 0 : index
    %get3A_1 = vector.load %arg2[%get3A, %get3A_0] : memref<10000x1xf32, #tpu.memory_space<vmem>>, vector<10000x1xf32>
    %get3A_2 = arith.constant 0 : index
    %get3A_3 = arith.constant 0 : index
    %get3A_4 = arith.constant 0 : index
    %get3A_5 = vector.load %arg0[%get3A_2, %get3A_3, %get3A_4] : memref<2x10240x64xf32, #tpu.memory_space<vmem>>, vector<1x10000x64xf32>
    %get3A_6 = vector.shape_cast %get3A_5 : vector<1x10000x64xf32> to vector<10000x64xf32>
    %get3A_7 = arith.constant 1 : index
    %get3A_8 = arith.constant 0 : index
    %get3A_9 = arith.constant 0 : index
    %get3A_10 = vector.load %arg0[%get3A_7, %get3A_8, %get3A_9] : memref<2x10240x64xf32, #tpu.memory_space<vmem>>, vector<1x10000x64xf32>
    %get3A_11 = vector.shape_cast %get3A_10 : vector<1x10000x64xf32> to vector<10000x64xf32>
    %add3A = arith.addf %get3A_6, %get3A_11 : vector<10000x64xf32>
    %get3A_12 = arith.constant 0 : index
    %get3A_13 = arith.constant 0 : index
    %get3A_14 = vector.load %arg1[%get3A_12, %get3A_13] : memref<10240x64xf32, #tpu.memory_space<vmem>>, vector<10000x64xf32>
    %add3A_15 = arith.addf %add3A, %get3A_14 : vector<10000x64xf32>
    %mul3A = vector.broadcast %get3A_1 : vector<10000x1xf32> to vector<10000x64xf32>
    %mul3A_16 = arith.mulf %mul3A, %add3A_15 : vector<10000x64xf32>
    %get3A_17 = arith.constant 0 : index
    %get3A_18 = arith.constant 0 : index
    %get3A_19 = vector.load %arg3[%get3A_17, %get3A_18] : memref<1x64xf32, #tpu.memory_space<vmem>>, vector<1x64xf32>
    %add3A_20 = vector.broadcast %get3A_19 : vector<1x64xf32> to vector<10000x64xf32>
    %add3A_21 = arith.addf %mul3A_16, %add3A_20 : vector<10000x64xf32>
    %get3A_22 = arith.constant 0 : index
    %get3A_23 = arith.constant 0 : index
    %get3A_24 = vector.load %arg4[%get3A_22, %get3A_23] : memref<64x64xf32, #tpu.memory_space<vmem>>, vector<64x64xf32>
    %dot_general3A = arith.constant dense<0.000000e+00> : vector<10000x64xf32>
    %dot_general3A_25 = tpu.matmul %add3A_21, %get3A_24, %dot_general3A {dimension_numbers = #tpu.dot_dimension_numbers<[1], [0], [0], [1], [0, 0, 1, 1], [], []>, transpose_lhs_hint = false} : vector<10000x64xf32>, vector<64x64xf32>, vector<10000x64xf32> -> vector<10000x64xf32>
    %swap3A = arith.constant 0 : index
    %swap3A_26 = arith.constant 0 : index
    %swap3A_27 = vector.load %arg6[%swap3A, %swap3A_26] : memref<10240x64xf32, #tpu.memory_space<vmem>>, vector<10000x64xf32>
    tpu.vector_store %arg6[%swap3A, %swap3A_26], %dot_general3A_25 {strides = array<i32>} : memref<10240x64xf32, #tpu.memory_space<vmem>>, vector<10000x64xf32>,
    %broadcast_in_dim3A = arith.constant 0.000000e+00 : f32
    %broadcast_in_dim3A_28 = vector.broadcast %broadcast_in_dim3A : f32 to vector<240x64xf32>
    %swap3A_29 = arith.constant 10000 : index
    %swap3A_30 = arith.constant 0 : index
    %swap3A_31 = vector.load %arg6[%swap3A_29, %swap3A_30] : memref<10240x64xf32, #tpu.memory_space<vmem>>, vector<240x64xf32>
    tpu.vector_store %arg6[%swap3A_29, %swap3A_30], %broadcast_in_dim3A_28 {strides = array<i32>} : memref<10240x64xf32, #tpu.memory_space<vmem>>, vector<240x64xf32>,
    %get3A_32 = arith.constant 0 : index
    %get3A_33 = arith.constant 0 : index
    %get3A_34 = vector.load %arg5[%get3A_32, %get3A_33] : memref<64x64xf32, #tpu.memory_space<vmem>>, vector<64x64xf32>
    %dot_general3A_35 = arith.constant dense<0.000000e+00> : vector<10000x64xf32>
    %dot_general3A_36 = tpu.matmul %add3A_21, %get3A_34, %dot_general3A_35 {dimension_numbers = #tpu.dot_dimension_numbers<[1], [0], [0], [1], [0, 0, 1, 1], [], []>, transpose_lhs_hint = false} : vector<10000x64xf32>, vector<64x64xf32>, vector<10000x64xf32> -> vector<10000x64xf32>
    %swap3A_37 = arith.constant 0 : index
    %swap3A_38 = arith.constant 0 : index
    %swap3A_39 = vector.load %arg7[%swap3A_37, %swap3A_38] : memref<10240x64xf32, #tpu.memory_space<vmem>>, vector<10000x64xf32>
    tpu.vector_store %arg7[%swap3A_37, %swap3A_38], %dot_general3A_36 {strides = array<i32>} : memref<10240x64xf32, #tpu.memory_space<vmem>>, vector<10000x64xf32>,
    %broadcast_in_dim3A_40 = arith.constant 0.000000e+00 : f32
    %broadcast_in_dim3A_41 = vector.broadcast %broadcast_in_dim3A_40 : f32 to vector<240x64xf32>
    %swap3A_42 = arith.constant 10000 : index
    %swap3A_43 = arith.constant 0 : index
    %swap3A_44 = vector.load %arg7[%swap3A_42, %swap3A_43] : memref<10240x64xf32, #tpu.memory_space<vmem>>, vector<240x64xf32>
    tpu.vector_store %arg7[%swap3A_42, %swap3A_43], %broadcast_in_dim3A_41 {strides = array<i32>} : memref<10240x64xf32, #tpu.memory_space<vmem>>, vector<240x64xf32>,
    return
  }
}

module attributes {stable_mosaic.version = 14 : i64} {
  func.func @body(%arg0: i32, %arg1: memref<3200x64xf32, #tpu.memory_space<vmem>>, %arg2: memref<3200x16xf32, #tpu.memory_space<vmem>>, %arg3: memref<16x64xf32, #tpu.memory_space<vmem>>, %arg4: memref<1x64xf32, #tpu.memory_space<vmem>>, %arg5: memref<64x8xf32, #tpu.memory_space<vmem>>, %arg6: memref<1x8xf32, #tpu.memory_space<vmem>>, %arg7: memref<3200x8xf32, #tpu.memory_space<vmem>>) attributes {dimension_semantics = [#tpu.dimension_semantics<arbitrary>], iteration_bounds = array<i64: 100>, scalar_prefetch = 0 : i64, scratch_operands = 0 : i64, tpu.core_type = #tpu.core_type<tc>, window_params = [{transform_indices = @transform_0, window_bounds = array<i64: 3200, 64>}, {transform_indices = @transform_1, window_bounds = array<i64: 3200, 16>}, {pipeline_mode = #tpu.pipeline_mode<synchronous>, transform_indices = @transform_2, window_bounds = array<i64: 16, 64>}, {pipeline_mode = #tpu.pipeline_mode<synchronous>, transform_indices = @transform_3, window_bounds = array<i64: 1, 64>}, {pipeline_mode = #tpu.pipeline_mode<synchronous>, transform_indices = @transform_4, window_bounds = array<i64: 64, 8>}, {pipeline_mode = #tpu.pipeline_mode<synchronous>, transform_indices = @transform_5, window_bounds = array<i64: 1, 8>}, {transform_indices = @transform_6, window_bounds = array<i64: 3200, 8>}]} {
    %get3A = arith.constant 0 : index
    %get3A_0 = arith.constant 0 : index
    %get3A_1 = vector.load %arg1[%get3A, %get3A_0] : memref<3200x64xf32, #tpu.memory_space<vmem>>, vector<3200x64xf32>
    %get3A_2 = arith.constant 0 : index
    %get3A_3 = arith.constant 0 : index
    %get3A_4 = vector.load %arg2[%get3A_2, %get3A_3] : memref<3200x16xf32, #tpu.memory_space<vmem>>, vector<3200x16xf32>
    %get3A_5 = arith.constant 0 : index
    %get3A_6 = arith.constant 0 : index
    %get3A_7 = vector.load %arg3[%get3A_5, %get3A_6] : memref<16x64xf32, #tpu.memory_space<vmem>>, vector<16x64xf32>
    %dot_general3A = arith.constant dense<0.000000e+00> : vector<3200x64xf32>
    %dot_general3A_8 = tpu.matmul %get3A_4, %get3A_7, %dot_general3A {dimension_numbers = #tpu.dot_dimension_numbers<[1], [0], [0], [1], [0, 0, 1, 1], [], []>, transpose_lhs_hint = false} : vector<3200x16xf32>, vector<16x64xf32>, vector<3200x64xf32> -> vector<3200x64xf32>
    %add3A = arith.addf %get3A_1, %dot_general3A_8 : vector<3200x64xf32>
    %get3A_9 = arith.constant 0 : index
    %get3A_10 = arith.constant 0 : index
    %get3A_11 = vector.load %arg4[%get3A_9, %get3A_10] : memref<1x64xf32, #tpu.memory_space<vmem>>, vector<1x64xf32>
    %add3A_12 = vector.broadcast %get3A_11 : vector<1x64xf32> to vector<3200x64xf32>
    %add3A_13 = arith.addf %add3A, %add3A_12 : vector<3200x64xf32>
    %max3A = arith.constant 0.000000e+00 : f32
    %max3A_14 = vector.broadcast %max3A : f32 to vector<3200x64xf32>
    %max3A_15 = arith.maximumf %add3A_13, %max3A_14 : vector<3200x64xf32>
    %get3A_16 = arith.constant 0 : index
    %get3A_17 = arith.constant 0 : index
    %get3A_18 = vector.load %arg5[%get3A_16, %get3A_17] : memref<64x8xf32, #tpu.memory_space<vmem>>, vector<64x8xf32>
    %dot_general3A_19 = arith.constant dense<0.000000e+00> : vector<3200x8xf32>
    %dot_general3A_20 = tpu.matmul %max3A_15, %get3A_18, %dot_general3A_19 {dimension_numbers = #tpu.dot_dimension_numbers<[1], [0], [0], [1], [0, 0, 1, 1], [], []>, transpose_lhs_hint = false} : vector<3200x64xf32>, vector<64x8xf32>, vector<3200x8xf32> -> vector<3200x8xf32>
    %get3A_21 = arith.constant 0 : index
    %get3A_22 = arith.constant 0 : index
    %get3A_23 = vector.load %arg6[%get3A_21, %get3A_22] : memref<1x8xf32, #tpu.memory_space<vmem>>, vector<1x8xf32>
    %add3A_24 = vector.broadcast %get3A_23 : vector<1x8xf32> to vector<3200x8xf32>
    %add3A_25 = arith.addf %dot_general3A_20, %add3A_24 : vector<3200x8xf32>
    %swap3A = arith.constant 0 : index
    %swap3A_26 = arith.constant 0 : index
    %swap3A_27 = vector.load %arg7[%swap3A, %swap3A_26] : memref<3200x8xf32, #tpu.memory_space<vmem>>, vector<3200x8xf32>
    tpu.vector_store %arg7[%swap3A, %swap3A_26], %add3A_25 {strides = array<i32>} : memref<3200x8xf32, #tpu.memory_space<vmem>>, vector<3200x8xf32>,
    return
  }
  func.func @transform_0(%arg0: i32) -> (i32, i32) {
    %c0_i32 = arith.constant 0 : i32
    %c0_i32_0 = arith.constant 0 : i32
    return %arg0, %c0_i32 : i32, i32
  }
  func.func @transform_1(%arg0: i32) -> (i32, i32) {
    %c0_i32 = arith.constant 0 : i32
    %c0_i32_0 = arith.constant 0 : i32
    return %arg0, %c0_i32 : i32, i32
  }
  func.func @transform_2(%arg0: i32) -> (i32, i32) {
    %c0_i32 = arith.constant 0 : i32
    %c0_i32_0 = arith.constant 0 : i32
    %c0_i32_1 = arith.constant 0 : i32
    return %c0_i32, %c0_i32_0 : i32, i32
  }
  func.func @transform_3(%arg0: i32) -> (i32, i32) {
    %c0_i32 = arith.constant 0 : i32
    %c0_i32_0 = arith.constant 0 : i32
    %c0_i32_1 = arith.constant 0 : i32
    return %c0_i32, %c0_i32_0 : i32, i32
  }
  func.func @transform_4(%arg0: i32) -> (i32, i32) {
    %c0_i32 = arith.constant 0 : i32
    %c0_i32_0 = arith.constant 0 : i32
    %c0_i32_1 = arith.constant 0 : i32
    return %c0_i32, %c0_i32_0 : i32, i32
  }
  func.func @transform_5(%arg0: i32) -> (i32, i32) {
    %c0_i32 = arith.constant 0 : i32
    %c0_i32_0 = arith.constant 0 : i32
    %c0_i32_1 = arith.constant 0 : i32
    return %c0_i32, %c0_i32_0 : i32, i32
  }
  func.func @transform_6(%arg0: i32) -> (i32, i32) {
    %c0_i32 = arith.constant 0 : i32
    %c0_i32_0 = arith.constant 0 : i32
    return %arg0, %c0_i32 : i32, i32
  }
}

</mosaic_0001>

<sc_bundles>
// kernel: kernel.11.cloned.1.call-start
scs
__scs_entry_jumppad:
0x0: {  	(pc) =	sbr.rel $0x88, $3  }
0x1: {  	(tag) =	ssettag $0x0;
	lr =	simm.s32 $0x1  }
0x2: {  	[smem:$0x3F96] =	sst lr;
	_ =	strace $0xD0000000  }
0x3: {  	_ = 	snop  }
0x4: {  	_ = 	snop  }
0x5: {  	_ = 	snop  }
0x6: {  	_ = 	snop  }
0x7: {  	_ = 	snop  }
__scs_overlays_trampoline_lowered:
0x8: {  	[smem:$0x3FA5] =	sst s0  }
0x9: {  	[smem:$0x3FA6] =	sst s1  }
0xa: {  	[smem:$0x3FA7] =	sst s2  }
0xb: {  	[smem:$0x3FA8] =	sst s3  }
0xc: {  	[smem:$0x3FA9] =	sst s4  }
0xd: {  	[smem:$0x3FAA] =	sst s5  }
0xe: {  	[smem:$0x3FAB] =	sst s6  }
0xf: {  	[smem:$0x3FAC] =	sst s7  }
0x10: {  	[smem:$0x3FAD] =	sst s8  }
0x11: {  	[smem:$0x3FAE] =	sst s9;
	s0 =	simm.s32 @!p0 $0x0  }
0x12: {  	s1 =	sld [smem:$0x3F94];
	s0 =	simm.s32 @p0 $0x1  }
0x13: {  	[smem:$0x3FAF] =	sst s0;
	s0 =	simm.s32 @!p1 $0x0  }
0x14: {  	s2 =	sld [smem:$0x3F93];
	s0 =	simm.s32 @p1 $0x1  }
0x15: {  	[smem:$0x3FB0] =	sst s0;
	s0 =	simm.s32 @!p2 $0x0  }
0x16: {  	s3 =	sld [smem:$0x3FDB];
	s0 =	simm.s32 @p2 $0x1  }
0x17: {  	s4 =	simm.s32 $0x1BF5;
	[smem:$0x3FB2] =	sst s0  }
0x18: {  	s0 =	sld [smem:$0x3F95];
	_ =	swait.ge [sflag:s4], $0x0  }
0x19: {  	s7 =	sld [smem:$0x3F96]  }
0x1a: {  	s8 =	sadd.s32 $0xFFFFE003, lr  }
0x1b: {  	s9 =	sadd.s32 $0xFFFFFEF7, lr;
	s5 =	simm.s32 $0xFFFFFFFF;
	p2 =	slt.u32 s8, $0xFFFFF086  }
0x1c: {  	p1 =	slt.u32 s9, $0xF7A;
	s5 =	simm.s32 @!p2 $0x0  }
0x1d: {  	s5 =	simm.s32 @p1 $0x1;
	p0 =	seq.s32 s7, s2  }
0x1e: {  	s7 =	smul.u32 @!p0 $0xF7A, s2;
	p2 =	seq.s32 @!p0 s5, $0x0  }
0x1f: {  	s9 =	smul.u32 $0xF7A, s1;
	s8 =	simm.s32 @!p0 $0x1BF5;
	p2 =	por !p2, p0  }
0x20: {  	[sflag:s8] =	ssyncset.s32 @!p0 $0xFFFFF086;
	s6 =	sadd.s32 @!p0 s3, s7;
	s7 =	simm.s32 @!p0 $0x108  }
0x21: {  	s3 =	sadd.s32 s3, s9;
	s6 =	sadd.s32 @!p0 $0x88, s6;
	s7 =	simm.s32 @p2 $0x1082  }
0x22: {  	[simem:s7], [sflag:s8] =	dma.local @!p0 [hbm:s6], $0xF7A  }
0x23: {  	s9 =	sor.u32 $0xD0000000, s2;
	s6 =	simm.s32 $0x108;
	_ =	swait.ge @!p0 [sflag:s8], $0x0  }
0x24: {  	s3 =	sadd.s32 $0x88, s3;
	s6 =	simm.s32 @!p1 $0x1082;
	[sflag:s4] =	ssyncset.s32 $0xFFFFF086  }
0x25: {  	[simem:s6], [sflag:s4] =	dma.local [hbm:s3], $0xF7A  }
0x26: {  	[smem:$0x3F96] =	sst s1;
	(tag) =	ssettag s2;
	_ =	strace s9  }
0x27: {  	s1 =	sld [smem:$0x3FA6]  }
0x28: {  	s2 =	sld [smem:$0x3FA7]  }
0x29: {  	s4 =	sld [smem:$0x3FA9]  }
0x2a: {  	p0 =	seq.s32 s5, $0x0;
	s5 =	sld [smem:$0x3FAA]  }
0x2b: {  	s6 =	sld [smem:$0x3FAB]  }
0x2c: {  	s7 =	sld [smem:$0x3FAC]  }
0x2d: {  	s3 =	simm.s32 $0x108;
	s8 =	sld [smem:$0x3FAD]  }
0x2e: {  	s3 =	simm.s32 @!p0 $0x1082;
	s9 =	sld [smem:$0x3FAE]  }
0x2f: {  	lr =	sadd.s32 s0, s3;
	s0 =	sld [smem:$0x3FA5]  }
0x30: {  	s3 =	sld [smem:$0x3FA8]  }
0x31: {  	[smem:$0x3FB1] =	sst s10  }
0x32: {  	s10 =	sld [smem:$0x3FAF];
	_ =	sdelay $0x3  }
0x33: {  	p0 =	seq.s32 s10, $0x1;
	s10 =	sld [smem:$0x3FB1];
	_ =	sdelay $0x3  }
0x34: {  	[smem:$0x3FB1] =	sst s10  }
0x35: {  	s10 =	sld [smem:$0x3FB0];
	_ =	sdelay $0x3  }
0x36: {  	p1 =	seq.s32 s10, $0x1;
	s10 =	sld [smem:$0x3FB1];
	_ =	sdelay $0x3  }
0x37: {  	[smem:$0x3FB1] =	sst s10  }
0x38: {  	s10 =	sld [smem:$0x3FB2]  }
0x39: {  	_ = 	snop;
	(pc) =	sbr.ind lr, $3  }
0x3a: {  	_ = 	snop  }
0x3b: {  	_ = 	snop  }
0x3c: {  	p2 =	seq.s32 s10, $0x1;
	s10 =	sld [smem:$0x3FB1]  }
0x3d: {  	_ =	shalt  }
0x3e: {  	_ =	shalt  }
0x3f: {  	_ =	shalt  }
0x40: {  	_ =	shalt  }
0x41: {  	_ =	shalt  }
0x42: {  	_ =	shalt  }
0x43: {  	_ =	shalt  }
0x44: {  	_ =	shalt  }
0x45: {  	_ =	shalt  }
0x46: {  	_ =	shalt  }
0x47: {  	_ =	shalt  }
0x48: {  	_ =	shalt  }
0x49: {  	_ =	shalt  }
0x4a: {  	_ =	shalt  }
0x4b: {  	_ =	shalt  }
0x4c: {  	_ =	shalt  }
0x4d: {  	_ =	shalt  }
0x4e: {  	_ =	shalt  }
0x4f: {  	_ =	shalt  }
0x50: {  	_ =	shalt  }
0x51: {  	_ =	shalt  }
0x52: {  	_ =	shalt  }
0x53: {  	_ =	shalt  }
0x54: {  	_ =	shalt  }
0x55: {  	_ =	shalt  }
0x56: {  	_ =	shalt  }
0x57: {  	_ =	shalt  }
0x58: {  	_ =	shalt  }
0x59: {  	_ =	shalt  }
0x5a: {  	_ =	shalt  }
0x5b: {  	_ =	shalt  }
0x5c: {  	_ =	shalt  }
0x5d: {  	_ =	shalt  }
0x5e: {  	_ =	shalt  }
0x5f: {  	_ =	shalt  }
0x60: {  	_ =	shalt  }
0x61: {  	_ =	shalt  }
0x62: {  	_ =	shalt  }
0x63: {  	_ =	shalt  }
0x64: {  	_ =	shalt  }
0x65: {  	_ =	shalt  }
0x66: {  	_ =	shalt  }
0x67: {  	_ =	shalt  }
0x68: {  	_ =	shalt  }
0x69: {  	_ =	shalt  }
0x6a: {  	_ =	shalt  }
0x6b: {  	_ =	shalt  }
0x6c: {  	_ =	shalt  }
0x6d: {  	_ =	shalt  }
0x6e: {  	_ =	shalt  }
0x6f: {  	_ =	shalt  }
0x70: {  	_ =	shalt  }
0x71: {  	_ =	shalt  }
0x72: {  	_ =	shalt  }
0x73: {  	_ =	shalt  }
0x74: {  	_ =	shalt  }
0x75: {  	_ =	shalt  }
0x76: {  	_ =	shalt  }
0x77: {  	_ =	shalt  }
0x78: {  	_ =	shalt  }
0x79: {  	_ =	shalt  }
0x7a: {  	_ =	shalt  }
0x7b: {  	_ =	shalt  }
0x7c: {  	_ =	shalt  }
0x7d: {  	_ =	shalt  }
0x7e: {  	_ =	shalt  }
0x7f: {  	_ =	shalt  }
0x80: {  	_ =	shalt  }
0x81: {  	_ =	shalt  }
0x82: {  	_ =	shalt  }
0x83: {  	_ =	shalt  }
0x84: {  	_ =	shalt  }
0x85: {  	_ =	shalt  }
0x86: {  	_ =	shalt  }
0x87: {  	_ =	shalt  }
.Lfunc_end0:
.L_simem_size_0:
called_computation_lowered:
.L_overlay_start_0:
0x88: {  	s2 =	sld [smem:$0x3FD9]  }
0x89: {  	s3 =	sld [smem:$0x3FFE];
	_ =	sdelay $0x1  }
0x8a: {  	s1 =	srdreg.scid  }
0x8b: {  	s0 =	sand.u32 $0x1, s1  }
0x8c: {  	s17 =	sshll.u32 s0, $0xA;
	s2 =	sadd.s32 s3, s2  }
0x8d: {  	s2 =	sadd.s32 s2, s17  }
0x8e: {  	[smem:$0x3FBD] =	sst s2  }
0x8f: {  	_ = 	snop  }
0x90: {  	s2 =	sld [smem:$0x3FD0];
	(tm) =	ssettm $0x1  }
0x91: {  	s18 =	sld [smem:$0x3FFB];
	_ =	sdelay $0x3  }
0x92: {  	_ =	strace s18  }
0x93: {  	s3 =	sld [smem:$0x3FFC];
	_ =	sdelay $0x3  }
0x94: {  	_ =	strace s3  }
0x95: {  	s3 =	sld [smem:$0x3FFD];
	_ =	sdelay $0x3  }
0x96: {  	_ =	strace s3  }
0x97: {  	_ =	strace $0x8FFFFFFF  }
0x98: {  	s19 =	sld [smem:$0x3FDB];
	_ =	sdelay $0x1  }
0x99: {  	s4 =	simm.s32 $_scs_section_size  }
0x9a: {  	s5 =	simm.s32 $_size__tile_overlayer_lowered;
	s6 =	simm.s32 $_tile_overlayer_lowered  }
0x9b: {  	s22 =	simm.s32 $0x1BFF;
	s21 =	sshll.u32 s6, $0x1;
	s3 =	sadd.s32 s4, s19  }
0x9c: {  	s7 =	simm.s32 $0x0;
	s20 =	sshll.u32 s5, $0x1;
	s5 =	sadd.s32 s21, s3  }
0x9d: {  	[timem:s7], [sflag:s22] =	dma.local [hbm:s5], s20  }
0x9e: {  	_ =	swait.ge [sflag:s22], s20  }
0x9f: {  	s4 =	ssub.s32 $0x0, s20;
	[sflag:s22] =	ssyncset.done $0x0  }
0xa0: {  	[sflag:s22] =	ssyncadd.s32 s4;
	_ =	sdelay $0x1  }
0xa1: {  	s23 =	simm.s32 $0x1B8B  }
0xa2: {  	_ =	swait.ge [sflag:s23], $0x1  }
0xa3: {  	[sflag:s23] =	ssyncset.done $0x0  }
0xa4: {  	s25 =	simm.s32 $0x1B8E;
	s24 =	sld [smem:$0x3FFE];
	[sflag:s23] =	ssyncadd.s32 $0xFFFFFFFF  }
0xa5: {  	s26 =	simm.s32 $execute0_lowered;
	[smem:$0x3FD2] =	sst s25  }
0xa6: {  	s5 =	sshll.u32 s26, $0x1;
	_ =	strace $0x80000046;
	[dreg:$0x1] =	wrdreg $0xFFFFFFFF  }
0xa7: {  	s28 =	simm.s32 $_size_execute0_lowered;
	s3 =	sadd.s32 s3, s5;
	[dreg:$0x0] =	wrdreg $0x0  }
0xa8: {  	s5 =	sshll.u32 s28, $0x1;
	[dreg:$0x2] =	wrdreg s3  }
0xa9: {  	[dreg:$0x3] =	wrdreg s5  }
0xaa: {  	[dreg:$0x4] =	wrdreg $0xC0  }
0xab: {  	_ =	task [dreg:s7], $0x5FFFF  }
0xac: {  	[dreg:$0x1] =	wrdreg $0xFFFFFFFF  }
0xad: {  	[dreg:$0x0] =	wrdreg $0x60  }
0xae: {  	[dreg:$0x2] =	wrdreg s24  }
0xaf: {  	[dreg:$0x3] =	wrdreg s2  }
0xb0: {  	[dreg:$0x4] =	wrdreg $0x57800  }
0xb1: {  	[dreg:$0x5] =	wrdreg $0x9  }
0xb2: {  	_ =	task.clear_ibuf [dreg:s7], $0x6FFFF;
	_ =	strace $0x90000046  }
0xb3: {  	s29 =	simm.s32 $0x9;
	_ =	strace $0x80000048  }
0xb4: {  	_ =	swait.ge [sflag:s29], $0x1  }
0xb5: {  	[sflag:s29] =	ssyncadd.s32 $0xFFFFFFFF  }
0xb6: {  	_ =	strace $0x90000048  }
0xb7: {  	_ =	sfence  }
0xb8: {  	s30 =	sld [smem:$0x0];
	_ =	sdelay $0x2  }
0xb9: {  	s31 =	sshll.u32 s1, $0xD;
	s1 =	sshrl.u32 s1, $0x2  }
0xba: {  	s3 =	sand.u32 $0x4000, s31;
	s1 =	sadd.s32 s1, s30  }
0xbb: {  	s0 =	sor.u32 s3, s0;
	s1 =	sshll.u32 s1, $0x11  }
0xbc: {  	s0 =	sor.u32 s1, s0  }
0xbd: {  	s0 =	sadd.s32 $0x8F2B, s0  }
0xbe: {  	[sflag:s0] =	ssyncadd.remote.s32 $0x1  }
0xbf: {  	_ =	sfence.sel $0xFFFF  }
0xc0: {  	[dreg:$0x0] =	wrdreg $0xFFFFFFFF;
	(pc) =	sbr.abs _section_cstart, $3  }
0xc1: {  	[dreg:$0x1] =	wrdreg $0xFFFFFFFF  }
0xc2: {  	_ =	task.clear_ibuf [dreg:s7], $0x2FFFF;
	_ =	strace $0x9FFFFFFF  }
0xc3: {  	(tm) =	ssettm $0x7FFFFFFF  }
tec
execute0_lowered:
.L_overlay_start_1:
0x0: {  	(tag) =	ssettag $0x1  }
0x1: {  	s4 =	rddreg [dreg:$0x0]  }
0x2: {  	s1 =	srdreg.scid;
	s6 =	rddreg [dreg:$0x1]  }
0x3: {  	s0 =	stileid.u32;
	s2 =	rddreg [dreg:$0x2]  }
0x4: {  	s3 =	simm.s32 $0x0;
	s11 =	simm.s32 $0x2780;
	s5 =	sand.u32 $0x1, s1  }
0x5: {  	s29 =	sshll.u32 s0, $0x1;
	s8 =	smul.u32 $0x2800, s0;
	s12 =	sshll.u32 s0, $0x6  }
0x6: {  	s1 =	sor.u32 s5, s29;
	s9 =	ssub.s32 $0x2, s5;
	s5 =	smul.u32 $0x28000, s5  }
0x7: {  	[smem:$0x7FF] =	sst s3;
	s12 =	sor.u32 $0x1C01, s12;
	s7 =	smul.u32 $0x4F0, s1  }
0x8: {  	s1 =	rddreg [dreg:$0x3];
	_ =	strace $0x80000047;
	s10 =	sshrl.u32 s9, $0x1  }
0x9: {  	s9 =	ssub.s32 s9, s10;
	s30 =	sadd.s32 s8, s5;
	s10 =	simm.s32 $0x80  }
0xa: {  	s7 =	sadd.s32 s7, s4;
	s4 =	sadd.s32 s8, s2;
	s31 =	sshrl.u32 s30, $0x3  }
0xb: {  	s8 =	simm.s32 $0x2F80;
	s5 =	sadd.s32 $0xDE00, s7;
	s6 =	sadd.s32 s6, s31  }
0xc: {  	v0 =	vimm.f32 $1.000000000e+00;
	v1 =	vimm.f32 $0.0e+00;
	s7 =	smax.u32 s9, $0x1;
	s9 =	simm.s32 $0x1;
	s13 =	sshrl.u32 s4, $0x3  }
.LBB2_1:
0xd: {  	s14 =	simm.s32 $0x0  }
.LBB2_2:
0xe: {  	p0 =	sne.s32 s14, $0x1FC0  }
.Ltmp0:
0xf: {  	_ = 	snop;
	(pc) =	sbr.rel @p0 .LBB2_2-.Ltmp0, $3  }
0x10: {  	_ =	sdelay $0x1  }
0x11: {  	s15 =	sshra.s32 s14, $0x2  }
0x12: {  	s14 =	sadd.s32 $0x40, s14;
	[tilespmem:s15+$0x2780] =	vst v0  }
0x13: {  	s14 =	simm.s32 $0x40;
	s15 =	simm.s32 $0x0  }
.LBB2_4:
0x14: {  	p0 =	sne.s32 s14, $0x9FC0;
	[tilespmem:s15+$0x2F80] =	vst v1;
	s15 =	smov.u32 s14;
	s14 =	sadd.s32 $0x40, s14  }
.Ltmp1:
0x15: {  	(pc) =	sbr.rel @p0 .LBB2_4-.Ltmp1, $2  }
0x16: {  	_ =	sdelay $0x2  }
0x17: {  	s15 =	sshra.s32 s15, $0x2  }
0x18: {  	[tilespmem:s15+$0x2F80] =	vst v1  }
0x19: {  	[spmem:s4] =	stream.linear.scatter [tilespmem:s8], [sflag:$0x1], $0x2800, $0x38;
	[tilespmem:$0x7F80] =	vst v63  }
0x1a: {  	_ =	swait.ge [sflag:s9], $0x2800  }
0x1b: {  	[sflag:s9] =	ssyncset.done $0x0  }
0x1c: {  	[sflag:s9] =	ssyncadd.s32 $0xFFFFD800  }
0x1d: {  	s14 =	simm.s32 $0x0;
	[bflag:$0x0] =	sbarrier.arrive $0xFFFF  }
0x1e: {  	[tilespmem:s14], [sflag:$0x1] =	stream.linear.gather [hbm4b:s5+s14], $0x2780, $0x38;
	[tilespmem:$0x7F80] =	vst v63  }
0x1f: {  	_ =	swait.ge [sflag:s9], $0x2780  }
0x20: {  	[sflag:s9] =	ssyncset.done $0x0  }
0x21: {  	s31 =	simm.s32 $0x0;
	[sflag:s9] =	ssyncadd.s32 $0xFFFFD880  }
0x22: {  	[spmem:s2] =	stream.indirect.scatter.add.f32 [tilespmem:s11], [sflag:$0x1], $0x10, s31, s10, $0xb8;
	[tilespmem:$0x7F80] =	vst v63  }
0x23: {  	_ =	swait.ge [sflag:s9], $0x800  }
0x24: {  	s14 =	simm.s32 $0x200;
	[sflag:s9] =	ssyncset.done $0x0  }
.LBB2_6:
0x25: {  	s15 =	sshra.s32 s14, $0x2;
	[sflag:s9] =	ssyncadd.s32 $0xFFFFF800;
	p0 =	sne.s32 s14, $0x9C00  }
0x26: {  	[spmem:s2] =	stream.indirect.scatter.add.f32 [tilespmem:s11], [sflag:$0x1], $0x10, s15, s10, $0xb8;
	[tilespmem:$0x7F80] =	vst v63  }
.Ltmp2:
0x27: {  	_ = 	snop;
	(pc) =	sbr.rel @p0 .LBB2_6-.Ltmp2, $4  }
0x28: {  	_ = 	snop  }
0x29: {  	s14 =	sadd.s32 $0x200, s14  }
0x2a: {  	_ =	swait.ge [sflag:s9], $0x800  }
0x2b: {  	[sflag:s9] =	ssyncset.done $0x0  }
0x2c: {  	s3 =	sadd.s32 $0x1, s3  }
0x2d: {  	[sflag:s9] =	ssyncadd.s32 $0xFFFFF800;
	p0 =	sne.s32 s3, s7  }
.Ltmp3:
0x2e: {  	[bflag:$0x0] =	sbarrier.arrive $0xFFFF;
	(pc) =	sbr.rel @p0 .LBB2_1-.Ltmp3, $4  }
0x2f: {  	[hbm:s6], [sflag:s12] =	dma.local [spmem:s13], $0x500  }
0x30: {  	_ =	swait.ge [sflag:s9], $0x500  }
0x31: {  	[sflag:s9] =	ssyncset.done $0x0  }
0x32: {  	[sflag:s9] =	ssyncadd.s32 $0xFFFFFB00  }
0x33: {  	_ =	sfence.sel $0x180000  }
0x34: {  	[bflag:$0x0] =	sbarrier.arrive $0xFFFF  }
0x35: {  	p0 =	sne.s32 s0, $0x0;
	_ =	strace $0x90000047  }
0x36: {  	s0 =	sadd.s32 @!p0 $0x100000, s1;
	[bflag:$0x2] =	sbarrier.arrive $0xFFFF  }
0x37: {  	[sflag:s0] =	ssyncadd.tile.s32 @!p0 $0x1;
	_ =	shalt  }
.Lfunc_end2:
_tile_overlayer_lowered:
.L_overlay_start_2:
0x38: {  	(tag) =	ssettag $0x2  }
0x39: {  	s0 =	rddreg [dreg:$0x0];
	s2 =	stileid.u32  }
0x3a: {  	s1 =	rddreg [dreg:$0x1];
	p0 =	sne.s32 s2, $0x0  }
0x3b: {  	s3 =	rddreg [dreg:$0x2];
	[bflag:$0x3] =	sbarrier.arrive $0xFFFF;
	s2 =	simm.s32 @!p0 $0x1C01  }
0x3c: {  	[timem:s3], [sflag:s2] =	dma.local @!p0 [hbm:s0], s1  }
0x3d: {  	s0 =	simm.s32 @!p0 $0x1  }
0x3e: {  	_ =	swait.ge @!p0 [sflag:s0], s1  }
0x3f: {  	s1 =	ssub.s32 @!p0 $0x0, s1;
	[sflag:s0] =	ssyncset.done @!p0 $0x0  }
0x40: {  	[sflag:s0] =	ssyncadd.s32 @!p0 s1  }
0x41: {  	[bflag:$0x3] =	sbarrier.arrive $0xFFFF  }
0x42: {  	_ =	shalt  }

// kernel: kernel.14.cloned.1.call-start
scs
__scs_entry_jumppad:
0x0: {  	(pc) =	sbr.rel $0x88, $3  }
0x1: {  	(tag) =	ssettag $0x0;
	lr =	simm.s32 $0x1  }
0x2: {  	[smem:$0x3F96] =	sst lr;
	_ =	strace $0xD0000000  }
0x3: {  	_ = 	snop  }
0x4: {  	_ = 	snop  }
0x5: {  	_ = 	snop  }
0x6: {  	_ = 	snop  }
0x7: {  	_ = 	snop  }
__scs_overlays_trampoline_lowered:
0x8: {  	[smem:$0x3FA5] =	sst s0  }
0x9: {  	[smem:$0x3FA6] =	sst s1  }
0xa: {  	[smem:$0x3FA7] =	sst s2  }
0xb: {  	[smem:$0x3FA8] =	sst s3  }
0xc: {  	[smem:$0x3FA9] =	sst s4  }
0xd: {  	[smem:$0x3FAA] =	sst s5  }
0xe: {  	[smem:$0x3FAB] =	sst s6  }
0xf: {  	[smem:$0x3FAC] =	sst s7  }
0x10: {  	[smem:$0x3FAD] =	sst s8  }
0x11: {  	[smem:$0x3FAE] =	sst s9;
	s0 =	simm.s32 @!p0 $0x0  }
0x12: {  	s1 =	sld [smem:$0x3F94];
	s0 =	simm.s32 @p0 $0x1  }
0x13: {  	[smem:$0x3FAF] =	sst s0;
	s0 =	simm.s32 @!p1 $0x0  }
0x14: {  	s2 =	sld [smem:$0x3F93];
	s0 =	simm.s32 @p1 $0x1  }
0x15: {  	[smem:$0x3FB0] =	sst s0;
	s0 =	simm.s32 @!p2 $0x0  }
0x16: {  	s3 =	sld [smem:$0x3FDB];
	s0 =	simm.s32 @p2 $0x1  }
0x17: {  	s4 =	simm.s32 $0x1BF5;
	[smem:$0x3FB2] =	sst s0  }
0x18: {  	s0 =	sld [smem:$0x3F95];
	_ =	swait.ge [sflag:s4], $0x0  }
0x19: {  	s7 =	sld [smem:$0x3F96]  }
0x1a: {  	s8 =	sadd.s32 $0xFFFFE003, lr  }
0x1b: {  	s9 =	sadd.s32 $0xFFFFFEF7, lr;
	s5 =	simm.s32 $0xFFFFFFFF;
	p2 =	slt.u32 s8, $0xFFFFF086  }
0x1c: {  	p1 =	slt.u32 s9, $0xF7A;
	s5 =	simm.s32 @!p2 $0x0  }
0x1d: {  	s5 =	simm.s32 @p1 $0x1;
	p0 =	seq.s32 s7, s2  }
0x1e: {  	s7 =	smul.u32 @!p0 $0xF7A, s2;
	p2 =	seq.s32 @!p0 s5, $0x0  }
0x1f: {  	s9 =	smul.u32 $0xF7A, s1;
	s8 =	simm.s32 @!p0 $0x1BF5;
	p2 =	por !p2, p0  }
0x20: {  	[sflag:s8] =	ssyncset.s32 @!p0 $0xFFFFF086;
	s6 =	sadd.s32 @!p0 s3, s7;
	s7 =	simm.s32 @!p0 $0x108  }
0x21: {  	s3 =	sadd.s32 s3, s9;
	s6 =	sadd.s32 @!p0 $0x88, s6;
	s7 =	simm.s32 @p2 $0x1082  }
0x22: {  	[simem:s7], [sflag:s8] =	dma.local @!p0 [hbm:s6], $0xF7A  }
0x23: {  	s9 =	sor.u32 $0xD0000000, s2;
	s6 =	simm.s32 $0x108;
	_ =	swait.ge @!p0 [sflag:s8], $0x0  }
0x24: {  	s3 =	sadd.s32 $0x88, s3;
	s6 =	simm.s32 @!p1 $0x1082;
	[sflag:s4] =	ssyncset.s32 $0xFFFFF086  }
0x25: {  	[simem:s6], [sflag:s4] =	dma.local [hbm:s3], $0xF7A  }
0x26: {  	[smem:$0x3F96] =	sst s1;
	(tag) =	ssettag s2;
	_ =	strace s9  }
0x27: {  	s1 =	sld [smem:$0x3FA6]  }
0x28: {  	s2 =	sld [smem:$0x3FA7]  }
0x29: {  	s4 =	sld [smem:$0x3FA9]  }
0x2a: {  	p0 =	seq.s32 s5, $0x0;
	s5 =	sld [smem:$0x3FAA]  }
0x2b: {  	s6 =	sld [smem:$0x3FAB]  }
0x2c: {  	s7 =	sld [smem:$0x3FAC]  }
0x2d: {  	s3 =	simm.s32 $0x108;
	s8 =	sld [smem:$0x3FAD]  }
0x2e: {  	s3 =	simm.s32 @!p0 $0x1082;
	s9 =	sld [smem:$0x3FAE]  }
0x2f: {  	lr =	sadd.s32 s0, s3;
	s0 =	sld [smem:$0x3FA5]  }
0x30: {  	s3 =	sld [smem:$0x3FA8]  }
0x31: {  	[smem:$0x3FB1] =	sst s10  }
0x32: {  	s10 =	sld [smem:$0x3FAF];
	_ =	sdelay $0x3  }
0x33: {  	p0 =	seq.s32 s10, $0x1;
	s10 =	sld [smem:$0x3FB1];
	_ =	sdelay $0x3  }
0x34: {  	[smem:$0x3FB1] =	sst s10  }
0x35: {  	s10 =	sld [smem:$0x3FB0];
	_ =	sdelay $0x3  }
0x36: {  	p1 =	seq.s32 s10, $0x1;
	s10 =	sld [smem:$0x3FB1];
	_ =	sdelay $0x3  }
0x37: {  	[smem:$0x3FB1] =	sst s10  }
0x38: {  	s10 =	sld [smem:$0x3FB2]  }
0x39: {  	_ = 	snop;
	(pc) =	sbr.ind lr, $3  }
0x3a: {  	_ = 	snop  }
0x3b: {  	_ = 	snop  }
0x3c: {  	p2 =	seq.s32 s10, $0x1;
	s10 =	sld [smem:$0x3FB1]  }
0x3d: {  	_ =	shalt  }
0x3e: {  	_ =	shalt  }
0x3f: {  	_ =	shalt  }
0x40: {  	_ =	shalt  }
0x41: {  	_ =	shalt  }
0x42: {  	_ =	shalt  }
0x43: {  	_ =	shalt  }
0x44: {  	_ =	shalt  }
0x45: {  	_ =	shalt  }
0x46: {  	_ =	shalt  }
0x47: {  	_ =	shalt  }
0x48: {  	_ =	shalt  }
0x49: {  	_ =	shalt  }
0x4a: {  	_ =	shalt  }
0x4b: {  	_ =	shalt  }
0x4c: {  	_ =	shalt  }
0x4d: {  	_ =	shalt  }
0x4e: {  	_ =	shalt  }
0x4f: {  	_ =	shalt  }
0x50: {  	_ =	shalt  }
0x51: {  	_ =	shalt  }
0x52: {  	_ =	shalt  }
0x53: {  	_ =	shalt  }
0x54: {  	_ =	shalt  }
0x55: {  	_ =	shalt  }
0x56: {  	_ =	shalt  }
0x57: {  	_ =	shalt  }
0x58: {  	_ =	shalt  }
0x59: {  	_ =	shalt  }
0x5a: {  	_ =	shalt  }
0x5b: {  	_ =	shalt  }
0x5c: {  	_ =	shalt  }
0x5d: {  	_ =	shalt  }
0x5e: {  	_ =	shalt  }
0x5f: {  	_ =	shalt  }
0x60: {  	_ =	shalt  }
0x61: {  	_ =	shalt  }
0x62: {  	_ =	shalt  }
0x63: {  	_ =	shalt  }
0x64: {  	_ =	shalt  }
0x65: {  	_ =	shalt  }
0x66: {  	_ =	shalt  }
0x67: {  	_ =	shalt  }
0x68: {  	_ =	shalt  }
0x69: {  	_ =	shalt  }
0x6a: {  	_ =	shalt  }
0x6b: {  	_ =	shalt  }
0x6c: {  	_ =	shalt  }
0x6d: {  	_ =	shalt  }
0x6e: {  	_ =	shalt  }
0x6f: {  	_ =	shalt  }
0x70: {  	_ =	shalt  }
0x71: {  	_ =	shalt  }
0x72: {  	_ =	shalt  }
0x73: {  	_ =	shalt  }
0x74: {  	_ =	shalt  }
0x75: {  	_ =	shalt  }
0x76: {  	_ =	shalt  }
0x77: {  	_ =	shalt  }
0x78: {  	_ =	shalt  }
0x79: {  	_ =	shalt  }
0x7a: {  	_ =	shalt  }
0x7b: {  	_ =	shalt  }
0x7c: {  	_ =	shalt  }
0x7d: {  	_ =	shalt  }
0x7e: {  	_ =	shalt  }
0x7f: {  	_ =	shalt  }
0x80: {  	_ =	shalt  }
0x81: {  	_ =	shalt  }
0x82: {  	_ =	shalt  }
0x83: {  	_ =	shalt  }
0x84: {  	_ =	shalt  }
0x85: {  	_ =	shalt  }
0x86: {  	_ =	shalt  }
0x87: {  	_ =	shalt  }
.Lfunc_end0:
.L_simem_size_0:
called_computation.1_lowered:
.L_overlay_start_0:
0x88: {  	s2 =	sld [smem:$0x3FD9]  }
0x89: {  	s3 =	sld [smem:$0x3FFE];
	_ =	sdelay $0x1  }
0x8a: {  	s1 =	srdreg.scid  }
0x8b: {  	s0 =	sand.u32 $0x1, s1  }
0x8c: {  	s17 =	sshll.u32 s0, $0xA;
	s2 =	sadd.s32 s3, s2  }
0x8d: {  	s2 =	sadd.s32 s2, s17  }
0x8e: {  	[smem:$0x3FBD] =	sst s2  }
0x8f: {  	_ = 	snop  }
0x90: {  	s2 =	sld [smem:$0x3FD0];
	(tm) =	ssettm $0x1  }
0x91: {  	s18 =	sld [smem:$0x3FFB];
	_ =	sdelay $0x3  }
0x92: {  	_ =	strace s18  }
0x93: {  	s3 =	sld [smem:$0x3FFC];
	_ =	sdelay $0x3  }
0x94: {  	_ =	strace s3  }
0x95: {  	s3 =	sld [smem:$0x3FFD];
	_ =	sdelay $0x3  }
0x96: {  	_ =	strace s3  }
0x97: {  	_ =	strace $0x8FFFFFFF  }
0x98: {  	s19 =	sld [smem:$0x3FDB];
	_ =	sdelay $0x1  }
0x99: {  	s4 =	simm.s32 $_scs_section_size  }
0x9a: {  	s5 =	simm.s32 $_size__tile_overlayer_lowered;
	s6 =	simm.s32 $_tile_overlayer_lowered  }
0x9b: {  	s22 =	simm.s32 $0x1BFF;
	s21 =	sshll.u32 s6, $0x1;
	s3 =	sadd.s32 s4, s19  }
0x9c: {  	s7 =	simm.s32 $0x0;
	s20 =	sshll.u32 s5, $0x1;
	s5 =	sadd.s32 s21, s3  }
0x9d: {  	[timem:s7], [sflag:s22] =	dma.local [hbm:s5], s20  }
0x9e: {  	_ =	swait.ge [sflag:s22], s20  }
0x9f: {  	s4 =	ssub.s32 $0x0, s20;
	[sflag:s22] =	ssyncset.done $0x0  }
0xa0: {  	[sflag:s22] =	ssyncadd.s32 s4;
	_ =	sdelay $0x1  }
0xa1: {  	s23 =	simm.s32 $0x1B8B  }
0xa2: {  	_ =	swait.ge [sflag:s23], $0x1  }
0xa3: {  	[sflag:s23] =	ssyncset.done $0x0  }
0xa4: {  	s25 =	simm.s32 $0x1B8E;
	s24 =	sld [smem:$0x3FFE];
	[sflag:s23] =	ssyncadd.s32 $0xFFFFFFFF  }
0xa5: {  	s26 =	simm.s32 $execute0_lowered;
	[smem:$0x3FD2] =	sst s25  }
0xa6: {  	s5 =	sshll.u32 s26, $0x1;
	_ =	strace $0x80000049;
	[dreg:$0x1] =	wrdreg $0xFFFFFFFF  }
0xa7: {  	s28 =	simm.s32 $_size_execute0_lowered;
	s3 =	sadd.s32 s3, s5;
	[dreg:$0x0] =	wrdreg $0x0  }
0xa8: {  	s5 =	sshll.u32 s28, $0x1;
	[dreg:$0x2] =	wrdreg s3  }
0xa9: {  	[dreg:$0x3] =	wrdreg s5  }
0xaa: {  	[dreg:$0x4] =	wrdreg $0xC0  }
0xab: {  	_ =	task [dreg:s7], $0x5FFFF  }
0xac: {  	[dreg:$0x1] =	wrdreg $0xFFFFFFFF  }
0xad: {  	[dreg:$0x0] =	wrdreg $0x60  }
0xae: {  	[dreg:$0x2] =	wrdreg s24  }
0xaf: {  	[dreg:$0x3] =	wrdreg s2  }
0xb0: {  	[dreg:$0x4] =	wrdreg $0xAF000  }
0xb1: {  	[dreg:$0x5] =	wrdreg $0x9  }
0xb2: {  	_ =	task.clear_ibuf [dreg:s7], $0x6FFFF;
	_ =	strace $0x90000049  }
0xb3: {  	s29 =	simm.s32 $0x9;
	_ =	strace $0x8000004B  }
0xb4: {  	_ =	swait.ge [sflag:s29], $0x1  }
0xb5: {  	[sflag:s29] =	ssyncadd.s32 $0xFFFFFFFF  }
0xb6: {  	_ =	strace $0x9000004B  }
0xb7: {  	_ =	sfence  }
0xb8: {  	s30 =	sld [smem:$0x0];
	_ =	sdelay $0x2  }
0xb9: {  	s31 =	sshll.u32 s1, $0xD;
	s1 =	sshrl.u32 s1, $0x2  }
0xba: {  	s3 =	sand.u32 $0x4000, s31;
	s1 =	sadd.s32 s1, s30  }
0xbb: {  	s0 =	sor.u32 s3, s0;
	s1 =	sshll.u32 s1, $0x11  }
0xbc: {  	s0 =	sor.u32 s1, s0  }
0xbd: {  	s0 =	sadd.s32 $0x8F2B, s0  }
0xbe: {  	[sflag:s0] =	ssyncadd.remote.s32 $0x1  }
0xbf: {  	_ =	sfence.sel $0xFFFF  }
0xc0: {  	[dreg:$0x0] =	wrdreg $0xFFFFFFFF;
	(pc) =	sbr.abs _section_cstart, $3  }
0xc1: {  	[dreg:$0x1] =	wrdreg $0xFFFFFFFF  }
0xc2: {  	_ =	task.clear_ibuf [dreg:s7], $0x2FFFF;
	_ =	strace $0x9FFFFFFF  }
0xc3: {  	(tm) =	ssettm $0x7FFFFFFF  }
tec
execute0_lowered:
.L_overlay_start_1:
0x0: {  	(tag) =	ssettag $0x1  }
0x1: {  	s0 =	srdreg.scid;
	s1 =	rddreg [dreg:$0x0]  }
0x2: {  	s4 =	stileid.u32;
	s17 =	rddreg [dreg:$0x1]  }
0x3: {  	s28 =	simm.s32 $0x4F00;
	s29 =	simm.s32 $0x6F00;
	s30 =	simm.s32 $0x1  }
0x4: {  	s31 =	simm.s32 $0x2;
	s0 =	sand.u32 $0x1, s0;
	s6 =	smul.u32 $0x28000, s4  }
0x5: {  	s2 =	sshll.u32 s4, $0x1;
	s15 =	smul.u32 $0xA000, s4;
	s4 =	sadd.s32 $0x17C00, s1  }
0x6: {  	s3 =	sor.u32 s0, s2;
	s2 =	rddreg [dreg:$0x2];
	s16 =	smul.u32 $0xA0000, s0  }
0x7: {  	s0 =	ssub.s32 $0x2, s0;
	s5 =	smul.u32 $0x4F0, s3;
	s3 =	simm.s32 $0x0  }
0x8: {  	s18 =	sshrl.u32 s0, $0x1;
	s19 =	sshrl.u32 s6, $0x2;
	s21 =	sadd.s32 $0x2000, s15  }
0x9: {  	[smem:$0x7FF] =	sst s3;
	s0 =	ssub.s32 s0, s18;
	s7 =	sadd.s32 s16, s15  }
0xa: {  	s22 =	sadd.s32 s16, s21;
	s18 =	sadd.s32 $0x4000, s15;
	_ =	strace $0x8000004A  }
0xb: {  	s1 =	sadd.s32 s5, s1;
	s5 =	sadd.s32 s19, s2;
	s8 =	sshrl.u32 s7, $0x3  }
0xc: {  	s9 =	smax.u32 s0, $0x1;
	s0 =	sadd.s32 s21, s2;
	s23 =	sadd.s32 s16, s18  }
0xd: {  	s19 =	sadd.s32 $0x6000, s15;
	s21 =	sadd.s32 $0x8000, s15;
	s20 =	sadd.s32 $0x4000, s1  }
0xe: {  	s1 =	sadd.s32 $0xDE00, s1;
	s8 =	sadd.s32 s17, s8;
	s10 =	sadd.s32 $0x2000, s5  }
0xf: {  	s11 =	sadd.s32 $0x4000, s5;
	s12 =	sadd.s32 $0x6000, s5;
	s13 =	sadd.s32 $0x8000, s5  }
0x10: {  	s24 =	sadd.s32 s16, s19;
	s16 =	sadd.s32 s16, s21;
	[dreg:$0x4] =	wrdreg s20  }
0x11: {  	s26 =	sadd.s32 s19, s2;
	s19 =	simm.s32 $0x3;
	[dreg:$0x5] =	wrdreg s1  }
0x12: {  	s20 =	sadd.s32 s15, s2;
	s1 =	sshrl.u32 s22, $0x3;
	s25 =	sshrl.u32 s16, $0x3  }
0x13: {  	s22 =	sshrl.u32 s0, $0x3;
	s14 =	sadd.s32 s17, s1;
	s1 =	sshrl.u32 s23, $0x3  }
0x14: {  	s23 =	sadd.s32 s18, s2;
	s18 =	simm.s32 $0x8F00;
	s15 =	sadd.s32 s17, s1  }
0x15: {  	s1 =	sshrl.u32 s24, $0x3;
	s23 =	sshrl.u32 s23, $0x3;
	s24 =	sshrl.u32 s26, $0x3  }
0x16: {  	s16 =	sadd.s32 s17, s1;
	s17 =	sadd.s32 s17, s25;
	s25 =	sadd.s32 s21, s2  }
0x17: {  	v0 =	vimm.f32 $0.0e+00;
	s26 =	simm.s32 $0x80;
	s21 =	sshrl.u32 s20, $0x3;
	s25 =	sshrl.u32 s25, $0x3  }
.LBB2_1:
0x18: {  	s20 =	simm.s32 $0x100;
	s0 =	simm.s32 $0x0  }
.LBB2_2:
0x19: {  	p0 =	sne.s32 s20, $0x7F00;
	[tilespmem:s0+$0x8F30] =	vst v0;
	s1 =	smov.u32 s20;
	s20 =	sadd.s32 $0x100, s20  }
.Ltmp0:
0x1a: {  	[tilespmem:s0+$0x8F20] =	vst v0;
	(pc) =	sbr.rel @p0 .LBB2_2-.Ltmp0, $3  }
0x1b: {  	[tilespmem:s0+$0x8F00] =	vst v0  }
0x1c: {  	[tilespmem:s0+$0x8F10] =	vst v0;
	_ =	sdelay $0x1  }
0x1d: {  	s0 =	sshra.s32 s1, $0x2  }
0x1e: {  	[tilespmem:s0+$0x8F30] =	vst v0  }
0x1f: {  	[tilespmem:s0+$0x8F20] =	vst v0  }
0x20: {  	[tilespmem:s0+$0x8F00] =	vst v0  }
0x21: {  	[tilespmem:s0+$0x8F10] =	vst v0  }
0x22: {  	[spmem:s5] =	stream.linear.scatter [tilespmem:s18], [sflag:$0x3], $0x2000, $0x38;
	[tilespmem:$0x14F00] =	vst v63  }
0x23: {  	_ =	swait.ge [sflag:s19], $0x2000  }
0x24: {  	[sflag:s19] =	ssyncset.done $0x0  }
0x25: {  	[sflag:s19] =	ssyncadd.s32 $0xFFFFE000  }
0x26: {  	[spmem:s10] =	stream.linear.scatter [tilespmem:s18], [sflag:$0x3], $0x2000, $0x38;
	[tilespmem:$0x14F00] =	vst v63  }
0x27: {  	_ =	swait.ge [sflag:s19], $0x2000  }
0x28: {  	[sflag:s19] =	ssyncset.done $0x0  }
0x29: {  	[sflag:s19] =	ssyncadd.s32 $0xFFFFE000  }
0x2a: {  	[spmem:s11] =	stream.linear.scatter [tilespmem:s18], [sflag:$0x3], $0x2000, $0x38;
	[tilespmem:$0x14F00] =	vst v63  }
0x2b: {  	_ =	swait.ge [sflag:s19], $0x2000  }
0x2c: {  	[sflag:s19] =	ssyncset.done $0x0  }
0x2d: {  	[sflag:s19] =	ssyncadd.s32 $0xFFFFE000  }
0x2e: {  	[spmem:s12] =	stream.linear.scatter [tilespmem:s18], [sflag:$0x3], $0x2000, $0x38;
	[tilespmem:$0x14F00] =	vst v63  }
0x2f: {  	_ =	swait.ge [sflag:s19], $0x2000  }
0x30: {  	[sflag:s19] =	ssyncset.done $0x0  }
0x31: {  	[sflag:s19] =	ssyncadd.s32 $0xFFFFE000  }
0x32: {  	[spmem:s13] =	stream.linear.scatter [tilespmem:s18], [sflag:$0x3], $0x2000, $0x38;
	[tilespmem:$0x14F00] =	vst v63  }
0x33: {  	_ =	swait.ge [sflag:s19], $0x2000  }
0x34: {  	[sflag:s19] =	ssyncset.done $0x0  }
0x35: {  	[sflag:s19] =	ssyncadd.s32 $0xFFFFE000  }
0x36: {  	[bflag:$0x0] =	sbarrier.arrive $0xFFFF  }
0x37: {  	s7 =	simm.s32 $0x0;
	s1 =	rddreg [dreg:$0x4]  }
0x38: {  	[tilespmem:s7], [sflag:$0x3] =	stream.linear.gather [hbm4b:s1+s7], $0x2780, $0x38;
	[tilespmem:$0x14F00] =	vst v63  }
0x39: {  	_ =	swait.ge [sflag:s19], $0x2780  }
0x3a: {  	[sflag:s19] =	ssyncset.done $0x0  }
0x3b: {  	s6 =	simm.s32 $0x2780;
	s20 =	rddreg [dreg:$0x5];
	[sflag:s19] =	ssyncadd.s32 $0xFFFFD880  }
0x3c: {  	[tilespmem:s6], [sflag:$0x3] =	stream.linear.gather [hbm4b:s20+s7], $0x2780, $0x38;
	[tilespmem:$0x14F00] =	vst v63  }
0x3d: {  	_ =	swait.ge [sflag:s19], $0x2780  }
0x3e: {  	[sflag:s19] =	ssyncset.done $0x0  }
0x3f: {  	[sflag:s19] =	ssyncadd.s32 $0xFFFFD880  }
0x40: {  	[tilespmem:s28], [sflag:$0x1] =	stream.indirect.gather [hbm4b:s4+s26], $0x40, s7, s26, $0xb8;
	[tilespmem:$0x14F00] =	vst v63  }
0x41: {  	s1 =	simm.s32 $0x80  }
0x42: {  	[tilespmem:s29], [sflag:$0x2] =	stream.indirect.gather [hbm4b:s4+s26], $0x40, s1, s26, $0xb8;
	[tilespmem:$0x14F00] =	vst v63  }
0x43: {  	_ =	swait.ge [sflag:s30], $0x2000  }
0x44: {  	[sflag:s30] =	ssyncset.done $0x0  }
0x45: {  	s6 =	simm.s32 $0x2780;
	[sflag:s30] =	ssyncadd.s32 $0xFFFFE000  }
0x46: {  	[spmem:s2] =	stream.indirect.scatter.add.f32 [tilespmem:s28], [sflag:$0x3], $0x40, s6, s26, $0xb8;
	[tilespmem:$0x14F00] =	vst v63  }
0x47: {  	_ =	swait.ge [sflag:s19], $0x2000  }
0x48: {  	[sflag:s19] =	ssyncset.done $0x0  }
0x49: {  	s7 =	simm.s32 $0x100;
	[sflag:s19] =	ssyncadd.s32 $0xFFFFE000  }
0x4a: {  	[tilespmem:s28], [sflag:$0x1] =	stream.indirect.gather [hbm4b:s4+s26], $0x40, s7, s26, $0xb8;
	[tilespmem:$0x14F00] =	vst v63  }
0x4b: {  	_ =	swait.ge [sflag:s31], $0x2000  }
0x4c: {  	[sflag:s31] =	ssyncset.done $0x0  }
0x4d: {  	s20 =	simm.s32 $0x2800;
	[sflag:s31] =	ssyncadd.s32 $0xFFFFE000  }
0x4e: {  	[spmem:s2] =	stream.indirect.scatter.add.f32 [tilespmem:s29], [sflag:$0x3], $0x40, s20, s26, $0xb8;
	[tilespmem:$0x14F00] =	vst v63  }
0x4f: {  	_ =	swait.ge [sflag:s19], $0x2000  }
0x50: {  	s0 =	simm.s32 $0x100;
	s20 =	simm.s32 $0x800;
	[sflag:s19] =	ssyncset.done $0x0  }
.LBB2_4:
0x51: {  	s1 =	sadd.s32 $0x80, s0  }
0x52: {  	[sflag:s19] =	ssyncadd.s32 $0xFFFFE000;
	s6 =	smov.u32 s20;
	s7 =	sadd.s32 $0x400, s20  }
0x53: {  	[tilespmem:s29], [sflag:$0x2] =	stream.indirect.gather [hbm4b:s4+s26], $0x40, s1, s26, $0xb8;
	[tilespmem:$0x14F00] =	vst v63  }
0x54: {  	p0 =	sne.s32 s20, $0x9800;
	_ =	swait.ge [sflag:s30], $0x2000  }
0x55: {  	[sflag:s30] =	ssyncset.done $0x0  }
0x56: {  	s1 =	sadd.s32 $0x2780, s0;
	[sflag:s30] =	ssyncadd.s32 $0xFFFFE000  }
0x57: {  	[spmem:s2] =	stream.indirect.scatter.add.f32 [tilespmem:s28], [sflag:$0x3], $0x40, s1, s26, $0xb8;
	[tilespmem:$0x14F00] =	vst v63  }
0x58: {  	_ =	swait.ge [sflag:s19], $0x2000  }
0x59: {  	[sflag:s19] =	ssyncset.done $0x0  }
0x5a: {  	s1 =	sadd.s32 $0x100, s0;
	[sflag:s19] =	ssyncadd.s32 $0xFFFFE000  }
0x5b: {  	[tilespmem:s28], [sflag:$0x1] =	stream.indirect.gather [hbm4b:s4+s26], $0x40, s1, s26, $0xb8;
	[tilespmem:$0x14F00] =	vst v63  }
0x5c: {  	_ =	swait.ge [sflag:s31], $0x2000  }
.Ltmp1:
0x5d: {  	[sflag:s31] =	ssyncset.done $0x0;
	(pc) =	sbr.rel @p0 .LBB2_4-.Ltmp1, $4  }
0x5e: {  	s0 =	sadd.s32 $0x2800, s0;
	[sflag:s31] =	ssyncadd.s32 $0xFFFFE000  }
0x5f: {  	[spmem:s2] =	stream.indirect.scatter.add.f32 [tilespmem:s29], [sflag:$0x3], $0x40, s0, s26, $0xb8;
	[tilespmem:$0x14F00] =	vst v63  }
0x60: {  	_ =	swait.ge [sflag:s19], $0x2000  }
0x61: {  	s20 =	smov.u32 s7;
	s0 =	sshra.s32 s6, $0x2;
	[sflag:s19] =	ssyncset.done $0x0  }
0x62: {  	s1 =	sadd.s32 $0x80, s0;
	[sflag:s19] =	ssyncadd.s32 $0xFFFFE000  }
0x63: {  	[tilespmem:s29], [sflag:$0x2] =	stream.indirect.gather [hbm4b:s4+s26], $0x40, s1, s26, $0xb8;
	[tilespmem:$0x14F00] =	vst v63  }
0x64: {  	_ =	swait.ge [sflag:s30], $0x2000  }
0x65: {  	[sflag:s30] =	ssyncset.done $0x0  }
0x66: {  	s7 =	sadd.s32 $0x2780, s0;
	[sflag:s30] =	ssyncadd.s32 $0xFFFFE000  }
0x67: {  	[spmem:s2] =	stream.indirect.scatter.add.f32 [tilespmem:s28], [sflag:$0x3], $0x40, s7, s26, $0xb8;
	[tilespmem:$0x14F00] =	vst v63  }
0x68: {  	_ =	swait.ge [sflag:s19], $0x2000  }
0x69: {  	[sflag:s19] =	ssyncset.done $0x0  }
0x6a: {  	s20 =	sadd.s32 $0x100, s0;
	[sflag:s19] =	ssyncadd.s32 $0xFFFFE000  }
0x6b: {  	[tilespmem:s28], [sflag:$0x1] =	stream.indirect.gather [hbm4b:s4+s26], $0x40, s20, s26, $0xb8;
	[tilespmem:$0x14F00] =	vst v63  }
0x6c: {  	_ =	swait.ge [sflag:s31], $0x2000  }
0x6d: {  	[sflag:s31] =	ssyncset.done $0x0  }
0x6e: {  	s6 =	sadd.s32 $0x2800, s0;
	[sflag:s31] =	ssyncadd.s32 $0xFFFFE000  }
0x6f: {  	[spmem:s2] =	stream.indirect.scatter.add.f32 [tilespmem:s29], [sflag:$0x3], $0x40, s6, s26, $0xb8;
	[tilespmem:$0x14F00] =	vst v63  }
0x70: {  	_ =	swait.ge [sflag:s19], $0x2000  }
0x71: {  	[sflag:s19] =	ssyncset.done $0x0  }
0x72: {  	[sflag:s19] =	ssyncadd.s32 $0xFFFFE000  }
0x73: {  	_ =	swait.ge [sflag:s30], $0x2000  }
0x74: {  	[sflag:s30] =	ssyncset.done $0x0  }
0x75: {  	s7 =	simm.s32 $0x4E80;
	[sflag:s30] =	ssyncadd.s32 $0xFFFFE000  }
0x76: {  	[spmem:s2] =	stream.indirect.scatter.add.f32 [tilespmem:s28], [sflag:$0x3], $0x40, s7, s26, $0xb8;
	[tilespmem:$0x14F00] =	vst v63  }
0x77: {  	_ =	swait.ge [sflag:s19], $0x2000  }
0x78: {  	s20 =	stileid.u32;
	[sflag:s19] =	ssyncset.done $0x0  }
0x79: {  	s0 =	sshll.u32 s20, $0x6;
	[sflag:s19] =	ssyncadd.s32 $0xFFFFE000  }
0x7a: {  	s0 =	sor.u32 $0x1C03, s0;
	[bflag:$0x0] =	sbarrier.arrive $0xFFFF  }
0x7b: {  	[hbm:s8], [sflag:s0] =	dma.local [spmem:s21], $0x400  }
0x7c: {  	_ =	swait.ge [sflag:s19], $0x400  }
0x7d: {  	[sflag:s19] =	ssyncset.done $0x0  }
0x7e: {  	[sflag:s19] =	ssyncadd.s32 $0xFFFFFC00  }
0x7f: {  	[hbm:s14], [sflag:s0] =	dma.local [spmem:s22], $0x400  }
0x80: {  	_ =	swait.ge [sflag:s19], $0x400  }
0x81: {  	[sflag:s19] =	ssyncset.done $0x0  }
0x82: {  	[sflag:s19] =	ssyncadd.s32 $0xFFFFFC00  }
0x83: {  	[hbm:s15], [sflag:s0] =	dma.local [spmem:s23], $0x400  }
0x84: {  	_ =	swait.ge [sflag:s19], $0x400  }
0x85: {  	[sflag:s19] =	ssyncset.done $0x0  }
0x86: {  	[sflag:s19] =	ssyncadd.s32 $0xFFFFFC00  }
0x87: {  	[hbm:s16], [sflag:s0] =	dma.local [spmem:s24], $0x400  }
0x88: {  	s3 =	sadd.s32 $0x1, s3;
	_ =	swait.ge [sflag:s19], $0x400  }
0x89: {  	p0 =	sne.s32 s3, s9;
	[sflag:s19] =	ssyncset.done $0x0  }
.Ltmp2:
0x8a: {  	[sflag:s19] =	ssyncadd.s32 $0xFFFFFC00;
	(pc) =	sbr.rel @p0 .LBB2_1-.Ltmp2, $4  }
0x8b: {  	[hbm:s17], [sflag:s0] =	dma.local [spmem:s25], $0x400  }
0x8c: {  	_ =	swait.ge [sflag:s19], $0x400  }
0x8d: {  	[sflag:s19] =	ssyncset.done $0x0  }
0x8e: {  	[sflag:s19] =	ssyncadd.s32 $0xFFFFFC00  }
0x8f: {  	_ =	sfence.sel $0x180000  }
0x90: {  	[bflag:$0x0] =	sbarrier.arrive $0xFFFF  }
0x91: {  	_ =	strace $0x9000004A  }
0x92: {  	s0 =	stileid.u32;
	[bflag:$0x2] =	sbarrier.arrive $0xFFFF  }
0x93: {  	p0 =	sne.s32 s0, $0x0;
	s0 =	rddreg [dreg:$0x3]  }
0x94: {  	s0 =	sadd.s32 @!p0 $0x100000, s0  }
0x95: {  	[sflag:s0] =	ssyncadd.tile.s32 @!p0 $0x1;
	_ =	shalt  }
.Lfunc_end2:
_tile_overlayer_lowered:
.L_overlay_start_2:
0x96: {  	(tag) =	ssettag $0x2  }
0x97: {  	s0 =	rddreg [dreg:$0x0];
	s2 =	stileid.u32  }
0x98: {  	s1 =	rddreg [dreg:$0x1];
	p0 =	sne.s32 s2, $0x0  }
0x99: {  	s3 =	rddreg [dreg:$0x2];
	[bflag:$0x3] =	sbarrier.arrive $0xFFFF;
	s2 =	simm.s32 @!p0 $0x1C03  }
0x9a: {  	[timem:s3], [sflag:s2] =	dma.local @!p0 [hbm:s0], s1  }
0x9b: {  	s0 =	simm.s32 @!p0 $0x3  }
0x9c: {  	_ =	swait.ge @!p0 [sflag:s0], s1  }
0x9d: {  	s1 =	ssub.s32 @!p0 $0x0, s1;
	[sflag:s0] =	ssyncset.done @!p0 $0x0  }
0x9e: {  	[sflag:s0] =	ssyncadd.s32 @!p0 s1  }
0x9f: {  	[bflag:$0x3] =	sbarrier.arrive $0xFFFF  }
0xa0: {  	_ =	shalt  }

// kernel: kernel.17.cloned.1.call-start
scs
__scs_entry_jumppad:
0x0: {  	(pc) =	sbr.rel $0x88, $3  }
0x1: {  	(tag) =	ssettag $0x0;
	lr =	simm.s32 $0x1  }
0x2: {  	[smem:$0x3F96] =	sst lr;
	_ =	strace $0xD0000000  }
0x3: {  	_ = 	snop  }
0x4: {  	_ = 	snop  }
0x5: {  	_ = 	snop  }
0x6: {  	_ = 	snop  }
0x7: {  	_ = 	snop  }
__scs_overlays_trampoline_lowered:
0x8: {  	[smem:$0x3FA5] =	sst s0  }
0x9: {  	[smem:$0x3FA6] =	sst s1  }
0xa: {  	[smem:$0x3FA7] =	sst s2  }
0xb: {  	[smem:$0x3FA8] =	sst s3  }
0xc: {  	[smem:$0x3FA9] =	sst s4  }
0xd: {  	[smem:$0x3FAA] =	sst s5  }
0xe: {  	[smem:$0x3FAB] =	sst s6  }
0xf: {  	[smem:$0x3FAC] =	sst s7  }
0x10: {  	[smem:$0x3FAD] =	sst s8  }
0x11: {  	[smem:$0x3FAE] =	sst s9;
	s0 =	simm.s32 @!p0 $0x0  }
0x12: {  	s1 =	sld [smem:$0x3F94];
	s0 =	simm.s32 @p0 $0x1  }
0x13: {  	[smem:$0x3FAF] =	sst s0;
	s0 =	simm.s32 @!p1 $0x0  }
0x14: {  	s2 =	sld [smem:$0x3F93];
	s0 =	simm.s32 @p1 $0x1  }
0x15: {  	[smem:$0x3FB0] =	sst s0;
	s0 =	simm.s32 @!p2 $0x0  }
0x16: {  	s3 =	sld [smem:$0x3FDB];
	s0 =	simm.s32 @p2 $0x1  }
0x17: {  	s4 =	simm.s32 $0x1BF5;
	[smem:$0x3FB2] =	sst s0  }
0x18: {  	s0 =	sld [smem:$0x3F95];
	_ =	swait.ge [sflag:s4], $0x0  }
0x19: {  	s7 =	sld [smem:$0x3F96]  }
0x1a: {  	s8 =	sadd.s32 $0xFFFFE003, lr  }
0x1b: {  	s9 =	sadd.s32 $0xFFFFFEF7, lr;
	s5 =	simm.s32 $0xFFFFFFFF;
	p2 =	slt.u32 s8, $0xFFFFF086  }
0x1c: {  	p1 =	slt.u32 s9, $0xF7A;
	s5 =	simm.s32 @!p2 $0x0  }
0x1d: {  	s5 =	simm.s32 @p1 $0x1;
	p0 =	seq.s32 s7, s2  }
0x1e: {  	s7 =	smul.u32 @!p0 $0xF7A, s2;
	p2 =	seq.s32 @!p0 s5, $0x0  }
0x1f: {  	s9 =	smul.u32 $0xF7A, s1;
	s8 =	simm.s32 @!p0 $0x1BF5;
	p2 =	por !p2, p0  }
0x20: {  	[sflag:s8] =	ssyncset.s32 @!p0 $0xFFFFF086;
	s6 =	sadd.s32 @!p0 s3, s7;
	s7 =	simm.s32 @!p0 $0x108  }
0x21: {  	s3 =	sadd.s32 s3, s9;
	s6 =	sadd.s32 @!p0 $0x88, s6;
	s7 =	simm.s32 @p2 $0x1082  }
0x22: {  	[simem:s7], [sflag:s8] =	dma.local @!p0 [hbm:s6], $0xF7A  }
0x23: {  	s9 =	sor.u32 $0xD0000000, s2;
	s6 =	simm.s32 $0x108;
	_ =	swait.ge @!p0 [sflag:s8], $0x0  }
0x24: {  	s3 =	sadd.s32 $0x88, s3;
	s6 =	simm.s32 @!p1 $0x1082;
	[sflag:s4] =	ssyncset.s32 $0xFFFFF086  }
0x25: {  	[simem:s6], [sflag:s4] =	dma.local [hbm:s3], $0xF7A  }
0x26: {  	[smem:$0x3F96] =	sst s1;
	(tag) =	ssettag s2;
	_ =	strace s9  }
0x27: {  	s1 =	sld [smem:$0x3FA6]  }
0x28: {  	s2 =	sld [smem:$0x3FA7]  }
0x29: {  	s4 =	sld [smem:$0x3FA9]  }
0x2a: {  	p0 =	seq.s32 s5, $0x0;
	s5 =	sld [smem:$0x3FAA]  }
0x2b: {  	s6 =	sld [smem:$0x3FAB]  }
0x2c: {  	s7 =	sld [smem:$0x3FAC]  }
0x2d: {  	s3 =	simm.s32 $0x108;
	s8 =	sld [smem:$0x3FAD]  }
0x2e: {  	s3 =	simm.s32 @!p0 $0x1082;
	s9 =	sld [smem:$0x3FAE]  }
0x2f: {  	lr =	sadd.s32 s0, s3;
	s0 =	sld [smem:$0x3FA5]  }
0x30: {  	s3 =	sld [smem:$0x3FA8]  }
0x31: {  	[smem:$0x3FB1] =	sst s10  }
0x32: {  	s10 =	sld [smem:$0x3FAF];
	_ =	sdelay $0x3  }
0x33: {  	p0 =	seq.s32 s10, $0x1;
	s10 =	sld [smem:$0x3FB1];
	_ =	sdelay $0x3  }
0x34: {  	[smem:$0x3FB1] =	sst s10  }
0x35: {  	s10 =	sld [smem:$0x3FB0];
	_ =	sdelay $0x3  }
0x36: {  	p1 =	seq.s32 s10, $0x1;
	s10 =	sld [smem:$0x3FB1];
	_ =	sdelay $0x3  }
0x37: {  	[smem:$0x3FB1] =	sst s10  }
0x38: {  	s10 =	sld [smem:$0x3FB2]  }
0x39: {  	_ = 	snop;
	(pc) =	sbr.ind lr, $3  }
0x3a: {  	_ = 	snop  }
0x3b: {  	_ = 	snop  }
0x3c: {  	p2 =	seq.s32 s10, $0x1;
	s10 =	sld [smem:$0x3FB1]  }
0x3d: {  	_ =	shalt  }
0x3e: {  	_ =	shalt  }
0x3f: {  	_ =	shalt  }
0x40: {  	_ =	shalt  }
0x41: {  	_ =	shalt  }
0x42: {  	_ =	shalt  }
0x43: {  	_ =	shalt  }
0x44: {  	_ =	shalt  }
0x45: {  	_ =	shalt  }
0x46: {  	_ =	shalt  }
0x47: {  	_ =	shalt  }
0x48: {  	_ =	shalt  }
0x49: {  	_ =	shalt  }
0x4a: {  	_ =	shalt  }
0x4b: {  	_ =	shalt  }
0x4c: {  	_ =	shalt  }
0x4d: {  	_ =	shalt  }
0x4e: {  	_ =	shalt  }
0x4f: {  	_ =	shalt  }
0x50: {  	_ =	shalt  }
0x51: {  	_ =	shalt  }
0x52: {  	_ =	shalt  }
0x53: {  	_ =	shalt  }
0x54: {  	_ =	shalt  }
0x55: {  	_ =	shalt  }
0x56: {  	_ =	shalt  }
0x57: {  	_ =	shalt  }
0x58: {  	_ =	shalt  }
0x59: {  	_ =	shalt  }
0x5a: {  	_ =	shalt  }
0x5b: {  	_ =	shalt  }
0x5c: {  	_ =	shalt  }
0x5d: {  	_ =	shalt  }
0x5e: {  	_ =	shalt  }
0x5f: {  	_ =	shalt  }
0x60: {  	_ =	shalt  }
0x61: {  	_ =	shalt  }
0x62: {  	_ =	shalt  }
0x63: {  	_ =	shalt  }
0x64: {  	_ =	shalt  }
0x65: {  	_ =	shalt  }
0x66: {  	_ =	shalt  }
0x67: {  	_ =	shalt  }
0x68: {  	_ =	shalt  }
0x69: {  	_ =	shalt  }
0x6a: {  	_ =	shalt  }
0x6b: {  	_ =	shalt  }
0x6c: {  	_ =	shalt  }
0x6d: {  	_ =	shalt  }
0x6e: {  	_ =	shalt  }
0x6f: {  	_ =	shalt  }
0x70: {  	_ =	shalt  }
0x71: {  	_ =	shalt  }
0x72: {  	_ =	shalt  }
0x73: {  	_ =	shalt  }
0x74: {  	_ =	shalt  }
0x75: {  	_ =	shalt  }
0x76: {  	_ =	shalt  }
0x77: {  	_ =	shalt  }
0x78: {  	_ =	shalt  }
0x79: {  	_ =	shalt  }
0x7a: {  	_ =	shalt  }
0x7b: {  	_ =	shalt  }
0x7c: {  	_ =	shalt  }
0x7d: {  	_ =	shalt  }
0x7e: {  	_ =	shalt  }
0x7f: {  	_ =	shalt  }
0x80: {  	_ =	shalt  }
0x81: {  	_ =	shalt  }
0x82: {  	_ =	shalt  }
0x83: {  	_ =	shalt  }
0x84: {  	_ =	shalt  }
0x85: {  	_ =	shalt  }
0x86: {  	_ =	shalt  }
0x87: {  	_ =	shalt  }
.Lfunc_end0:
.L_simem_size_0:
called_computation.2_lowered:
.L_overlay_start_0:
0x88: {  	s2 =	sld [smem:$0x3FD9]  }
0x89: {  	s3 =	sld [smem:$0x3FFE];
	_ =	sdelay $0x1  }
0x8a: {  	s1 =	srdreg.scid  }
0x8b: {  	s0 =	sand.u32 $0x1, s1  }
0x8c: {  	s17 =	sshll.u32 s0, $0xA;
	s2 =	sadd.s32 s3, s2  }
0x8d: {  	s2 =	sadd.s32 s2, s17  }
0x8e: {  	[smem:$0x3FBD] =	sst s2  }
0x8f: {  	_ = 	snop  }
0x90: {  	s2 =	sld [smem:$0x3FD0];
	(tm) =	ssettm $0x1  }
0x91: {  	s18 =	sld [smem:$0x3FFB];
	_ =	sdelay $0x3  }
0x92: {  	_ =	strace s18  }
0x93: {  	s3 =	sld [smem:$0x3FFC];
	_ =	sdelay $0x3  }
0x94: {  	_ =	strace s3  }
0x95: {  	s3 =	sld [smem:$0x3FFD];
	_ =	sdelay $0x3  }
0x96: {  	_ =	strace s3  }
0x97: {  	_ =	strace $0x8FFFFFFF  }
0x98: {  	s19 =	sld [smem:$0x3FDB];
	_ =	sdelay $0x1  }
0x99: {  	s4 =	simm.s32 $_scs_section_size  }
0x9a: {  	s5 =	simm.s32 $_size__tile_overlayer_lowered;
	s6 =	simm.s32 $_tile_overlayer_lowered  }
0x9b: {  	s22 =	simm.s32 $0x1BFF;
	s21 =	sshll.u32 s6, $0x1;
	s3 =	sadd.s32 s4, s19  }
0x9c: {  	s7 =	simm.s32 $0x0;
	s20 =	sshll.u32 s5, $0x1;
	s5 =	sadd.s32 s21, s3  }
0x9d: {  	[timem:s7], [sflag:s22] =	dma.local [hbm:s5], s20  }
0x9e: {  	_ =	swait.ge [sflag:s22], s20  }
0x9f: {  	s4 =	ssub.s32 $0x0, s20;
	[sflag:s22] =	ssyncset.done $0x0  }
0xa0: {  	[sflag:s22] =	ssyncadd.s32 s4;
	_ =	sdelay $0x1  }
0xa1: {  	s23 =	simm.s32 $0x1B8B  }
0xa2: {  	_ =	swait.ge [sflag:s23], $0x1  }
0xa3: {  	[sflag:s23] =	ssyncset.done $0x0  }
0xa4: {  	s25 =	simm.s32 $0x1B8E;
	s24 =	sld [smem:$0x3FFE];
	[sflag:s23] =	ssyncadd.s32 $0xFFFFFFFF  }
0xa5: {  	s26 =	simm.s32 $execute0_lowered;
	[smem:$0x3FD2] =	sst s25  }
0xa6: {  	s5 =	sshll.u32 s26, $0x1;
	_ =	strace $0x8000004C;
	[dreg:$0x1] =	wrdreg $0xFFFFFFFF  }
0xa7: {  	s28 =	simm.s32 $_size_execute0_lowered;
	s3 =	sadd.s32 s3, s5;
	[dreg:$0x0] =	wrdreg $0x0  }
0xa8: {  	s5 =	sshll.u32 s28, $0x1;
	[dreg:$0x2] =	wrdreg s3  }
0xa9: {  	[dreg:$0x3] =	wrdreg s5  }
0xaa: {  	[dreg:$0x4] =	wrdreg $0xC0  }
0xab: {  	_ =	task [dreg:s7], $0x5FFFF  }
0xac: {  	[dreg:$0x1] =	wrdreg $0xFFFFFFFF  }
0xad: {  	[dreg:$0x0] =	wrdreg $0x60  }
0xae: {  	[dreg:$0x2] =	wrdreg s24  }
0xaf: {  	[dreg:$0x3] =	wrdreg s2  }
0xb0: {  	[dreg:$0x4] =	wrdreg $0xAF000  }
0xb1: {  	[dreg:$0x5] =	wrdreg $0x9  }
0xb2: {  	_ =	task.clear_ibuf [dreg:s7], $0x6FFFF;
	_ =	strace $0x9000004C  }
0xb3: {  	s29 =	simm.s32 $0x9;
	_ =	strace $0x8000004E  }
0xb4: {  	_ =	swait.ge [sflag:s29], $0x1  }
0xb5: {  	[sflag:s29] =	ssyncadd.s32 $0xFFFFFFFF  }
0xb6: {  	_ =	strace $0x9000004E  }
0xb7: {  	_ =	sfence  }
0xb8: {  	s30 =	sld [smem:$0x0];
	_ =	sdelay $0x2  }
0xb9: {  	s31 =	sshll.u32 s1, $0xD;
	s1 =	sshrl.u32 s1, $0x2  }
0xba: {  	s3 =	sand.u32 $0x4000, s31;
	s1 =	sadd.s32 s1, s30  }
0xbb: {  	s0 =	sor.u32 s3, s0;
	s1 =	sshll.u32 s1, $0x11  }
0xbc: {  	s0 =	sor.u32 s1, s0  }
0xbd: {  	s0 =	sadd.s32 $0x8F2B, s0  }
0xbe: {  	[sflag:s0] =	ssyncadd.remote.s32 $0x1  }
0xbf: {  	_ =	sfence.sel $0xFFFF  }
0xc0: {  	[dreg:$0x0] =	wrdreg $0xFFFFFFFF;
	(pc) =	sbr.abs _section_cstart, $3  }
0xc1: {  	[dreg:$0x1] =	wrdreg $0xFFFFFFFF  }
0xc2: {  	_ =	task.clear_ibuf [dreg:s7], $0x2FFFF;
	_ =	strace $0x9FFFFFFF  }
0xc3: {  	(tm) =	ssettm $0x7FFFFFFF  }
tec
execute0_lowered:
.L_overlay_start_1:
0x0: {  	(tag) =	ssettag $0x1  }
0x1: {  	s0 =	srdreg.scid;
	s1 =	rddreg [dreg:$0x0]  }
0x2: {  	s4 =	stileid.u32;
	s17 =	rddreg [dreg:$0x1]  }
0x3: {  	s28 =	simm.s32 $0x4F00;
	s29 =	simm.s32 $0x6F00;
	s30 =	simm.s32 $0x1  }
0x4: {  	s31 =	simm.s32 $0x2;
	s0 =	sand.u32 $0x1, s0;
	s6 =	smul.u32 $0x28000, s4  }
0x5: {  	s2 =	sshll.u32 s4, $0x1;
	s15 =	smul.u32 $0xA000, s4;
	s4 =	sadd.s32 $0x17C00, s1  }
0x6: {  	s3 =	sor.u32 s0, s2;
	s2 =	rddreg [dreg:$0x2];
	s16 =	smul.u32 $0xA0000, s0  }
0x7: {  	s0 =	ssub.s32 $0x2, s0;
	s5 =	smul.u32 $0x4F0, s3;
	s3 =	simm.s32 $0x0  }
0x8: {  	s18 =	sshrl.u32 s0, $0x1;
	s19 =	sshrl.u32 s6, $0x2;
	s21 =	sadd.s32 $0x2000, s15  }
0x9: {  	[smem:$0x7FF] =	sst s3;
	s0 =	ssub.s32 s0, s18;
	s7 =	sadd.s32 s16, s15  }
0xa: {  	s22 =	sadd.s32 s16, s21;
	s18 =	sadd.s32 $0x4000, s15;
	_ =	strace $0x8000004D  }
0xb: {  	s1 =	sadd.s32 s5, s1;
	s5 =	sadd.s32 s19, s2;
	s8 =	sshrl.u32 s7, $0x3  }
0xc: {  	s9 =	smax.u32 s0, $0x1;
	s0 =	sadd.s32 s21, s2;
	s23 =	sadd.s32 s16, s18  }
0xd: {  	s19 =	sadd.s32 $0x6000, s15;
	s21 =	sadd.s32 $0x8000, s15;
	s20 =	sadd.s32 $0x4000, s1  }
0xe: {  	s1 =	sadd.s32 $0xDE00, s1;
	s8 =	sadd.s32 s17, s8;
	s10 =	sadd.s32 $0x2000, s5  }
0xf: {  	s11 =	sadd.s32 $0x4000, s5;
	s12 =	sadd.s32 $0x6000, s5;
	s13 =	sadd.s32 $0x8000, s5  }
0x10: {  	s24 =	sadd.s32 s16, s19;
	s16 =	sadd.s32 s16, s21;
	[dreg:$0x4] =	wrdreg s20  }
0x11: {  	s26 =	sadd.s32 s19, s2;
	s19 =	simm.s32 $0x3;
	[dreg:$0x5] =	wrdreg s1  }
0x12: {  	s20 =	sadd.s32 s15, s2;
	s1 =	sshrl.u32 s22, $0x3;
	s25 =	sshrl.u32 s16, $0x3  }
0x13: {  	s22 =	sshrl.u32 s0, $0x3;
	s14 =	sadd.s32 s17, s1;
	s1 =	sshrl.u32 s23, $0x3  }
0x14: {  	s23 =	sadd.s32 s18, s2;
	s18 =	simm.s32 $0x8F00;
	s15 =	sadd.s32 s17, s1  }
0x15: {  	s1 =	sshrl.u32 s24, $0x3;
	s23 =	sshrl.u32 s23, $0x3;
	s24 =	sshrl.u32 s26, $0x3  }
0x16: {  	s16 =	sadd.s32 s17, s1;
	s17 =	sadd.s32 s17, s25;
	s25 =	sadd.s32 s21, s2  }
0x17: {  	v0 =	vimm.f32 $0.0e+00;
	s26 =	simm.s32 $0x80;
	s21 =	sshrl.u32 s20, $0x3;
	s25 =	sshrl.u32 s25, $0x3  }
.LBB2_1:
0x18: {  	s20 =	simm.s32 $0x100;
	s0 =	simm.s32 $0x0  }
.LBB2_2:
0x19: {  	p0 =	sne.s32 s20, $0x7F00;
	[tilespmem:s0+$0x8F30] =	vst v0;
	s1 =	smov.u32 s20;
	s20 =	sadd.s32 $0x100, s20  }
.Ltmp0:
0x1a: {  	[tilespmem:s0+$0x8F20] =	vst v0;
	(pc) =	sbr.rel @p0 .LBB2_2-.Ltmp0, $3  }
0x1b: {  	[tilespmem:s0+$0x8F00] =	vst v0  }
0x1c: {  	[tilespmem:s0+$0x8F10] =	vst v0;
	_ =	sdelay $0x1  }
0x1d: {  	s0 =	sshra.s32 s1, $0x2  }
0x1e: {  	[tilespmem:s0+$0x8F30] =	vst v0  }
0x1f: {  	[tilespmem:s0+$0x8F20] =	vst v0  }
0x20: {  	[tilespmem:s0+$0x8F00] =	vst v0  }
0x21: {  	[tilespmem:s0+$0x8F10] =	vst v0  }
0x22: {  	[spmem:s5] =	stream.linear.scatter [tilespmem:s18], [sflag:$0x3], $0x2000, $0x38;
	[tilespmem:$0x14F00] =	vst v63  }
0x23: {  	_ =	swait.ge [sflag:s19], $0x2000  }
0x24: {  	[sflag:s19] =	ssyncset.done $0x0  }
0x25: {  	[sflag:s19] =	ssyncadd.s32 $0xFFFFE000  }
0x26: {  	[spmem:s10] =	stream.linear.scatter [tilespmem:s18], [sflag:$0x3], $0x2000, $0x38;
	[tilespmem:$0x14F00] =	vst v63  }
0x27: {  	_ =	swait.ge [sflag:s19], $0x2000  }
0x28: {  	[sflag:s19] =	ssyncset.done $0x0  }
0x29: {  	[sflag:s19] =	ssyncadd.s32 $0xFFFFE000  }
0x2a: {  	[spmem:s11] =	stream.linear.scatter [tilespmem:s18], [sflag:$0x3], $0x2000, $0x38;
	[tilespmem:$0x14F00] =	vst v63  }
0x2b: {  	_ =	swait.ge [sflag:s19], $0x2000  }
0x2c: {  	[sflag:s19] =	ssyncset.done $0x0  }
0x2d: {  	[sflag:s19] =	ssyncadd.s32 $0xFFFFE000  }
0x2e: {  	[spmem:s12] =	stream.linear.scatter [tilespmem:s18], [sflag:$0x3], $0x2000, $0x38;
	[tilespmem:$0x14F00] =	vst v63  }
0x2f: {  	_ =	swait.ge [sflag:s19], $0x2000  }
0x30: {  	[sflag:s19] =	ssyncset.done $0x0  }
0x31: {  	[sflag:s19] =	ssyncadd.s32 $0xFFFFE000  }
0x32: {  	[spmem:s13] =	stream.linear.scatter [tilespmem:s18], [sflag:$0x3], $0x2000, $0x38;
	[tilespmem:$0x14F00] =	vst v63  }
0x33: {  	_ =	swait.ge [sflag:s19], $0x2000  }
0x34: {  	[sflag:s19] =	ssyncset.done $0x0  }
0x35: {  	[sflag:s19] =	ssyncadd.s32 $0xFFFFE000  }
0x36: {  	[bflag:$0x0] =	sbarrier.arrive $0xFFFF  }
0x37: {  	s7 =	simm.s32 $0x0;
	s1 =	rddreg [dreg:$0x4]  }
0x38: {  	[tilespmem:s7], [sflag:$0x3] =	stream.linear.gather [hbm4b:s1+s7], $0x2780, $0x38;
	[tilespmem:$0x14F00] =	vst v63  }
0x39: {  	_ =	swait.ge [sflag:s19], $0x2780  }
0x3a: {  	[sflag:s19] =	ssyncset.done $0x0  }
0x3b: {  	s6 =	simm.s32 $0x2780;
	s20 =	rddreg [dreg:$0x5];
	[sflag:s19] =	ssyncadd.s32 $0xFFFFD880  }
0x3c: {  	[tilespmem:s6], [sflag:$0x3] =	stream.linear.gather [hbm4b:s20+s7], $0x2780, $0x38;
	[tilespmem:$0x14F00] =	vst v63  }
0x3d: {  	_ =	swait.ge [sflag:s19], $0x2780  }
0x3e: {  	[sflag:s19] =	ssyncset.done $0x0  }
0x3f: {  	[sflag:s19] =	ssyncadd.s32 $0xFFFFD880  }
0x40: {  	[tilespmem:s28], [sflag:$0x1] =	stream.indirect.gather [hbm4b:s4+s26], $0x40, s7, s26, $0xb8;
	[tilespmem:$0x14F00] =	vst v63  }
0x41: {  	s1 =	simm.s32 $0x80  }
0x42: {  	[tilespmem:s29], [sflag:$0x2] =	stream.indirect.gather [hbm4b:s4+s26], $0x40, s1, s26, $0xb8;
	[tilespmem:$0x14F00] =	vst v63  }
0x43: {  	_ =	swait.ge [sflag:s30], $0x2000  }
0x44: {  	[sflag:s30] =	ssyncset.done $0x0  }
0x45: {  	s6 =	simm.s32 $0x2780;
	[sflag:s30] =	ssyncadd.s32 $0xFFFFE000  }
0x46: {  	[spmem:s2] =	stream.indirect.scatter.add.f32 [tilespmem:s28], [sflag:$0x3], $0x40, s6, s26, $0xb8;
	[tilespmem:$0x14F00] =	vst v63  }
0x47: {  	_ =	swait.ge [sflag:s19], $0x2000  }
0x48: {  	[sflag:s19] =	ssyncset.done $0x0  }
0x49: {  	s7 =	simm.s32 $0x100;
	[sflag:s19] =	ssyncadd.s32 $0xFFFFE000  }
0x4a: {  	[tilespmem:s28], [sflag:$0x1] =	stream.indirect.gather [hbm4b:s4+s26], $0x40, s7, s26, $0xb8;
	[tilespmem:$0x14F00] =	vst v63  }
0x4b: {  	_ =	swait.ge [sflag:s31], $0x2000  }
0x4c: {  	[sflag:s31] =	ssyncset.done $0x0  }
0x4d: {  	s20 =	simm.s32 $0x2800;
	[sflag:s31] =	ssyncadd.s32 $0xFFFFE000  }
0x4e: {  	[spmem:s2] =	stream.indirect.scatter.add.f32 [tilespmem:s29], [sflag:$0x3], $0x40, s20, s26, $0xb8;
	[tilespmem:$0x14F00] =	vst v63  }
0x4f: {  	_ =	swait.ge [sflag:s19], $0x2000  }
0x50: {  	s0 =	simm.s32 $0x100;
	s20 =	simm.s32 $0x800;
	[sflag:s19] =	ssyncset.done $0x0  }
.LBB2_4:
0x51: {  	s1 =	sadd.s32 $0x80, s0  }
0x52: {  	[sflag:s19] =	ssyncadd.s32 $0xFFFFE000;
	s6 =	smov.u32 s20;
	s7 =	sadd.s32 $0x400, s20  }
0x53: {  	[tilespmem:s29], [sflag:$0x2] =	stream.indirect.gather [hbm4b:s4+s26], $0x40, s1, s26, $0xb8;
	[tilespmem:$0x14F00] =	vst v63  }
0x54: {  	p0 =	sne.s32 s20, $0x9800;
	_ =	swait.ge [sflag:s30], $0x2000  }
0x55: {  	[sflag:s30] =	ssyncset.done $0x0  }
0x56: {  	s1 =	sadd.s32 $0x2780, s0;
	[sflag:s30] =	ssyncadd.s32 $0xFFFFE000  }
0x57: {  	[spmem:s2] =	stream.indirect.scatter.add.f32 [tilespmem:s28], [sflag:$0x3], $0x40, s1, s26, $0xb8;
	[tilespmem:$0x14F00] =	vst v63  }
0x58: {  	_ =	swait.ge [sflag:s19], $0x2000  }
0x59: {  	[sflag:s19] =	ssyncset.done $0x0  }
0x5a: {  	s1 =	sadd.s32 $0x100, s0;
	[sflag:s19] =	ssyncadd.s32 $0xFFFFE000  }
0x5b: {  	[tilespmem:s28], [sflag:$0x1] =	stream.indirect.gather [hbm4b:s4+s26], $0x40, s1, s26, $0xb8;
	[tilespmem:$0x14F00] =	vst v63  }
0x5c: {  	_ =	swait.ge [sflag:s31], $0x2000  }
.Ltmp1:
0x5d: {  	[sflag:s31] =	ssyncset.done $0x0;
	(pc) =	sbr.rel @p0 .LBB2_4-.Ltmp1, $4  }
0x5e: {  	s0 =	sadd.s32 $0x2800, s0;
	[sflag:s31] =	ssyncadd.s32 $0xFFFFE000  }
0x5f: {  	[spmem:s2] =	stream.indirect.scatter.add.f32 [tilespmem:s29], [sflag:$0x3], $0x40, s0, s26, $0xb8;
	[tilespmem:$0x14F00] =	vst v63  }
0x60: {  	_ =	swait.ge [sflag:s19], $0x2000  }
0x61: {  	s20 =	smov.u32 s7;
	s0 =	sshra.s32 s6, $0x2;
	[sflag:s19] =	ssyncset.done $0x0  }
0x62: {  	s1 =	sadd.s32 $0x80, s0;
	[sflag:s19] =	ssyncadd.s32 $0xFFFFE000  }
0x63: {  	[tilespmem:s29], [sflag:$0x2] =	stream.indirect.gather [hbm4b:s4+s26], $0x40, s1, s26, $0xb8;
	[tilespmem:$0x14F00] =	vst v63  }
0x64: {  	_ =	swait.ge [sflag:s30], $0x2000  }
0x65: {  	[sflag:s30] =	ssyncset.done $0x0  }
0x66: {  	s7 =	sadd.s32 $0x2780, s0;
	[sflag:s30] =	ssyncadd.s32 $0xFFFFE000  }
0x67: {  	[spmem:s2] =	stream.indirect.scatter.add.f32 [tilespmem:s28], [sflag:$0x3], $0x40, s7, s26, $0xb8;
	[tilespmem:$0x14F00] =	vst v63  }
0x68: {  	_ =	swait.ge [sflag:s19], $0x2000  }
0x69: {  	[sflag:s19] =	ssyncset.done $0x0  }
0x6a: {  	s20 =	sadd.s32 $0x100, s0;
	[sflag:s19] =	ssyncadd.s32 $0xFFFFE000  }
0x6b: {  	[tilespmem:s28], [sflag:$0x1] =	stream.indirect.gather [hbm4b:s4+s26], $0x40, s20, s26, $0xb8;
	[tilespmem:$0x14F00] =	vst v63  }
0x6c: {  	_ =	swait.ge [sflag:s31], $0x2000  }
0x6d: {  	[sflag:s31] =	ssyncset.done $0x0  }
0x6e: {  	s6 =	sadd.s32 $0x2800, s0;
	[sflag:s31] =	ssyncadd.s32 $0xFFFFE000  }
0x6f: {  	[spmem:s2] =	stream.indirect.scatter.add.f32 [tilespmem:s29], [sflag:$0x3], $0x40, s6, s26, $0xb8;
	[tilespmem:$0x14F00] =	vst v63  }
0x70: {  	_ =	swait.ge [sflag:s19], $0x2000  }
0x71: {  	[sflag:s19] =	ssyncset.done $0x0  }
0x72: {  	[sflag:s19] =	ssyncadd.s32 $0xFFFFE000  }
0x73: {  	_ =	swait.ge [sflag:s30], $0x2000  }
0x74: {  	[sflag:s30] =	ssyncset.done $0x0  }
0x75: {  	s7 =	simm.s32 $0x4E80;
	[sflag:s30] =	ssyncadd.s32 $0xFFFFE000  }
0x76: {  	[spmem:s2] =	stream.indirect.scatter.add.f32 [tilespmem:s28], [sflag:$0x3], $0x40, s7, s26, $0xb8;
	[tilespmem:$0x14F00] =	vst v63  }
0x77: {  	_ =	swait.ge [sflag:s19], $0x2000  }
0x78: {  	s20 =	stileid.u32;
	[sflag:s19] =	ssyncset.done $0x0  }
0x79: {  	s0 =	sshll.u32 s20, $0x6;
	[sflag:s19] =	ssyncadd.s32 $0xFFFFE000  }
0x7a: {  	s0 =	sor.u32 $0x1C03, s0;
	[bflag:$0x0] =	sbarrier.arrive $0xFFFF  }
0x7b: {  	[hbm:s8], [sflag:s0] =	dma.local [spmem:s21], $0x400  }
0x7c: {  	_ =	swait.ge [sflag:s19], $0x400  }
0x7d: {  	[sflag:s19] =	ssyncset.done $0x0  }
0x7e: {  	[sflag:s19] =	ssyncadd.s32 $0xFFFFFC00  }
0x7f: {  	[hbm:s14], [sflag:s0] =	dma.local [spmem:s22], $0x400  }
0x80: {  	_ =	swait.ge [sflag:s19], $0x400  }
0x81: {  	[sflag:s19] =	ssyncset.done $0x0  }
0x82: {  	[sflag:s19] =	ssyncadd.s32 $0xFFFFFC00  }
0x83: {  	[hbm:s15], [sflag:s0] =	dma.local [spmem:s23], $0x400  }
0x84: {  	_ =	swait.ge [sflag:s19], $0x400  }
0x85: {  	[sflag:s19] =	ssyncset.done $0x0  }
0x86: {  	[sflag:s19] =	ssyncadd.s32 $0xFFFFFC00  }
0x87: {  	[hbm:s16], [sflag:s0] =	dma.local [spmem:s24], $0x400  }
0x88: {  	s3 =	sadd.s32 $0x1, s3;
	_ =	swait.ge [sflag:s19], $0x400  }
0x89: {  	p0 =	sne.s32 s3, s9;
	[sflag:s19] =	ssyncset.done $0x0  }
.Ltmp2:
0x8a: {  	[sflag:s19] =	ssyncadd.s32 $0xFFFFFC00;
	(pc) =	sbr.rel @p0 .LBB2_1-.Ltmp2, $4  }
0x8b: {  	[hbm:s17], [sflag:s0] =	dma.local [spmem:s25], $0x400  }
0x8c: {  	_ =	swait.ge [sflag:s19], $0x400  }
0x8d: {  	[sflag:s19] =	ssyncset.done $0x0  }
0x8e: {  	[sflag:s19] =	ssyncadd.s32 $0xFFFFFC00  }
0x8f: {  	_ =	sfence.sel $0x180000  }
0x90: {  	[bflag:$0x0] =	sbarrier.arrive $0xFFFF  }
0x91: {  	_ =	strace $0x9000004D  }
0x92: {  	s0 =	stileid.u32;
	[bflag:$0x2] =	sbarrier.arrive $0xFFFF  }
0x93: {  	p0 =	sne.s32 s0, $0x0;
	s0 =	rddreg [dreg:$0x3]  }
0x94: {  	s0 =	sadd.s32 @!p0 $0x100000, s0  }
0x95: {  	[sflag:s0] =	ssyncadd.tile.s32 @!p0 $0x1;
	_ =	shalt  }
.Lfunc_end2:
_tile_overlayer_lowered:
.L_overlay_start_2:
0x96: {  	(tag) =	ssettag $0x2  }
0x97: {  	s0 =	rddreg [dreg:$0x0];
	s2 =	stileid.u32  }
0x98: {  	s1 =	rddreg [dreg:$0x1];
	p0 =	sne.s32 s2, $0x0  }
0x99: {  	s3 =	rddreg [dreg:$0x2];
	[bflag:$0x3] =	sbarrier.arrive $0xFFFF;
	s2 =	simm.s32 @!p0 $0x1C03  }
0x9a: {  	[timem:s3], [sflag:s2] =	dma.local @!p0 [hbm:s0], s1  }
0x9b: {  	s0 =	simm.s32 @!p0 $0x3  }
0x9c: {  	_ =	swait.ge @!p0 [sflag:s0], s1  }
0x9d: {  	s1 =	ssub.s32 @!p0 $0x0, s1;
	[sflag:s0] =	ssyncset.done @!p0 $0x0  }
0x9e: {  	[sflag:s0] =	ssyncadd.s32 @!p0 s1  }
0x9f: {  	[bflag:$0x3] =	sbarrier.arrive $0xFFFF  }
0xa0: {  	_ =	shalt  }

// kernel: kernel.20.cloned.1.call-start
scs
__scs_entry_jumppad:
0x0: {  	(pc) =	sbr.rel $0x88, $3  }
0x1: {  	(tag) =	ssettag $0x0;
	lr =	simm.s32 $0x1  }
0x2: {  	[smem:$0x3F96] =	sst lr;
	_ =	strace $0xD0000000  }
0x3: {  	_ = 	snop  }
0x4: {  	_ = 	snop  }
0x5: {  	_ = 	snop  }
0x6: {  	_ = 	snop  }
0x7: {  	_ = 	snop  }
__scs_overlays_trampoline_lowered:
0x8: {  	[smem:$0x3FA5] =	sst s0  }
0x9: {  	[smem:$0x3FA6] =	sst s1  }
0xa: {  	[smem:$0x3FA7] =	sst s2  }
0xb: {  	[smem:$0x3FA8] =	sst s3  }
0xc: {  	[smem:$0x3FA9] =	sst s4  }
0xd: {  	[smem:$0x3FAA] =	sst s5  }
0xe: {  	[smem:$0x3FAB] =	sst s6  }
0xf: {  	[smem:$0x3FAC] =	sst s7  }
0x10: {  	[smem:$0x3FAD] =	sst s8  }
0x11: {  	[smem:$0x3FAE] =	sst s9;
	s0 =	simm.s32 @!p0 $0x0  }
0x12: {  	s1 =	sld [smem:$0x3F94];
	s0 =	simm.s32 @p0 $0x1  }
0x13: {  	[smem:$0x3FAF] =	sst s0;
	s0 =	simm.s32 @!p1 $0x0  }
0x14: {  	s2 =	sld [smem:$0x3F93];
	s0 =	simm.s32 @p1 $0x1  }
0x15: {  	[smem:$0x3FB0] =	sst s0;
	s0 =	simm.s32 @!p2 $0x0  }
0x16: {  	s3 =	sld [smem:$0x3FDB];
	s0 =	simm.s32 @p2 $0x1  }
0x17: {  	s4 =	simm.s32 $0x1BF5;
	[smem:$0x3FB2] =	sst s0  }
0x18: {  	s0 =	sld [smem:$0x3F95];
	_ =	swait.ge [sflag:s4], $0x0  }
0x19: {  	s7 =	sld [smem:$0x3F96]  }
0x1a: {  	s8 =	sadd.s32 $0xFFFFE003, lr  }
0x1b: {  	s9 =	sadd.s32 $0xFFFFFEF7, lr;
	s5 =	simm.s32 $0xFFFFFFFF;
	p2 =	slt.u32 s8, $0xFFFFF086  }
0x1c: {  	p1 =	slt.u32 s9, $0xF7A;
	s5 =	simm.s32 @!p2 $0x0  }
0x1d: {  	s5 =	simm.s32 @p1 $0x1;
	p0 =	seq.s32 s7, s2  }
0x1e: {  	s7 =	smul.u32 @!p0 $0xF7A, s2;
	p2 =	seq.s32 @!p0 s5, $0x0  }
0x1f: {  	s9 =	smul.u32 $0xF7A, s1;
	s8 =	simm.s32 @!p0 $0x1BF5;
	p2 =	por !p2, p0  }
0x20: {  	[sflag:s8] =	ssyncset.s32 @!p0 $0xFFFFF086;
	s6 =	sadd.s32 @!p0 s3, s7;
	s7 =	simm.s32 @!p0 $0x108  }
0x21: {  	s3 =	sadd.s32 s3, s9;
	s6 =	sadd.s32 @!p0 $0x88, s6;
	s7 =	simm.s32 @p2 $0x1082  }
0x22: {  	[simem:s7], [sflag:s8] =	dma.local @!p0 [hbm:s6], $0xF7A  }
0x23: {  	s9 =	sor.u32 $0xD0000000, s2;
	s6 =	simm.s32 $0x108;
	_ =	swait.ge @!p0 [sflag:s8], $0x0  }
0x24: {  	s3 =	sadd.s32 $0x88, s3;
	s6 =	simm.s32 @!p1 $0x1082;
	[sflag:s4] =	ssyncset.s32 $0xFFFFF086  }
0x25: {  	[simem:s6], [sflag:s4] =	dma.local [hbm:s3], $0xF7A  }
0x26: {  	[smem:$0x3F96] =	sst s1;
	(tag) =	ssettag s2;
	_ =	strace s9  }
0x27: {  	s1 =	sld [smem:$0x3FA6]  }
0x28: {  	s2 =	sld [smem:$0x3FA7]  }
0x29: {  	s4 =	sld [smem:$0x3FA9]  }
0x2a: {  	p0 =	seq.s32 s5, $0x0;
	s5 =	sld [smem:$0x3FAA]  }
0x2b: {  	s6 =	sld [smem:$0x3FAB]  }
0x2c: {  	s7 =	sld [smem:$0x3FAC]  }
0x2d: {  	s3 =	simm.s32 $0x108;
	s8 =	sld [smem:$0x3FAD]  }
0x2e: {  	s3 =	simm.s32 @!p0 $0x1082;
	s9 =	sld [smem:$0x3FAE]  }
0x2f: {  	lr =	sadd.s32 s0, s3;
	s0 =	sld [smem:$0x3FA5]  }
0x30: {  	s3 =	sld [smem:$0x3FA8]  }
0x31: {  	[smem:$0x3FB1] =	sst s10  }
0x32: {  	s10 =	sld [smem:$0x3FAF];
	_ =	sdelay $0x3  }
0x33: {  	p0 =	seq.s32 s10, $0x1;
	s10 =	sld [smem:$0x3FB1];
	_ =	sdelay $0x3  }
0x34: {  	[smem:$0x3FB1] =	sst s10  }
0x35: {  	s10 =	sld [smem:$0x3FB0];
	_ =	sdelay $0x3  }
0x36: {  	p1 =	seq.s32 s10, $0x1;
	s10 =	sld [smem:$0x3FB1];
	_ =	sdelay $0x3  }
0x37: {  	[smem:$0x3FB1] =	sst s10  }
0x38: {  	s10 =	sld [smem:$0x3FB2]  }
0x39: {  	_ = 	snop;
	(pc) =	sbr.ind lr, $3  }
0x3a: {  	_ = 	snop  }
0x3b: {  	_ = 	snop  }
0x3c: {  	p2 =	seq.s32 s10, $0x1;
	s10 =	sld [smem:$0x3FB1]  }
0x3d: {  	_ =	shalt  }
0x3e: {  	_ =	shalt  }
0x3f: {  	_ =	shalt  }
0x40: {  	_ =	shalt  }
0x41: {  	_ =	shalt  }
0x42: {  	_ =	shalt  }
0x43: {  	_ =	shalt  }
0x44: {  	_ =	shalt  }
0x45: {  	_ =	shalt  }
0x46: {  	_ =	shalt  }
0x47: {  	_ =	shalt  }
0x48: {  	_ =	shalt  }
0x49: {  	_ =	shalt  }
0x4a: {  	_ =	shalt  }
0x4b: {  	_ =	shalt  }
0x4c: {  	_ =	shalt  }
0x4d: {  	_ =	shalt  }
0x4e: {  	_ =	shalt  }
0x4f: {  	_ =	shalt  }
0x50: {  	_ =	shalt  }
0x51: {  	_ =	shalt  }
0x52: {  	_ =	shalt  }
0x53: {  	_ =	shalt  }
0x54: {  	_ =	shalt  }
0x55: {  	_ =	shalt  }
0x56: {  	_ =	shalt  }
0x57: {  	_ =	shalt  }
0x58: {  	_ =	shalt  }
0x59: {  	_ =	shalt  }
0x5a: {  	_ =	shalt  }
0x5b: {  	_ =	shalt  }
0x5c: {  	_ =	shalt  }
0x5d: {  	_ =	shalt  }
0x5e: {  	_ =	shalt  }
0x5f: {  	_ =	shalt  }
0x60: {  	_ =	shalt  }
0x61: {  	_ =	shalt  }
0x62: {  	_ =	shalt  }
0x63: {  	_ =	shalt  }
0x64: {  	_ =	shalt  }
0x65: {  	_ =	shalt  }
0x66: {  	_ =	shalt  }
0x67: {  	_ =	shalt  }
0x68: {  	_ =	shalt  }
0x69: {  	_ =	shalt  }
0x6a: {  	_ =	shalt  }
0x6b: {  	_ =	shalt  }
0x6c: {  	_ =	shalt  }
0x6d: {  	_ =	shalt  }
0x6e: {  	_ =	shalt  }
0x6f: {  	_ =	shalt  }
0x70: {  	_ =	shalt  }
0x71: {  	_ =	shalt  }
0x72: {  	_ =	shalt  }
0x73: {  	_ =	shalt  }
0x74: {  	_ =	shalt  }
0x75: {  	_ =	shalt  }
0x76: {  	_ =	shalt  }
0x77: {  	_ =	shalt  }
0x78: {  	_ =	shalt  }
0x79: {  	_ =	shalt  }
0x7a: {  	_ =	shalt  }
0x7b: {  	_ =	shalt  }
0x7c: {  	_ =	shalt  }
0x7d: {  	_ =	shalt  }
0x7e: {  	_ =	shalt  }
0x7f: {  	_ =	shalt  }
0x80: {  	_ =	shalt  }
0x81: {  	_ =	shalt  }
0x82: {  	_ =	shalt  }
0x83: {  	_ =	shalt  }
0x84: {  	_ =	shalt  }
0x85: {  	_ =	shalt  }
0x86: {  	_ =	shalt  }
0x87: {  	_ =	shalt  }
.Lfunc_end0:
.L_simem_size_0:
called_computation.3_lowered:
.L_overlay_start_0:
0x88: {  	s2 =	sld [smem:$0x3FD9]  }
0x89: {  	s3 =	sld [smem:$0x3FFE];
	_ =	sdelay $0x1  }
0x8a: {  	s1 =	srdreg.scid  }
0x8b: {  	s0 =	sand.u32 $0x1, s1  }
0x8c: {  	s17 =	sshll.u32 s0, $0xA;
	s2 =	sadd.s32 s3, s2  }
0x8d: {  	s2 =	sadd.s32 s2, s17  }
0x8e: {  	[smem:$0x3FBD] =	sst s2  }
0x8f: {  	_ = 	snop  }
0x90: {  	s2 =	sld [smem:$0x3FD0];
	(tm) =	ssettm $0x1  }
0x91: {  	s18 =	sld [smem:$0x3FFB];
	_ =	sdelay $0x3  }
0x92: {  	_ =	strace s18  }
0x93: {  	s3 =	sld [smem:$0x3FFC];
	_ =	sdelay $0x3  }
0x94: {  	_ =	strace s3  }
0x95: {  	s3 =	sld [smem:$0x3FFD];
	_ =	sdelay $0x3  }
0x96: {  	_ =	strace s3  }
0x97: {  	_ =	strace $0x8FFFFFFF  }
0x98: {  	s19 =	sld [smem:$0x3FDB];
	_ =	sdelay $0x1  }
0x99: {  	s4 =	simm.s32 $_scs_section_size  }
0x9a: {  	s5 =	simm.s32 $_size__tile_overlayer_lowered;
	s6 =	simm.s32 $_tile_overlayer_lowered  }
0x9b: {  	s22 =	simm.s32 $0x1BFF;
	s21 =	sshll.u32 s6, $0x1;
	s3 =	sadd.s32 s4, s19  }
0x9c: {  	s7 =	simm.s32 $0x0;
	s20 =	sshll.u32 s5, $0x1;
	s5 =	sadd.s32 s21, s3  }
0x9d: {  	[timem:s7], [sflag:s22] =	dma.local [hbm:s5], s20  }
0x9e: {  	_ =	swait.ge [sflag:s22], s20  }
0x9f: {  	s4 =	ssub.s32 $0x0, s20;
	[sflag:s22] =	ssyncset.done $0x0  }
0xa0: {  	[sflag:s22] =	ssyncadd.s32 s4;
	_ =	sdelay $0x1  }
0xa1: {  	s23 =	simm.s32 $0x1B8B  }
0xa2: {  	_ =	swait.ge [sflag:s23], $0x1  }
0xa3: {  	[sflag:s23] =	ssyncset.done $0x0  }
0xa4: {  	s25 =	simm.s32 $0x1B8E;
	s24 =	sld [smem:$0x3FFE];
	[sflag:s23] =	ssyncadd.s32 $0xFFFFFFFF  }
0xa5: {  	s26 =	simm.s32 $execute0_lowered;
	[smem:$0x3FD2] =	sst s25  }
0xa6: {  	s5 =	sshll.u32 s26, $0x1;
	_ =	strace $0x8000004F;
	[dreg:$0x1] =	wrdreg $0xFFFFFFFF  }
0xa7: {  	s28 =	simm.s32 $_size_execute0_lowered;
	s3 =	sadd.s32 s3, s5;
	[dreg:$0x0] =	wrdreg $0x0  }
0xa8: {  	s5 =	sshll.u32 s28, $0x1;
	[dreg:$0x2] =	wrdreg s3  }
0xa9: {  	[dreg:$0x3] =	wrdreg s5  }
0xaa: {  	[dreg:$0x4] =	wrdreg $0xC0  }
0xab: {  	_ =	task [dreg:s7], $0x5FFFF  }
0xac: {  	[dreg:$0x1] =	wrdreg $0xFFFFFFFF  }
0xad: {  	[dreg:$0x0] =	wrdreg $0x60  }
0xae: {  	[dreg:$0x2] =	wrdreg s2  }
0xaf: {  	[dreg:$0x3] =	wrdreg s24  }
0xb0: {  	[dreg:$0x4] =	wrdreg $0xCF800  }
0xb1: {  	[dreg:$0x5] =	wrdreg $0xEF800  }
0xb2: {  	[dreg:$0x6] =	wrdreg $0x9  }
0xb3: {  	_ =	task.clear_ibuf [dreg:s7], $0x7FFFF;
	_ =	strace $0x9000004F  }
0xb4: {  	s29 =	simm.s32 $0x9;
	_ =	strace $0x80000051  }
0xb5: {  	_ =	swait.ge [sflag:s29], $0x1  }
0xb6: {  	[sflag:s29] =	ssyncadd.s32 $0xFFFFFFFF  }
0xb7: {  	_ =	strace $0x90000051  }
0xb8: {  	_ =	sfence  }
0xb9: {  	s30 =	sld [smem:$0x0];
	_ =	sdelay $0x2  }
0xba: {  	s31 =	sshll.u32 s1, $0xD;
	s1 =	sshrl.u32 s1, $0x2  }
0xbb: {  	s3 =	sand.u32 $0x4000, s31;
	s1 =	sadd.s32 s1, s30  }
0xbc: {  	s0 =	sor.u32 s3, s0;
	s1 =	sshll.u32 s1, $0x11  }
0xbd: {  	s0 =	sor.u32 s1, s0  }
0xbe: {  	s0 =	sadd.s32 $0x8F2B, s0  }
0xbf: {  	[sflag:s0] =	ssyncadd.remote.s32 $0x1  }
0xc0: {  	_ =	sfence.sel $0xFFFF  }
0xc1: {  	[dreg:$0x0] =	wrdreg $0xFFFFFFFF;
	(pc) =	sbr.abs _section_cstart, $3  }
0xc2: {  	[dreg:$0x1] =	wrdreg $0xFFFFFFFF  }
0xc3: {  	_ =	task.clear_ibuf [dreg:s7], $0x2FFFF;
	_ =	strace $0x9FFFFFFF  }
0xc4: {  	(tm) =	ssettm $0x7FFFFFFF  }
0xc5: {  	_ =	shalt  }
tec
execute0_lowered:
.L_overlay_start_1:
0x0: {  	(tag) =	ssettag $0x1  }
0x1: {  	s1 =	rddreg [dreg:$0x0]  }
0x2: {  	s0 =	rddreg [dreg:$0x1]  }
0x3: {  	s2 =	srdreg.scid;
	s4 =	rddreg [dreg:$0x2]  }
0x4: {  	s3 =	stileid.u32;
	s14 =	rddreg [dreg:$0x3];
	s7 =	simm.s32 $0x0  }
0x5: {  	s18 =	simm.s32 $0x7;
	s28 =	simm.s32 $0x3;
	s29 =	simm.s32 $0xCF00  }
0x6: {  	s30 =	simm.s32 $0x6;
	s2 =	sand.u32 $0x1, s2;
	s13 =	smul.u32 $0x4F00, s3  }
0x7: {  	s5 =	sshll.u32 s3, $0x1;
	[smem:$0x7FF] =	sst s7;
	s24 =	smul.u32 $0x13C000, s3  }
0x8: {  	s7 =	sadd.s32 $0x2BC00, s0;
	s22 =	sshll.u32 s3, $0x7;
	s23 =	smul.u32 $0x2780, s2  }
0x9: {  	s5 =	sor.u32 s2, s5;
	s9 =	ssub.s32 $0x2, s2;
	s2 =	smul.u32 $0x9E000, s2  }
0xa: {  	v7 =	vlaneseq.u32;
	s11 =	sshll.u32 s3, $0xD;
	_ =	strace $0x80000050;
	s6 =	smul.u32 $0x2780, s5  }
0xb: {  	v1 =	vmov s22;
	v0 =	vor.u32 s22, v7;
	s22 =	simm.s32 $0x8F00;
	s21 =	sshrl.u32 s9, $0x1;
	s12 =	smul.u32 $0x9E000, s5  }
0xc: {  	s5 =	smul.u32 $0x13C00, s5;
	s2 =	sadd.s32 s2, s24;
	s24 =	simm.s32 $0x5  }
0xd: {  	s20 =	sshrl.u32 s6, $0x3;
	s6 =	sadd.s32 $0x17C00, s0;
	s12 =	sshrl.u32 s12, $0x3  }
0xe: {  	s5 =	sadd.s32 s7, s5;
	s2 =	sadd.s32 $0x4000, s2;
	s8 =	sadd.s32 s20, s0  }
0xf: {  	s0 =	ssub.s32 s9, s21;
	s25 =	sadd.s32 s7, s12;
	s31 =	sadd.s32 $0x400, s5  }
0x10: {  	[dreg:$0xb] =	wrdreg s2;
	s20 =	simm.s32 $0x80;
	s21 =	simm.s32 $0x4F00  }
0x11: {  	s2 =	simm.s32 $0x2;
	s5 =	simm.s32 $0x0;
	[dreg:$0x7] =	wrdreg s25  }
0x12: {  	v2 =	vor.u32 $0x10, v1;
	v3 =	vor.u32 $0x20, v1;
	v4 =	vor.u32 $0x30, v1;
	s10 =	sadd.s32 $0x4000, s8;
	s8 =	sadd.s32 $0xDE00, s8;
	[dreg:$0xa] =	wrdreg s31  }
0x13: {  	v5 =	vor.u32 $0x40, v1;
	v6 =	vor.u32 $0x50, v1;
	v2 =	vbroadcast v2, $0x0;
	s3 =	sadd.s32 $0x13800, s25;
	s0 =	smax.u32 s0, $0x1;
	[dreg:$0x5] =	wrdreg s10  }
0x14: {  	v8 =	vor.u32 $0x60, v1;
	v3 =	vbroadcast v3, $0x0;
	v4 =	vbroadcast v4, $0x0;
	s25 =	simm.s32 $0xAF00;
	[dreg:$0x6] =	wrdreg s8;
	s8 =	sadd.s32 s23, s13  }
0x15: {  	v9 =	vor.u32 $0x70, v1;
	v5 =	vbroadcast v5, $0x0;
	v6 =	vbroadcast v6, $0x0;
	s10 =	sadd.s32 s11, s4;
	s4 =	smov.u32 s14;
	s26 =	sshll.u32 s8, $0x3  }
0x16: {  	v8 =	vbroadcast v8, $0x0;
	v9 =	vbroadcast v9, $0x0;
	v1 =	vor.u32 v7, v2;
	s11 =	sadd.s32 s11, s14;
	[dreg:$0x9] =	wrdreg s0;
	s0 =	sadd.s32 s7, s26  }
0x17: {  	v2 =	vor.u32 v7, v3;
	v3 =	vor.u32 v7, v4;
	v4 =	vor.u32 v7, v5;
	[dreg:$0x8] =	wrdreg s3;
	s23 =	simm.s32 $0x6F00;
	s0 =	sadd.s32 $0xC00, s0  }
0x18: {  	v5 =	vor.u32 v7, v6;
	v6 =	vor.u32 v7, v8;
	v7 =	vor.u32 v7, v9;
	s26 =	simm.s32 $0x1;
	[dreg:$0xc] =	wrdreg s0;
	s0 =	simm.s32 $0x4  }
.LBB2_1:
0x19: {  	[tilespmem:$0xCF00] =	vst v0  }
0x1a: {  	[tilespmem:$0xCF10] =	vst v1  }
0x1b: {  	[tilespmem:$0xCF20] =	vst v2  }
0x1c: {  	[tilespmem:$0xCF30] =	vst v3  }
0x1d: {  	[tilespmem:$0xCF40] =	vst v4  }
0x1e: {  	[tilespmem:$0xCF50] =	vst v5  }
0x1f: {  	[dreg:$0xd] =	wrdreg s5;
	[tilespmem:$0xCF60] =	vst v6  }
0x20: {  	[tilespmem:$0xCF70] =	vst v7;
	s3 =	simm.s32 $0x0;
	s12 =	rddreg [dreg:$0x5]  }
0x21: {  	[tilespmem:s3], [sflag:$0x7] =	stream.linear.gather [hbm4b:s12+s3], $0x2780, $0x38;
	[tilespmem:$0x10F80] =	vst v63  }
0x22: {  	_ =	swait.ge [sflag:s18], $0x2780  }
0x23: {  	[sflag:s18] =	ssyncset.done $0x0  }
0x24: {  	s8 =	simm.s32 $0x2780;
	s13 =	rddreg [dreg:$0x6];
	[sflag:s18] =	ssyncadd.s32 $0xFFFFD880  }
0x25: {  	[tilespmem:s8], [sflag:$0x7] =	stream.linear.gather [hbm4b:s13+s3], $0x2780, $0x38;
	[tilespmem:$0x10F80] =	vst v63  }
0x26: {  	_ =	swait.ge [sflag:s18], $0x2780  }
0x27: {  	[sflag:s18] =	ssyncset.done $0x0  }
0x28: {  	[sflag:s18] =	ssyncadd.s32 $0xFFFFD880  }
0x29: {  	[tilespmem:s21], [sflag:$0x1] =	stream.indirect.gather [hbm4b:s1+s20], $0x40, s3, s20, $0xb8;
	[tilespmem:$0x10F80] =	vst v63  }
0x2a: {  	_ = 	snop  }
0x2b: {  	[tilespmem:s22], [sflag:$0x3] =	stream.indirect.gather [hbm4b:s6+s20], $0x40, s8, s20, $0xb8;
	[tilespmem:$0x10F80] =	vst v63  }
0x2c: {  	_ = 	snop  }
0x2d: {  	[tilespmem:s23], [sflag:$0x2] =	stream.indirect.gather [hbm4b:s1+s20], $0x40, s20, s20, $0xb8;
	[tilespmem:$0x10F80] =	vst v63  }
0x2e: {  	s14 =	simm.s32 $0x2800  }
0x2f: {  	[tilespmem:s25], [sflag:$0x4] =	stream.indirect.gather [hbm4b:s6+s20], $0x40, s14, s20, $0xb8;
	[tilespmem:$0x10F80] =	vst v63  }
0x30: {  	_ =	swait.ge [sflag:s26], $0x2000  }
0x31: {  	[sflag:s26] =	ssyncset.done $0x0  }
0x32: {  	[sflag:s26] =	ssyncadd.s32 $0xFFFFE000  }
0x33: {  	_ =	swait.ge [sflag:s28], $0x2000  }
0x34: {  	[sflag:s28] =	ssyncset.done $0x0  }
0x35: {  	[sflag:s28] =	ssyncadd.s32 $0xFFFFE000  }
0x36: {  	[spmem:s10] =	stream.linear.scatter [tilespmem:s21], [sflag:$0x7], $0x2000, $0x38;
	[tilespmem:$0x10F80] =	vst v63  }
0x37: {  	_ =	swait.ge [sflag:s18], $0x2000  }
0x38: {  	[sflag:s18] =	ssyncset.done $0x0  }
0x39: {  	[sflag:s18] =	ssyncadd.s32 $0xFFFFE000  }
0x3a: {  	s12 =	rddreg [dreg:$0x2]  }
0x3b: {  	[spmem:s12] =	stream.indirect.scatter.add.f32 [tilespmem:s22], [sflag:$0x7], $0x40, s29, s20, $0xb8;
	[tilespmem:$0x10F80] =	vst v63  }
0x3c: {  	s15 =	stileid.u32;
	s9 =	sshrl.u32 s10, $0x3;
	_ =	swait.ge [sflag:s18], $0x2000  }
0x3d: {  	s19 =	simm.s32 $0x100;
	s16 =	sshll.u32 s15, $0x6;
	[sflag:s18] =	ssyncset.done $0x0  }
0x3e: {  	s8 =	sor.u32 $0x1C05, s16;
	s17 =	rddreg [dreg:$0x7];
	[sflag:s18] =	ssyncadd.s32 $0xFFFFE000  }
0x3f: {  	[hbm:s17], [sflag:s8] =	dma.local [spmem:s9], $0x400  }
0x40: {  	[tilespmem:s21], [sflag:$0x1] =	stream.indirect.gather [hbm4b:s1+s20], $0x40, s19, s20, $0xb8;
	[tilespmem:$0x10F80] =	vst v63  }
0x41: {  	s31 =	simm.s32 $0x2880  }
0x42: {  	[tilespmem:s22], [sflag:$0x3] =	stream.indirect.gather [hbm4b:s6+s20], $0x40, s31, s20, $0xb8;
	[tilespmem:$0x10F80] =	vst v63  }
0x43: {  	_ =	swait.ge [sflag:s2], $0x2000  }
0x44: {  	[sflag:s2] =	ssyncset.done $0x0  }
0x45: {  	[sflag:s2] =	ssyncadd.s32 $0xFFFFE000  }
0x46: {  	_ =	swait.ge [sflag:s0], $0x2000  }
0x47: {  	[sflag:s0] =	ssyncset.done $0x0  }
0x48: {  	[sflag:s0] =	ssyncadd.s32 $0xFFFFE000  }
0x49: {  	[spmem:s11] =	stream.linear.scatter [tilespmem:s23], [sflag:$0x7], $0x2000, $0x38;
	[tilespmem:$0x10F80] =	vst v63  }
0x4a: {  	_ =	swait.ge [sflag:s18], $0x2000  }
0x4b: {  	[sflag:s18] =	ssyncset.done $0x0  }
0x4c: {  	[sflag:s18] =	ssyncadd.s32 $0xFFFFE000  }
0x4d: {  	[spmem:s4] =	stream.indirect.scatter.add.f32 [tilespmem:s25], [sflag:$0x7], $0x40, s29, s20, $0xb8;
	[tilespmem:$0x10F80] =	vst v63  }
0x4e: {  	_ =	swait.ge [sflag:s18], $0x2000  }
0x4f: {  	s15 =	simm.s32 $0x180;
	s13 =	sor.u32 $0x1C06, s16;
	[sflag:s18] =	ssyncset.done $0x0  }
0x50: {  	s14 =	sshrl.u32 s11, $0x3;
	s3 =	rddreg [dreg:$0xa];
	[sflag:s18] =	ssyncadd.s32 $0xFFFFE000  }
0x51: {  	[hbm:s3], [sflag:s13] =	dma.local [spmem:s14], $0x400  }
0x52: {  	[tilespmem:s23], [sflag:$0x2] =	stream.indirect.gather [hbm4b:s1+s20], $0x40, s15, s20, $0xb8;
	[tilespmem:$0x10F80] =	vst v63  }
0x53: {  	s16 =	simm.s32 $0x2900  }
0x54: {  	[tilespmem:s25], [sflag:$0x4] =	stream.indirect.gather [hbm4b:s6+s20], $0x40, s16, s20, $0xb8;
	[tilespmem:$0x10F80] =	vst v63  }
0x55: {  	_ =	swait.ge [sflag:s26], $0x2000  }
0x56: {  	[sflag:s26] =	ssyncset.done $0x0  }
0x57: {  	[sflag:s26] =	ssyncadd.s32 $0xFFFFE000  }
0x58: {  	_ =	swait.ge [sflag:s28], $0x2000  }
0x59: {  	[sflag:s28] =	ssyncset.done $0x0  }
0x5a: {  	[sflag:s28] =	ssyncadd.s32 $0xFFFFE000  }
0x5b: {  	_ =	swait.ge [sflag:s24], $0x400  }
0x5c: {  	[sflag:s24] =	ssyncset.done $0x0  }
0x5d: {  	[sflag:s24] =	ssyncadd.s32 $0xFFFFFC00  }
0x5e: {  	[spmem:s10] =	stream.linear.scatter [tilespmem:s21], [sflag:$0x7], $0x2000, $0x38;
	[tilespmem:$0x10F80] =	vst v63  }
0x5f: {  	_ =	swait.ge [sflag:s18], $0x2000  }
0x60: {  	[sflag:s18] =	ssyncset.done $0x0  }
0x61: {  	[sflag:s18] =	ssyncadd.s32 $0xFFFFE000  }
0x62: {  	[spmem:s12] =	stream.indirect.scatter.add.f32 [tilespmem:s22], [sflag:$0x7], $0x40, s29, s20, $0xb8;
	[tilespmem:$0x10F80] =	vst v63  }
0x63: {  	_ =	swait.ge [sflag:s18], $0x2000  }
0x64: {  	s15 =	rddreg [dreg:$0xb]  }
0x65: {  	[sflag:s18] =	ssyncset.done $0x0;
	s17 =	sshrl.u32 s15, $0x3  }
0x66: {  	s19 =	simm.s32 $0x200;
	[sflag:s18] =	ssyncadd.s32 $0xFFFFE000;
	s5 =	sadd.s32 s7, s17  }
0x67: {  	[hbm:s5], [sflag:s8] =	dma.local [spmem:s9], $0x400  }
0x68: {  	[tilespmem:s21], [sflag:$0x1] =	stream.indirect.gather [hbm4b:s1+s20], $0x40, s19, s20, $0xb8;
	[tilespmem:$0x10F80] =	vst v63  }
0x69: {  	s31 =	simm.s32 $0x2980  }
0x6a: {  	[tilespmem:s22], [sflag:$0x3] =	stream.indirect.gather [hbm4b:s6+s20], $0x40, s31, s20, $0xb8;
	[tilespmem:$0x10F80] =	vst v63  }
0x6b: {  	_ =	swait.ge [sflag:s2], $0x2000  }
0x6c: {  	[sflag:s2] =	ssyncset.done $0x0  }
0x6d: {  	[sflag:s2] =	ssyncadd.s32 $0xFFFFE000  }
0x6e: {  	_ =	swait.ge [sflag:s0], $0x2000  }
0x6f: {  	[sflag:s0] =	ssyncset.done $0x0  }
0x70: {  	[sflag:s0] =	ssyncadd.s32 $0xFFFFE000  }
0x71: {  	_ =	swait.ge [sflag:s30], $0x400  }
0x72: {  	[sflag:s30] =	ssyncset.done $0x0  }
0x73: {  	[sflag:s30] =	ssyncadd.s32 $0xFFFFFC00  }
0x74: {  	[spmem:s11] =	stream.linear.scatter [tilespmem:s23], [sflag:$0x7], $0x2000, $0x38;
	[tilespmem:$0x10F80] =	vst v63  }
0x75: {  	_ =	swait.ge [sflag:s18], $0x2000  }
0x76: {  	[sflag:s18] =	ssyncset.done $0x0  }
0x77: {  	[sflag:s18] =	ssyncadd.s32 $0xFFFFE000  }
0x78: {  	[spmem:s4] =	stream.indirect.scatter.add.f32 [tilespmem:s25], [sflag:$0x7], $0x40, s29, s20, $0xb8;
	[tilespmem:$0x10F80] =	vst v63  }
0x79: {  	_ =	swait.ge [sflag:s18], $0x2000  }
0x7a: {  	s16 =	simm.s32 $0x800;
	s15 =	sadd.s32 $0x4000, s15;
	s17 =	rddreg [dreg:$0xc]  }
0x7b: {  	s19 =	simm.s32 $0x100;
	[sflag:s18] =	ssyncset.done $0x0;
	s12 =	sadd.s32 $0x800, s17  }
.LBB2_2:
0x7c: {  	s3 =	sadd.s32 $0x180, s19;
	[sflag:s18] =	ssyncadd.s32 $0xFFFFE000;
	s5 =	smov.u32 s16  }
0x7d: {  	[hbm:s17], [sflag:s13] =	dma.local [spmem:s14], $0x400  }
0x7e: {  	[tilespmem:s23], [sflag:$0x2] =	stream.indirect.gather [hbm4b:s1+s20], $0x40, s3, s20, $0xb8;
	[tilespmem:$0x10F80] =	vst v63  }
0x7f: {  	s31 =	sadd.s32 $0x400, s16;
	p0 =	sne.s32 s16, $0x9400;
	s16 =	sadd.s32 $0x2900, s19  }
0x80: {  	[tilespmem:s25], [sflag:$0x4] =	stream.indirect.gather [hbm4b:s6+s20], $0x40, s16, s20, $0xb8;
	[tilespmem:$0x10F80] =	vst v63  }
0x81: {  	_ =	swait.ge [sflag:s26], $0x2000  }
0x82: {  	[sflag:s26] =	ssyncset.done $0x0  }
0x83: {  	[sflag:s26] =	ssyncadd.s32 $0xFFFFE000  }
0x84: {  	_ =	swait.ge [sflag:s28], $0x2000  }
0x85: {  	[sflag:s28] =	ssyncset.done $0x0  }
0x86: {  	[sflag:s28] =	ssyncadd.s32 $0xFFFFE000  }
0x87: {  	_ =	swait.ge [sflag:s24], $0x400  }
0x88: {  	[sflag:s24] =	ssyncset.done $0x0  }
0x89: {  	[sflag:s24] =	ssyncadd.s32 $0xFFFFFC00  }
0x8a: {  	[spmem:s10] =	stream.linear.scatter [tilespmem:s21], [sflag:$0x7], $0x2000, $0x38;
	[tilespmem:$0x10F80] =	vst v63  }
0x8b: {  	_ =	swait.ge [sflag:s18], $0x2000  }
0x8c: {  	[sflag:s18] =	ssyncset.done $0x0  }
0x8d: {  	[sflag:s18] =	ssyncadd.s32 $0xFFFFE000  }
0x8e: {  	s16 =	rddreg [dreg:$0x2]  }
0x8f: {  	[spmem:s16] =	stream.indirect.scatter.add.f32 [tilespmem:s22], [sflag:$0x7], $0x40, s29, s20, $0xb8;
	[tilespmem:$0x10F80] =	vst v63  }
0x90: {  	_ =	swait.ge [sflag:s18], $0x2000  }
0x91: {  	s16 =	sshrl.u32 s15, $0x3;
	[sflag:s18] =	ssyncset.done $0x0  }
0x92: {  	s3 =	sadd.s32 s7, s16;
	s16 =	sadd.s32 $0x200, s19;
	[sflag:s18] =	ssyncadd.s32 $0xFFFFE000  }
0x93: {  	[hbm:s3], [sflag:s8] =	dma.local [spmem:s9], $0x400  }
0x94: {  	[tilespmem:s21], [sflag:$0x1] =	stream.indirect.gather [hbm4b:s1+s20], $0x40, s16, s20, $0xb8;
	[tilespmem:$0x10F80] =	vst v63  }
0x95: {  	s19 =	sadd.s32 $0x2980, s19  }
0x96: {  	[tilespmem:s22], [sflag:$0x3] =	stream.indirect.gather [hbm4b:s6+s20], $0x40, s19, s20, $0xb8;
	[tilespmem:$0x10F80] =	vst v63  }
0x97: {  	_ =	swait.ge [sflag:s2], $0x2000  }
0x98: {  	[sflag:s2] =	ssyncset.done $0x0  }
0x99: {  	[sflag:s2] =	ssyncadd.s32 $0xFFFFE000  }
0x9a: {  	_ =	swait.ge [sflag:s0], $0x2000  }
0x9b: {  	[sflag:s0] =	ssyncset.done $0x0  }
0x9c: {  	[sflag:s0] =	ssyncadd.s32 $0xFFFFE000  }
0x9d: {  	_ =	swait.ge [sflag:s30], $0x400  }
0x9e: {  	[sflag:s30] =	ssyncset.done $0x0  }
0x9f: {  	[sflag:s30] =	ssyncadd.s32 $0xFFFFFC00  }
0xa0: {  	[spmem:s11] =	stream.linear.scatter [tilespmem:s23], [sflag:$0x7], $0x2000, $0x38;
	[tilespmem:$0x10F80] =	vst v63  }
0xa1: {  	_ =	swait.ge [sflag:s18], $0x2000  }
.Ltmp0:
0xa2: {  	[sflag:s18] =	ssyncset.done $0x0;
	(pc) =	sbr.rel @p0 .LBB2_2-.Ltmp0, $4  }
0xa3: {  	s17 =	smov.u32 s12;
	[sflag:s18] =	ssyncadd.s32 $0xFFFFE000  }
0xa4: {  	[spmem:s4] =	stream.indirect.scatter.add.f32 [tilespmem:s25], [sflag:$0x7], $0x40, s29, s20, $0xb8;
	[tilespmem:$0x10F80] =	vst v63  }
0xa5: {  	s12 =	sadd.s32 $0x800, s12;
	s15 =	sadd.s32 $0x4000, s15;
	_ =	swait.ge [sflag:s18], $0x2000  }
0xa6: {  	s16 =	smov.u32 s31;
	s19 =	sshra.s32 s5, $0x2;
	[sflag:s18] =	ssyncset.done $0x0  }
0xa7: {  	[sflag:s18] =	ssyncadd.s32 $0xFFFFE000;
	s3 =	sadd.s32 $0x180, s19  }
0xa8: {  	[hbm:s17], [sflag:s13] =	dma.local [spmem:s14], $0x400  }
0xa9: {  	[tilespmem:s23], [sflag:$0x2] =	stream.indirect.gather [hbm4b:s1+s20], $0x40, s3, s20, $0xb8;
	[tilespmem:$0x10F80] =	vst v63  }
0xaa: {  	s17 =	sadd.s32 $0x2900, s19  }
0xab: {  	[tilespmem:s25], [sflag:$0x4] =	stream.indirect.gather [hbm4b:s6+s20], $0x40, s17, s20, $0xb8;
	[tilespmem:$0x10F80] =	vst v63  }
0xac: {  	_ =	swait.ge [sflag:s26], $0x2000  }
0xad: {  	[sflag:s26] =	ssyncset.done $0x0  }
0xae: {  	[sflag:s26] =	ssyncadd.s32 $0xFFFFE000  }
0xaf: {  	_ =	swait.ge [sflag:s28], $0x2000  }
0xb0: {  	[sflag:s28] =	ssyncset.done $0x0  }
0xb1: {  	[sflag:s28] =	ssyncadd.s32 $0xFFFFE000  }
0xb2: {  	_ =	swait.ge [sflag:s24], $0x400  }
0xb3: {  	[sflag:s24] =	ssyncset.done $0x0  }
0xb4: {  	[sflag:s24] =	ssyncadd.s32 $0xFFFFFC00  }
0xb5: {  	[spmem:s10] =	stream.linear.scatter [tilespmem:s21], [sflag:$0x7], $0x2000, $0x38;
	[tilespmem:$0x10F80] =	vst v63  }
0xb6: {  	_ =	swait.ge [sflag:s18], $0x2000  }
0xb7: {  	[sflag:s18] =	ssyncset.done $0x0  }
0xb8: {  	[sflag:s18] =	ssyncadd.s32 $0xFFFFE000  }
0xb9: {  	s5 =	rddreg [dreg:$0x2]  }
0xba: {  	[spmem:s5] =	stream.indirect.scatter.add.f32 [tilespmem:s22], [sflag:$0x7], $0x40, s29, s20, $0xb8;
	[tilespmem:$0x10F80] =	vst v63  }
0xbb: {  	_ =	swait.ge [sflag:s18], $0x2000  }
0xbc: {  	s31 =	sshrl.u32 s15, $0x3;
	[sflag:s18] =	ssyncset.done $0x0  }
0xbd: {  	s15 =	sadd.s32 $0x200, s19;
	s3 =	sadd.s32 s7, s31;
	[sflag:s18] =	ssyncadd.s32 $0xFFFFE000  }
0xbe: {  	[hbm:s3], [sflag:s8] =	dma.local [spmem:s9], $0x400  }
0xbf: {  	[tilespmem:s21], [sflag:$0x1] =	stream.indirect.gather [hbm4b:s1+s20], $0x40, s15, s20, $0xb8;
	[tilespmem:$0x10F80] =	vst v63  }
0xc0: {  	s16 =	sadd.s32 $0x2980, s19  }
0xc1: {  	[tilespmem:s22], [sflag:$0x3] =	stream.indirect.gather [hbm4b:s6+s20], $0x40, s16, s20, $0xb8;
	[tilespmem:$0x10F80] =	vst v63  }
0xc2: {  	_ =	swait.ge [sflag:s2], $0x2000  }
0xc3: {  	[sflag:s2] =	ssyncset.done $0x0  }
0xc4: {  	[sflag:s2] =	ssyncadd.s32 $0xFFFFE000  }
0xc5: {  	_ =	swait.ge [sflag:s0], $0x2000  }
0xc6: {  	[sflag:s0] =	ssyncset.done $0x0  }
0xc7: {  	[sflag:s0] =	ssyncadd.s32 $0xFFFFE000  }
0xc8: {  	_ =	swait.ge [sflag:s30], $0x400  }
0xc9: {  	[sflag:s30] =	ssyncset.done $0x0  }
0xca: {  	[sflag:s30] =	ssyncadd.s32 $0xFFFFFC00  }
0xcb: {  	[spmem:s11] =	stream.linear.scatter [tilespmem:s23], [sflag:$0x7], $0x2000, $0x38;
	[tilespmem:$0x10F80] =	vst v63  }
0xcc: {  	_ =	swait.ge [sflag:s18], $0x2000  }
0xcd: {  	[sflag:s18] =	ssyncset.done $0x0  }
0xce: {  	[sflag:s18] =	ssyncadd.s32 $0xFFFFE000  }
0xcf: {  	[spmem:s4] =	stream.indirect.scatter.add.f32 [tilespmem:s25], [sflag:$0x7], $0x40, s29, s20, $0xb8;
	[tilespmem:$0x10F80] =	vst v63  }
0xd0: {  	_ =	swait.ge [sflag:s18], $0x2000  }
0xd1: {  	[sflag:s18] =	ssyncset.done $0x0  }
0xd2: {  	[sflag:s18] =	ssyncadd.s32 $0xFFFFE000  }
0xd3: {  	[hbm:s12], [sflag:s13] =	dma.local [spmem:s14], $0x400  }
0xd4: {  	_ =	swait.ge [sflag:s26], $0x2000  }
0xd5: {  	[sflag:s26] =	ssyncset.done $0x0  }
0xd6: {  	[sflag:s26] =	ssyncadd.s32 $0xFFFFE000  }
0xd7: {  	_ =	swait.ge [sflag:s28], $0x2000  }
0xd8: {  	[sflag:s28] =	ssyncset.done $0x0  }
0xd9: {  	[sflag:s28] =	ssyncadd.s32 $0xFFFFE000  }
0xda: {  	_ =	swait.ge [sflag:s24], $0x400  }
0xdb: {  	[sflag:s24] =	ssyncset.done $0x0  }
0xdc: {  	[sflag:s24] =	ssyncadd.s32 $0xFFFFFC00  }
0xdd: {  	[spmem:s10] =	stream.linear.scatter [tilespmem:s21], [sflag:$0x7], $0x2000, $0x38;
	[tilespmem:$0x10F80] =	vst v63  }
0xde: {  	_ =	swait.ge [sflag:s18], $0x2000  }
0xdf: {  	[sflag:s18] =	ssyncset.done $0x0  }
0xe0: {  	[sflag:s18] =	ssyncadd.s32 $0xFFFFE000  }
0xe1: {  	[spmem:s5] =	stream.indirect.scatter.add.f32 [tilespmem:s22], [sflag:$0x7], $0x40, s29, s20, $0xb8;
	[tilespmem:$0x10F80] =	vst v63  }
0xe2: {  	_ =	swait.ge [sflag:s18], $0x2000  }
0xe3: {  	[sflag:s18] =	ssyncset.done $0x0  }
0xe4: {  	s17 =	rddreg [dreg:$0x8];
	[sflag:s18] =	ssyncadd.s32 $0xFFFFE000  }
0xe5: {  	[hbm:s17], [sflag:s8] =	dma.local [spmem:s9], $0x400  }
0xe6: {  	_ =	swait.ge [sflag:s30], $0x400  }
0xe7: {  	[sflag:s30] =	ssyncset.done $0x0  }
0xe8: {  	[sflag:s30] =	ssyncadd.s32 $0xFFFFFC00  }
0xe9: {  	_ =	swait.ge [sflag:s24], $0x400  }
0xea: {  	s19 =	rddreg [dreg:$0xd]  }
0xeb: {  	s31 =	rddreg [dreg:$0x9];
	s5 =	sadd.s32 $0x1, s19  }
0xec: {  	p0 =	sne.s32 s5, s31  }
.Ltmp1:
0xed: {  	_ = 	snop;
	(pc) =	sbr.rel @p0 .LBB2_1-.Ltmp1, $3  }
0xee: {  	_ =	sdelay $0x1  }
0xef: {  	[sflag:s24] =	ssyncset.done $0x0  }
0xf0: {  	[sflag:s24] =	ssyncadd.s32 $0xFFFFFC00  }
0xf1: {  	_ =	sfence.sel $0x180000  }
0xf2: {  	[bflag:$0x0] =	sbarrier.arrive $0xFFFF  }
0xf3: {  	_ =	strace $0x90000050  }
0xf4: {  	s0 =	stileid.u32;
	[bflag:$0x2] =	sbarrier.arrive $0xFFFF  }
0xf5: {  	p0 =	sne.s32 s0, $0x0;
	s0 =	rddreg [dreg:$0x4]  }
0xf6: {  	s0 =	sadd.s32 @!p0 $0x100000, s0  }
0xf7: {  	[sflag:s0] =	ssyncadd.tile.s32 @!p0 $0x1;
	_ =	shalt  }
.Lfunc_end2:
_tile_overlayer_lowered:
.L_overlay_start_2:
0xf8: {  	(tag) =	ssettag $0x2  }
0xf9: {  	s0 =	rddreg [dreg:$0x0];
	s2 =	stileid.u32  }
0xfa: {  	s1 =	rddreg [dreg:$0x1];
	p0 =	sne.s32 s2, $0x0  }
0xfb: {  	s3 =	rddreg [dreg:$0x2];
	[bflag:$0x3] =	sbarrier.arrive $0xFFFF;
	s2 =	simm.s32 @!p0 $0x1C07  }
0xfc: {  	[timem:s3], [sflag:s2] =	dma.local @!p0 [hbm:s0], s1  }
0xfd: {  	s0 =	simm.s32 @!p0 $0x7  }
0xfe: {  	_ =	swait.ge @!p0 [sflag:s0], s1  }
0xff: {  	s1 =	ssub.s32 @!p0 $0x0, s1;
	[sflag:s0] =	ssyncset.done @!p0 $0x0  }
0x100: {  	[sflag:s0] =	ssyncadd.s32 @!p0 s1  }
0x101: {  	[bflag:$0x3] =	sbarrier.arrive $0xFFFF  }
0x102: {  	_ =	shalt  }

</sc_bundles>
